<compile_context>
chip_gen: v7x
topology: tpu7x:2x2x1
jax: 0.10.2.dev20260603
libtpu: 0.0.44.dev20260713+nightly
codegen_flags: <defaults>
</compile_context>

<pallas_src>
import functools

import jax
import jax.numpy as jnp
from jax import lax
from jax.experimental import pallas as pl
from jax.experimental.pallas import tpu as pltpu
from jax.experimental.pallas import tpu_sc as plsc

_IOU_T = 0.5
_SCORE_T = 0.5
_MAXDET = 100
_N = 20000
_LANES = 128
_ROWS = 160
_NP = _ROWS * _LANES
_B = 4
_NCLS = 80

_SC_CORES = 2
_SC_SUBCORES = 16
_SC_WORKERS = _SC_CORES * _SC_SUBCORES
_GIDX = 512


def _nms_body(cx_ref, cy_ref, w_ref, h_ref, s_ref, out_ref, cnt_ref):
    cx = cx_ref[...]
    cy = cy_ref[...]
    hw = w_ref[...] / 2.0
    hh = h_ref[...] / 2.0
    x1 = cx - hw
    y1 = cy - hh
    x2 = cx + hw
    y2 = cy + hh
    area = (x2 - x1) * (y2 - y1)
    s = s_ref[...]
    neg = jnp.float32(-jnp.inf)
    masked0 = jnp.where(s >= _SCORE_T, s, neg)
    lane = lax.broadcasted_iota(jnp.int32, (_B, 1, _LANES), 2)

    nch = _ROWS // 8
    row8 = lax.broadcasted_iota(jnp.int32, (_B, 8, 1), 1)

    def chunk(a, c):
        return lax.slice_in_dim(a, c * 8, (c + 1) * 8, axis=1)

    def body(i, carry):
        masked, m1, cnt = carry
        m = jnp.max(m1, axis=2, keepdims=True)
        mr = jnp.full((_B, 8, _LANES), _ROWS, jnp.int32)
        for c in range(nch):
            mr = jnp.minimum(
                mr, jnp.where(chunk(masked, c) == m, row8 + c * 8, _ROWS))
        minrow = jnp.min(mr, axis=1, keepdims=True)
        comb = minrow * _LANES + lane
        bi = jnp.min(comb, axis=2, keepdims=True)
        bi_row = lax.shift_right_logical(bi, 7)
        bi_lane = lax.bitwise_and(bi, _LANES - 1)
        lanemask = lane == bi_lane
        ax1 = jnp.zeros((_B, 8, _LANES), jnp.float32)
        ay1 = jnp.zeros((_B, 8, _LANES), jnp.float32)
        ax2 = jnp.zeros((_B, 8, _LANES), jnp.float32)
        ay2 = jnp.zeros((_B, 8, _LANES), jnp.float32)
        for c in range(nch):
            rm = (row8 + c * 8) == bi_row
            ax1 = ax1 + jnp.where(rm, chunk(x1, c), 0.0)
            ay1 = ay1 + jnp.where(rm, chunk(y1, c), 0.0)
            ax2 = ax2 + jnp.where(rm, chunk(x2, c), 0.0)
            ay2 = ay2 + jnp.where(rm, chunk(y2, c), 0.0)
        x1r = jnp.sum(ax1, axis=1, keepdims=True)
        y1r = jnp.sum(ay1, axis=1, keepdims=True)
        x2r = jnp.sum(ax2, axis=1, keepdims=True)
        y2r = jnp.sum(ay2, axis=1, keepdims=True)
        bx1 = jnp.sum(jnp.where(lanemask, x1r, 0.0), axis=2, keepdims=True)
        by1 = jnp.sum(jnp.where(lanemask, y1r, 0.0), axis=2, keepdims=True)
        bx2 = jnp.sum(jnp.where(lanemask, x2r, 0.0), axis=2, keepdims=True)
        by2 = jnp.sum(jnp.where(lanemask, y2r, 0.0), axis=2, keepdims=True)
        barea = (bx2 - bx1) * (by2 - by1)
        outs = []
        m1n = jnp.full((_B, 8, _LANES), neg, jnp.float32)
        for c in range(nch):
            cx1 = chunk(x1, c)
            cy1 = chunk(y1, c)
            cx2 = chunk(x2, c)
            cy2 = chunk(y2, c)
            xx1 = jnp.maximum(bx1, cx1)
            yy1 = jnp.maximum(by1, cy1)
            xx2 = jnp.minimum(bx2, cx2)
            yy2 = jnp.minimum(by2, cy2)
            inter = (jnp.maximum(xx2 - xx1, 0.0)
                     * jnp.maximum(yy2 - yy1, 0.0))
            iou = inter / (barea + chunk(area, c) - inter + 1e-9)
            onehot = ((row8 + c * 8) == bi_row) & lanemask
            nm = jnp.where((iou > _IOU_T) | onehot, neg, chunk(masked, c))
            m1n = jnp.maximum(m1n, nm)
            outs.append(nm)
        new_masked = jnp.concatenate(outs, axis=1)
        m1n = jnp.max(m1n, axis=1, keepdims=True)
        flag = m >= _SCORE_T
        row = jnp.where(lane == 0, bx1, 0.0)
        row = jnp.where(lane == 1, by1, row)
        row = jnp.where(lane == 2, bx2, row)
        row = jnp.where(lane == 3, by2, row)
        row = jnp.where(lane == 4, m, row)
        row = jnp.where(lane == 5, bi.astype(jnp.float32), row)
        row = jnp.where(lane == 6, 1.0, row)
        row = jnp.where(flag, row, 0.0)
        out_ref[:, pl.ds(i, 1), :] = row
        cnt = cnt + jnp.where(flag, 1, 0).astype(jnp.int32)
        return new_masked, m1n, cnt

    cnt0 = jnp.zeros((_B, 1, 1), jnp.int32)
    m10 = jnp.max(masked0, axis=1, keepdims=True)
    _, _, cnt = lax.fori_loop(0, _MAXDET, body, (masked0, m10, cnt0))
    cnt_ref[...] = jnp.broadcast_to(cnt, (_B, 8, _LANES))


_nms_call = pl.pallas_call(
    _nms_body,
    out_shape=[
        jax.ShapeDtypeStruct((_B, 104, _LANES), jnp.float32),
        jax.ShapeDtypeStruct((_B, 8, _LANES), jnp.int32),
    ],
)


def _sc_gather(table, gidx):
    bpw = _GIDX // _SC_WORKERS
    mesh = plsc.VectorSubcoreMesh(core_axis_name="c", subcore_axis_name="s")

    @functools.partial(
        pl.kernel,
        mesh=mesh,
        out_type=jax.ShapeDtypeStruct((_GIDX, _NCLS), jnp.float32),
        scratch_types=[
            pltpu.VMEM((bpw,), jnp.int32),
            pltpu.VMEM((bpw, _NCLS), jnp.float32),
            pltpu.SemaphoreType.DMA,
        ],
    )
    def k(table_hbm, idx_hbm, out_hbm, idx_v, rows_v, sem):
        wid = lax.axis_index("s") * _SC_CORES + lax.axis_index("c")
        base = wid * bpw
        pltpu.sync_copy(idx_hbm.at[pl.ds(base, bpw)], idx_v)
        idxv = idx_v[...]
        copies = []
        for t in range(bpw):
            n = idxv[t]
            cp = pltpu.make_async_copy(
                table_hbm.at[pl.ds(n, 1), :], rows_v.at[pl.ds(t, 1), :], sem)
            cp.start()
            copies.append(cp)
        for cp in copies:
            cp.wait()
        pltpu.sync_copy(rows_v, out_hbm.at[pl.ds(base, bpw)])

    return k(table, gidx)


def kernel(boxes, objectness, class_prob):
    pad = _NP - _N

    def prep(a):
        return jnp.pad(a, ((0, 0), (0, pad))).reshape(_B, _ROWS, _LANES)

    out_vals, cnt = _nms_call(
        prep(boxes[..., 0]),
        prep(boxes[..., 1]),
        prep(boxes[..., 2]),
        prep(boxes[..., 3]),
        prep(objectness[..., 0]),
    )
    sel = out_vals[:, :_MAXDET, :]
    nms_boxes = sel[..., 0:4]
    nms_scores = sel[..., 4:5]
    idx = sel[..., 5].astype(jnp.int32)
    flag = sel[..., 6:7]
    valid_count = cnt[:, 0, 0:1]

    table = class_prob.reshape(_B * _N, _NCLS)
    gidx = (idx + jnp.arange(_B, dtype=jnp.int32)[:, None] * _N).reshape(-1)
    gidx = jnp.pad(gidx, (0, _GIDX - _B * _MAXDET))
    rows = _sc_gather(table, gidx)
    nms_classes = rows[: _B * _MAXDET].reshape(_B, _MAXDET, _NCLS) * flag
    return nms_boxes, nms_scores, nms_classes, valid_count

# --- scband reference (transcript-rebuilt; emitter-appended) ---
"""Pipeline reference for scband-postprocess-11029476016670 (READ-ONLY COPY).

The authoritative reference and input builder live on the scoring server;
editing this copy changes nothing except your own understanding.
"""

import jax, jax.numpy as jnp
import numpy as np

IOU_THRESHOLD = 0.5
SCORE_THRESHOLD = 0.5
MAX_DETECTION = 100


def xywh_to_x1x2y1y2(b):
    xy = b[..., 0:2]
    wh = b[..., 2:4]
    return jnp.concatenate([xy - wh / 2.0, xy + wh / 2.0], axis=-1)


def broadcast_iou(box, boxes):
    x1 = jnp.maximum(box[0], boxes[:, 0])
    y1 = jnp.maximum(box[1], boxes[:, 1])
    x2 = jnp.minimum(box[2], boxes[:, 2])
    y2 = jnp.minimum(box[3], boxes[:, 3])
    inter = jnp.clip(x2 - x1, 0.0) * jnp.clip(y2 - y1, 0.0)
    a1 = (box[2] - box[0]) * (box[3] - box[1])
    a2 = (boxes[:, 2] - boxes[:, 0]) * (boxes[:, 3] - boxes[:, 1])
    return inter / (a1 + a2 - inter + 1e-9)


def single_batch_nms(cand):
    # Fixed-shape (mask-based) greedy NMS, mathematically equivalent to the
    # original filter-and-shrink loop: instead of physically removing boxes we
    # invalidate them; argmax is taken over still-valid scores.
    D = cand.shape[-1]
    valid = cand[:, 4] >= SCORE_THRESHOLD
    outputs = jnp.zeros((MAX_DETECTION + 1, D), dtype=cand.dtype)
    count = jnp.zeros((), dtype=jnp.int32)
    for i in range(MAX_DETECTION):
        any_valid = jnp.any(valid)
        masked_scores = jnp.where(valid, cand[:, 4], -jnp.inf)
        best_idx = jnp.argmax(masked_scores)
        best_box = cand[best_idx]
        row = jnp.where(any_valid, best_box, jnp.zeros((D,), cand.dtype))
        outputs = outputs.at[i].set(row)
        count = count + jnp.where(any_valid, 1, 0).astype(jnp.int32)
        valid = valid.at[best_idx].set(False)
        iou = broadcast_iou(best_box[0:4], cand[:, 0:4])
        valid = valid & (iou <= IOU_THRESHOLD)
    outputs = outputs.at[MAX_DETECTION].set(jnp.full((D,), count.astype(cand.dtype)))
    return outputs


def setup_inputs(seed: int = 0):
    key = jax.random.key(seed)
    k1, k2, k3 = jax.random.split(key, 3)
    boxes = jax.random.uniform(k1, (4, 20000, 4), dtype=jnp.float32)
    objectness = jax.random.uniform(k2, (4, 20000, 1), dtype=jnp.float32)
    class_prob = jax.random.uniform(k3, (4, 20000, 80), dtype=jnp.float32)
    return {"boxes": boxes, "objectness": objectness, "class_prob": class_prob}


def reference(boxes, objectness, class_prob):
    # raw_yolo_output = [(boxes, objectness, class_prob)] (single scale),
    # already flattened to [B, N, *].
    b = xywh_to_x1x2y1y2(boxes)
    combined = jnp.concatenate([b, objectness, class_prob], axis=2)
    results = [single_batch_nms(combined[i]) for i in range(combined.shape[0])]
    final = jnp.stack([r[0:MAX_DETECTION] for r in results], axis=0)
    valid_count = jnp.stack([r[MAX_DETECTION, 0] for r in results], axis=0)[:, None]
    nms_boxes = final[..., 0:4]
    nms_scores = final[..., 4:5]
    nms_classes = final[..., 5:]
    return (nms_boxes, nms_scores, nms_classes, valid_count.astype(jnp.int32))

if __name__ == "__main__":
    import jax
    _d = setup_inputs()
    print(jax.jit(kernel)(*tuple(_d.values())))

</pallas_src>

<mosaic_0001>
#map = affine_map<(d0, d1) -> (0, 0)>
#map1 = affine_map<(d0, d1) -> (0)>
module attributes {stable_mosaic.version = 14 : i64} {
  func.func @k(%arg0: i32, %arg1: i32, %arg2: memref<80000x80xf32, #tpu.memory_space<hbm>>, %arg3: memref<512xi32, #tpu.memory_space<hbm>>, %arg4: memref<512x80xf32, #tpu.memory_space<hbm>>, %arg5: memref<16xi32, #tpu.memory_space<vmem>>, %arg6: memref<16x80xf32, #tpu.memory_space<vmem>>, %arg7: memref<!tpu.dma_semaphore, #tpu.memory_space<semaphore_mem>>) attributes {dimension_semantics = [#tpu.dimension_semantics<core_parallel>, #tpu.dimension_semantics<subcore_parallel>], iteration_bounds = array<i64: 2, 16>, scalar_prefetch = 0 : i64, scratch_operands = 3 : i64, tpu.core_type = #tpu.core_type<sc_vector_subcore>, window_params = [{transform_indices = #map}, {transform_indices = #map1}, {transform_indices = #map}]} {
    %mul3A = arith.constant 2 : i32
    %mul3A_0 = arith.muli %arg1, %mul3A : i32
    %add3A = arith.addi %mul3A_0, %arg0 : i32
    %mul3A_1 = arith.constant 16 : i32
    %mul3A_2 = arith.muli %add3A, %mul3A_1 : i32
    "tpu.region"() ({
      %run_scoped3A = tpu.sem_alloc : memref<!tpu.dma_semaphore, #tpu.memory_space<semaphore_mem>>
      %dma_start3A_353 = tpu.memref_slice %arg3[%mul3A_2] : memref<512xi32, #tpu.memory_space<hbm>> -> memref<16xi32, #tpu.memory_space<hbm>>
      %dma_start3A_354 = tpu.memref_slice %arg3[%mul3A_2] : memref<512xi32, #tpu.memory_space<hbm>> -> memref<16xi32, #tpu.memory_space<hbm>>
      tpu.enqueue_dma source(%dma_start3A_354 : memref<16xi32, #tpu.memory_space<hbm>>) target(%arg5 : memref<16xi32, #tpu.memory_space<vmem>>) target_semaphore(%run_scoped3A : memref<!tpu.dma_semaphore, #tpu.memory_space<semaphore_mem>>)
      %dma_wait3A_355 = tpu.memref_slice %arg3[%mul3A_2] : memref<512xi32, #tpu.memory_space<hbm>> -> memref<16xi32, #tpu.memory_space<hbm>>
      %dma_wait3A_356 = tpu.memref_slice %arg3[%mul3A_2] : memref<512xi32, #tpu.memory_space<hbm>> -> memref<16xi32, #tpu.memory_space<hbm>>
      tpu.wait_dma2 semaphore(%run_scoped3A : memref<!tpu.dma_semaphore, #tpu.memory_space<semaphore_mem>>) src(%dma_wait3A_356 : memref<16xi32, #tpu.memory_space<hbm>>) dst(%arg5 : memref<16xi32, #tpu.memory_space<vmem>>)
      tpu.yield
    }) : () -> ()
    %get3A = arith.constant 0 : index
    %get3A_3 = tpu.vector_load %arg5[%get3A] {strides = array<i32>} : memref<16xi32, #tpu.memory_space<vmem>>, vector<16xi32>,
    %get3A_4 = vector.shape_cast %get3A_3 : vector<16xi32> to vector<16xi32>
    %slice3A = vector.extract_strided_slice %get3A_4 {offsets = [0], sizes = [1], strides = [1]} : vector<16xi32> to vector<1xi32>
    %squeeze3A = vector.extract %slice3A[0] : i32 from vector<1xi32>
    %dma_start3A = arith.constant 0 : i32
    %dma_start3A_5 = arith.constant 0 : i32
    %dma_start3A_6 = tpu.memref_slice %arg6[%dma_start3A, %dma_start3A_5] : memref<16x80xf32, #tpu.memory_space<vmem>> -> memref<1x80xf32, #tpu.memory_space<vmem>>
    %dma_start3A_7 = arith.constant 0 : i32
    %dma_start3A_8 = tpu.memref_slice %arg2[%squeeze3A, %dma_start3A_7] : memref<80000x80xf32, #tpu.memory_space<hbm>> -> memref<1x80xf32, #tpu.memory_space<hbm>>
    %dma_start3A_9 = arith.constant 0 : i32
    %dma_start3A_10 = arith.constant 0 : i32
    %dma_start3A_11 = tpu.memref_slice %arg6[%dma_start3A_9, %dma_start3A_10] : memref<16x80xf32, #tpu.memory_space<vmem>> -> memref<1x80xf32, #tpu.memory_space<vmem>>
    %dma_start3A_12 = arith.constant 0 : i32
    %dma_start3A_13 = tpu.memref_slice %arg2[%squeeze3A, %dma_start3A_12] : memref<80000x80xf32, #tpu.memory_space<hbm>> -> memref<1x80xf32, #tpu.memory_space<hbm>>
    tpu.enqueue_dma source(%dma_start3A_13 : memref<1x80xf32, #tpu.memory_space<hbm>>) target(%dma_start3A_11 : memref<1x80xf32, #tpu.memory_space<vmem>>) target_semaphore(%arg7 : memref<!tpu.dma_semaphore, #tpu.memory_space<semaphore_mem>>)
    %slice3A_14 = vector.extract_strided_slice %get3A_4 {offsets = [1], sizes = [1], strides = [1]} : vector<16xi32> to vector<1xi32>
    %squeeze3A_15 = vector.extract %slice3A_14[0] : i32 from vector<1xi32>
    %dma_start3A_16 = arith.constant 1 : i32
    %dma_start3A_17 = arith.constant 0 : i32
    %dma_start3A_18 = tpu.memref_slice %arg6[%dma_start3A_16, %dma_start3A_17] : memref<16x80xf32, #tpu.memory_space<vmem>> -> memref<1x80xf32, #tpu.memory_space<vmem>>
    %dma_start3A_19 = arith.constant 0 : i32
    %dma_start3A_20 = tpu.memref_slice %arg2[%squeeze3A_15, %dma_start3A_19] : memref<80000x80xf32, #tpu.memory_space<hbm>> -> memref<1x80xf32, #tpu.memory_space<hbm>>
    %dma_start3A_21 = arith.constant 1 : i32
    %dma_start3A_22 = arith.constant 0 : i32
    %dma_start3A_23 = tpu.memref_slice %arg6[%dma_start3A_21, %dma_start3A_22] : memref<16x80xf32, #tpu.memory_space<vmem>> -> memref<1x80xf32, #tpu.memory_space<vmem>>
    %dma_start3A_24 = arith.constant 0 : i32
    %dma_start3A_25 = tpu.memref_slice %arg2[%squeeze3A_15, %dma_start3A_24] : memref<80000x80xf32, #tpu.memory_space<hbm>> -> memref<1x80xf32, #tpu.memory_space<hbm>>
    tpu.enqueue_dma source(%dma_start3A_25 : memref<1x80xf32, #tpu.memory_space<hbm>>) target(%dma_start3A_23 : memref<1x80xf32, #tpu.memory_space<vmem>>) target_semaphore(%arg7 : memref<!tpu.dma_semaphore, #tpu.memory_space<semaphore_mem>>)
    %slice3A_26 = vector.extract_strided_slice %get3A_4 {offsets = [2], sizes = [1], strides = [1]} : vector<16xi32> to vector<1xi32>
    %squeeze3A_27 = vector.extract %slice3A_26[0] : i32 from vector<1xi32>
    %dma_start3A_28 = arith.constant 2 : i32
    %dma_start3A_29 = arith.constant 0 : i32
    %dma_start3A_30 = tpu.memref_slice %arg6[%dma_start3A_28, %dma_start3A_29] : memref<16x80xf32, #tpu.memory_space<vmem>> -> memref<1x80xf32, #tpu.memory_space<vmem>>
    %dma_start3A_31 = arith.constant 0 : i32
    %dma_start3A_32 = tpu.memref_slice %arg2[%squeeze3A_27, %dma_start3A_31] : memref<80000x80xf32, #tpu.memory_space<hbm>> -> memref<1x80xf32, #tpu.memory_space<hbm>>
    %dma_start3A_33 = arith.constant 2 : i32
    %dma_start3A_34 = arith.constant 0 : i32
    %dma_start3A_35 = tpu.memref_slice %arg6[%dma_start3A_33, %dma_start3A_34] : memref<16x80xf32, #tpu.memory_space<vmem>> -> memref<1x80xf32, #tpu.memory_space<vmem>>
    %dma_start3A_36 = arith.constant 0 : i32
    %dma_start3A_37 = tpu.memref_slice %arg2[%squeeze3A_27, %dma_start3A_36] : memref<80000x80xf32, #tpu.memory_space<hbm>> -> memref<1x80xf32, #tpu.memory_space<hbm>>
    tpu.enqueue_dma source(%dma_start3A_37 : memref<1x80xf32, #tpu.memory_space<hbm>>) target(%dma_start3A_35 : memref<1x80xf32, #tpu.memory_space<vmem>>) target_semaphore(%arg7 : memref<!tpu.dma_semaphore, #tpu.memory_space<semaphore_mem>>)
    %slice3A_38 = vector.extract_strided_slice %get3A_4 {offsets = [3], sizes = [1], strides = [1]} : vector<16xi32> to vector<1xi32>
    %squeeze3A_39 = vector.extract %slice3A_38[0] : i32 from vector<1xi32>
    %dma_start3A_40 = arith.constant 3 : i32
    %dma_start3A_41 = arith.constant 0 : i32
    %dma_start3A_42 = tpu.memref_slice %arg6[%dma_start3A_40, %dma_start3A_41] : memref<16x80xf32, #tpu.memory_space<vmem>> -> memref<1x80xf32, #tpu.memory_space<vmem>>
    %dma_start3A_43 = arith.constant 0 : i32
    %dma_start3A_44 = tpu.memref_slice %arg2[%squeeze3A_39, %dma_start3A_43] : memref<80000x80xf32, #tpu.memory_space<hbm>> -> memref<1x80xf32, #tpu.memory_space<hbm>>
    %dma_start3A_45 = arith.constant 3 : i32
    %dma_start3A_46 = arith.constant 0 : i32
    %dma_start3A_47 = tpu.memref_slice %arg6[%dma_start3A_45, %dma_start3A_46] : memref<16x80xf32, #tpu.memory_space<vmem>> -> memref<1x80xf32, #tpu.memory_space<vmem>>
    %dma_start3A_48 = arith.constant 0 : i32
    %dma_start3A_49 = tpu.memref_slice %arg2[%squeeze3A_39, %dma_start3A_48] : memref<80000x80xf32, #tpu.memory_space<hbm>> -> memref<1x80xf32, #tpu.memory_space<hbm>>
    tpu.enqueue_dma source(%dma_start3A_49 : memref<1x80xf32, #tpu.memory_space<hbm>>) target(%dma_start3A_47 : memref<1x80xf32, #tpu.memory_space<vmem>>) target_semaphore(%arg7 : memref<!tpu.dma_semaphore, #tpu.memory_space<semaphore_mem>>)
    %slice3A_50 = vector.extract_strided_slice %get3A_4 {offsets = [4], sizes = [1], strides = [1]} : vector<16xi32> to vector<1xi32>
    %squeeze3A_51 = vector.extract %slice3A_50[0] : i32 from vector<1xi32>
    %dma_start3A_52 = arith.constant 4 : i32
    %dma_start3A_53 = arith.constant 0 : i32
    %dma_start3A_54 = tpu.memref_slice %arg6[%dma_start3A_52, %dma_start3A_53] : memref<16x80xf32, #tpu.memory_space<vmem>> -> memref<1x80xf32, #tpu.memory_space<vmem>>
    %dma_start3A_55 = arith.constant 0 : i32
    %dma_start3A_56 = tpu.memref_slice %arg2[%squeeze3A_51, %dma_start3A_55] : memref<80000x80xf32, #tpu.memory_space<hbm>> -> memref<1x80xf32, #tpu.memory_space<hbm>>
    %dma_start3A_57 = arith.constant 4 : i32
    %dma_start3A_58 = arith.constant 0 : i32
    %dma_start3A_59 = tpu.memref_slice %arg6[%dma_start3A_57, %dma_start3A_58] : memref<16x80xf32, #tpu.memory_space<vmem>> -> memref<1x80xf32, #tpu.memory_space<vmem>>
    %dma_start3A_60 = arith.constant 0 : i32
    %dma_start3A_61 = tpu.memref_slice %arg2[%squeeze3A_51, %dma_start3A_60] : memref<80000x80xf32, #tpu.memory_space<hbm>> -> memref<1x80xf32, #tpu.memory_space<hbm>>
    tpu.enqueue_dma source(%dma_start3A_61 : memref<1x80xf32, #tpu.memory_space<hbm>>) target(%dma_start3A_59 : memref<1x80xf32, #tpu.memory_space<vmem>>) target_semaphore(%arg7 : memref<!tpu.dma_semaphore, #tpu.memory_space<semaphore_mem>>)
    %slice3A_62 = vector.extract_strided_slice %get3A_4 {offsets = [5], sizes = [1], strides = [1]} : vector<16xi32> to vector<1xi32>
    %squeeze3A_63 = vector.extract %slice3A_62[0] : i32 from vector<1xi32>
    %dma_start3A_64 = arith.constant 5 : i32
    %dma_start3A_65 = arith.constant 0 : i32
    %dma_start3A_66 = tpu.memref_slice %arg6[%dma_start3A_64, %dma_start3A_65] : memref<16x80xf32, #tpu.memory_space<vmem>> -> memref<1x80xf32, #tpu.memory_space<vmem>>
    %dma_start3A_67 = arith.constant 0 : i32
    %dma_start3A_68 = tpu.memref_slice %arg2[%squeeze3A_63, %dma_start3A_67] : memref<80000x80xf32, #tpu.memory_space<hbm>> -> memref<1x80xf32, #tpu.memory_space<hbm>>
    %dma_start3A_69 = arith.constant 5 : i32
    %dma_start3A_70 = arith.constant 0 : i32
    %dma_start3A_71 = tpu.memref_slice %arg6[%dma_start3A_69, %dma_start3A_70] : memref<16x80xf32, #tpu.memory_space<vmem>> -> memref<1x80xf32, #tpu.memory_space<vmem>>
    %dma_start3A_72 = arith.constant 0 : i32
    %dma_start3A_73 = tpu.memref_slice %arg2[%squeeze3A_63, %dma_start3A_72] : memref<80000x80xf32, #tpu.memory_space<hbm>> -> memref<1x80xf32, #tpu.memory_space<hbm>>
    tpu.enqueue_dma source(%dma_start3A_73 : memref<1x80xf32, #tpu.memory_space<hbm>>) target(%dma_start3A_71 : memref<1x80xf32, #tpu.memory_space<vmem>>) target_semaphore(%arg7 : memref<!tpu.dma_semaphore, #tpu.memory_space<semaphore_mem>>)
    %slice3A_74 = vector.extract_strided_slice %get3A_4 {offsets = [6], sizes = [1], strides = [1]} : vector<16xi32> to vector<1xi32>
    %squeeze3A_75 = vector.extract %slice3A_74[0] : i32 from vector<1xi32>
    %dma_start3A_76 = arith.constant 6 : i32
    %dma_start3A_77 = arith.constant 0 : i32
    %dma_start3A_78 = tpu.memref_slice %arg6[%dma_start3A_76, %dma_start3A_77] : memref<16x80xf32, #tpu.memory_space<vmem>> -> memref<1x80xf32, #tpu.memory_space<vmem>>
    %dma_start3A_79 = arith.constant 0 : i32
    %dma_start3A_80 = tpu.memref_slice %arg2[%squeeze3A_75, %dma_start3A_79] : memref<80000x80xf32, #tpu.memory_space<hbm>> -> memref<1x80xf32, #tpu.memory_space<hbm>>
    %dma_start3A_81 = arith.constant 6 : i32
    %dma_start3A_82 = arith.constant 0 : i32
    %dma_start3A_83 = tpu.memref_slice %arg6[%dma_start3A_81, %dma_start3A_82] : memref<16x80xf32, #tpu.memory_space<vmem>> -> memref<1x80xf32, #tpu.memory_space<vmem>>
    %dma_start3A_84 = arith.constant 0 : i32
    %dma_start3A_85 = tpu.memref_slice %arg2[%squeeze3A_75, %dma_start3A_84] : memref<80000x80xf32, #tpu.memory_space<hbm>> -> memref<1x80xf32, #tpu.memory_space<hbm>>
    tpu.enqueue_dma source(%dma_start3A_85 : memref<1x80xf32, #tpu.memory_space<hbm>>) target(%dma_start3A_83 : memref<1x80xf32, #tpu.memory_space<vmem>>) target_semaphore(%arg7 : memref<!tpu.dma_semaphore, #tpu.memory_space<semaphore_mem>>)
    %slice3A_86 = vector.extract_strided_slice %get3A_4 {offsets = [7], sizes = [1], strides = [1]} : vector<16xi32> to vector<1xi32>
    %squeeze3A_87 = vector.extract %slice3A_86[0] : i32 from vector<1xi32>
    %dma_start3A_88 = arith.constant 7 : i32
    %dma_start3A_89 = arith.constant 0 : i32
    %dma_start3A_90 = tpu.memref_slice %arg6[%dma_start3A_88, %dma_start3A_89] : memref<16x80xf32, #tpu.memory_space<vmem>> -> memref<1x80xf32, #tpu.memory_space<vmem>>
    %dma_start3A_91 = arith.constant 0 : i32
    %dma_start3A_92 = tpu.memref_slice %arg2[%squeeze3A_87, %dma_start3A_91] : memref<80000x80xf32, #tpu.memory_space<hbm>> -> memref<1x80xf32, #tpu.memory_space<hbm>>
    %dma_start3A_93 = arith.constant 7 : i32
    %dma_start3A_94 = arith.constant 0 : i32
    %dma_start3A_95 = tpu.memref_slice %arg6[%dma_start3A_93, %dma_start3A_94] : memref<16x80xf32, #tpu.memory_space<vmem>> -> memref<1x80xf32, #tpu.memory_space<vmem>>
    %dma_start3A_96 = arith.constant 0 : i32
    %dma_start3A_97 = tpu.memref_slice %arg2[%squeeze3A_87, %dma_start3A_96] : memref<80000x80xf32, #tpu.memory_space<hbm>> -> memref<1x80xf32, #tpu.memory_space<hbm>>
    tpu.enqueue_dma source(%dma_start3A_97 : memref<1x80xf32, #tpu.memory_space<hbm>>) target(%dma_start3A_95 : memref<1x80xf32, #tpu.memory_space<vmem>>) target_semaphore(%arg7 : memref<!tpu.dma_semaphore, #tpu.memory_space<semaphore_mem>>)
    %slice3A_98 = vector.extract_strided_slice %get3A_4 {offsets = [8], sizes = [1], strides = [1]} : vector<16xi32> to vector<1xi32>
    %squeeze3A_99 = vector.extract %slice3A_98[0] : i32 from vector<1xi32>
    %dma_start3A_100 = arith.constant 8 : i32
    %dma_start3A_101 = arith.constant 0 : i32
    %dma_start3A_102 = tpu.memref_slice %arg6[%dma_start3A_100, %dma_start3A_101] : memref<16x80xf32, #tpu.memory_space<vmem>> -> memref<1x80xf32, #tpu.memory_space<vmem>>
    %dma_start3A_103 = arith.constant 0 : i32
    %dma_start3A_104 = tpu.memref_slice %arg2[%squeeze3A_99, %dma_start3A_103] : memref<80000x80xf32, #tpu.memory_space<hbm>> -> memref<1x80xf32, #tpu.memory_space<hbm>>
    %dma_start3A_105 = arith.constant 8 : i32
    %dma_start3A_106 = arith.constant 0 : i32
    %dma_start3A_107 = tpu.memref_slice %arg6[%dma_start3A_105, %dma_start3A_106] : memref<16x80xf32, #tpu.memory_space<vmem>> -> memref<1x80xf32, #tpu.memory_space<vmem>>
    %dma_start3A_108 = arith.constant 0 : i32
    %dma_start3A_109 = tpu.memref_slice %arg2[%squeeze3A_99, %dma_start3A_108] : memref<80000x80xf32, #tpu.memory_space<hbm>> -> memref<1x80xf32, #tpu.memory_space<hbm>>
    tpu.enqueue_dma source(%dma_start3A_109 : memref<1x80xf32, #tpu.memory_space<hbm>>) target(%dma_start3A_107 : memref<1x80xf32, #tpu.memory_space<vmem>>) target_semaphore(%arg7 : memref<!tpu.dma_semaphore, #tpu.memory_space<semaphore_mem>>)
    %slice3A_110 = vector.extract_strided_slice %get3A_4 {offsets = [9], sizes = [1], strides = [1]} : vector<16xi32> to vector<1xi32>
    %squeeze3A_111 = vector.extract %slice3A_110[0] : i32 from vector<1xi32>
    %dma_start3A_112 = arith.constant 9 : i32
    %dma_start3A_113 = arith.constant 0 : i32
    %dma_start3A_114 = tpu.memref_slice %arg6[%dma_start3A_112, %dma_start3A_113] : memref<16x80xf32, #tpu.memory_space<vmem>> -> memref<1x80xf32, #tpu.memory_space<vmem>>
    %dma_start3A_115 = arith.constant 0 : i32
    %dma_start3A_116 = tpu.memref_slice %arg2[%squeeze3A_111, %dma_start3A_115] : memref<80000x80xf32, #tpu.memory_space<hbm>> -> memref<1x80xf32, #tpu.memory_space<hbm>>
    %dma_start3A_117 = arith.constant 9 : i32
    %dma_start3A_118 = arith.constant 0 : i32
    %dma_start3A_119 = tpu.memref_slice %arg6[%dma_start3A_117, %dma_start3A_118] : memref<16x80xf32, #tpu.memory_space<vmem>> -> memref<1x80xf32, #tpu.memory_space<vmem>>
    %dma_start3A_120 = arith.constant 0 : i32
    %dma_start3A_121 = tpu.memref_slice %arg2[%squeeze3A_111, %dma_start3A_120] : memref<80000x80xf32, #tpu.memory_space<hbm>> -> memref<1x80xf32, #tpu.memory_space<hbm>>
    tpu.enqueue_dma source(%dma_start3A_121 : memref<1x80xf32, #tpu.memory_space<hbm>>) target(%dma_start3A_119 : memref<1x80xf32, #tpu.memory_space<vmem>>) target_semaphore(%arg7 : memref<!tpu.dma_semaphore, #tpu.memory_space<semaphore_mem>>)
    %slice3A_122 = vector.extract_strided_slice %get3A_4 {offsets = [10], sizes = [1], strides = [1]} : vector<16xi32> to vector<1xi32>
    %squeeze3A_123 = vector.extract %slice3A_122[0] : i32 from vector<1xi32>
    %dma_start3A_124 = arith.constant 10 : i32
    %dma_start3A_125 = arith.constant 0 : i32
    %dma_start3A_126 = tpu.memref_slice %arg6[%dma_start3A_124, %dma_start3A_125] : memref<16x80xf32, #tpu.memory_space<vmem>> -> memref<1x80xf32, #tpu.memory_space<vmem>>
    %dma_start3A_127 = arith.constant 0 : i32
    %dma_start3A_128 = tpu.memref_slice %arg2[%squeeze3A_123, %dma_start3A_127] : memref<80000x80xf32, #tpu.memory_space<hbm>> -> memref<1x80xf32, #tpu.memory_space<hbm>>
    %dma_start3A_129 = arith.constant 10 : i32
    %dma_start3A_130 = arith.constant 0 : i32
    %dma_start3A_131 = tpu.memref_slice %arg6[%dma_start3A_129, %dma_start3A_130] : memref<16x80xf32, #tpu.memory_space<vmem>> -> memref<1x80xf32, #tpu.memory_space<vmem>>
    %dma_start3A_132 = arith.constant 0 : i32
    %dma_start3A_133 = tpu.memref_slice %arg2[%squeeze3A_123, %dma_start3A_132] : memref<80000x80xf32, #tpu.memory_space<hbm>> -> memref<1x80xf32, #tpu.memory_space<hbm>>
    tpu.enqueue_dma source(%dma_start3A_133 : memref<1x80xf32, #tpu.memory_space<hbm>>) target(%dma_start3A_131 : memref<1x80xf32, #tpu.memory_space<vmem>>) target_semaphore(%arg7 : memref<!tpu.dma_semaphore, #tpu.memory_space<semaphore_mem>>)
    %slice3A_134 = vector.extract_strided_slice %get3A_4 {offsets = [11], sizes = [1], strides = [1]} : vector<16xi32> to vector<1xi32>
    %squeeze3A_135 = vector.extract %slice3A_134[0] : i32 from vector<1xi32>
    %dma_start3A_136 = arith.constant 11 : i32
    %dma_start3A_137 = arith.constant 0 : i32
    %dma_start3A_138 = tpu.memref_slice %arg6[%dma_start3A_136, %dma_start3A_137] : memref<16x80xf32, #tpu.memory_space<vmem>> -> memref<1x80xf32, #tpu.memory_space<vmem>>
    %dma_start3A_139 = arith.constant 0 : i32
    %dma_start3A_140 = tpu.memref_slice %arg2[%squeeze3A_135, %dma_start3A_139] : memref<80000x80xf32, #tpu.memory_space<hbm>> -> memref<1x80xf32, #tpu.memory_space<hbm>>
    %dma_start3A_141 = arith.constant 11 : i32
    %dma_start3A_142 = arith.constant 0 : i32
    %dma_start3A_143 = tpu.memref_slice %arg6[%dma_start3A_141, %dma_start3A_142] : memref<16x80xf32, #tpu.memory_space<vmem>> -> memref<1x80xf32, #tpu.memory_space<vmem>>
    %dma_start3A_144 = arith.constant 0 : i32
    %dma_start3A_145 = tpu.memref_slice %arg2[%squeeze3A_135, %dma_start3A_144] : memref<80000x80xf32, #tpu.memory_space<hbm>> -> memref<1x80xf32, #tpu.memory_space<hbm>>
    tpu.enqueue_dma source(%dma_start3A_145 : memref<1x80xf32, #tpu.memory_space<hbm>>) target(%dma_start3A_143 : memref<1x80xf32, #tpu.memory_space<vmem>>) target_semaphore(%arg7 : memref<!tpu.dma_semaphore, #tpu.memory_space<semaphore_mem>>)
    %slice3A_146 = vector.extract_strided_slice %get3A_4 {offsets = [12], sizes = [1], strides = [1]} : vector<16xi32> to vector<1xi32>
    %squeeze3A_147 = vector.extract %slice3A_146[0] : i32 from vector<1xi32>
    %dma_start3A_148 = arith.constant 12 : i32
    %dma_start3A_149 = arith.constant 0 : i32
    %dma_start3A_150 = tpu.memref_slice %arg6[%dma_start3A_148, %dma_start3A_149] : memref<16x80xf32, #tpu.memory_space<vmem>> -> memref<1x80xf32, #tpu.memory_space<vmem>>
    %dma_start3A_151 = arith.constant 0 : i32
    %dma_start3A_152 = tpu.memref_slice %arg2[%squeeze3A_147, %dma_start3A_151] : memref<80000x80xf32, #tpu.memory_space<hbm>> -> memref<1x80xf32, #tpu.memory_space<hbm>>
    %dma_start3A_153 = arith.constant 12 : i32
    %dma_start3A_154 = arith.constant 0 : i32
    %dma_start3A_155 = tpu.memref_slice %arg6[%dma_start3A_153, %dma_start3A_154] : memref<16x80xf32, #tpu.memory_space<vmem>> -> memref<1x80xf32, #tpu.memory_space<vmem>>
    %dma_start3A_156 = arith.constant 0 : i32
    %dma_start3A_157 = tpu.memref_slice %arg2[%squeeze3A_147, %dma_start3A_156] : memref<80000x80xf32, #tpu.memory_space<hbm>> -> memref<1x80xf32, #tpu.memory_space<hbm>>
    tpu.enqueue_dma source(%dma_start3A_157 : memref<1x80xf32, #tpu.memory_space<hbm>>) target(%dma_start3A_155 : memref<1x80xf32, #tpu.memory_space<vmem>>) target_semaphore(%arg7 : memref<!tpu.dma_semaphore, #tpu.memory_space<semaphore_mem>>)
    %slice3A_158 = vector.extract_strided_slice %get3A_4 {offsets = [13], sizes = [1], strides = [1]} : vector<16xi32> to vector<1xi32>
    %squeeze3A_159 = vector.extract %slice3A_158[0] : i32 from vector<1xi32>
    %dma_start3A_160 = arith.constant 13 : i32
    %dma_start3A_161 = arith.constant 0 : i32
    %dma_start3A_162 = tpu.memref_slice %arg6[%dma_start3A_160, %dma_start3A_161] : memref<16x80xf32, #tpu.memory_space<vmem>> -> memref<1x80xf32, #tpu.memory_space<vmem>>
    %dma_start3A_163 = arith.constant 0 : i32
    %dma_start3A_164 = tpu.memref_slice %arg2[%squeeze3A_159, %dma_start3A_163] : memref<80000x80xf32, #tpu.memory_space<hbm>> -> memref<1x80xf32, #tpu.memory_space<hbm>>
    %dma_start3A_165 = arith.constant 13 : i32
    %dma_start3A_166 = arith.constant 0 : i32
    %dma_start3A_167 = tpu.memref_slice %arg6[%dma_start3A_165, %dma_start3A_166] : memref<16x80xf32, #tpu.memory_space<vmem>> -> memref<1x80xf32, #tpu.memory_space<vmem>>
    %dma_start3A_168 = arith.constant 0 : i32
    %dma_start3A_169 = tpu.memref_slice %arg2[%squeeze3A_159, %dma_start3A_168] : memref<80000x80xf32, #tpu.memory_space<hbm>> -> memref<1x80xf32, #tpu.memory_space<hbm>>
    tpu.enqueue_dma source(%dma_start3A_169 : memref<1x80xf32, #tpu.memory_space<hbm>>) target(%dma_start3A_167 : memref<1x80xf32, #tpu.memory_space<vmem>>) target_semaphore(%arg7 : memref<!tpu.dma_semaphore, #tpu.memory_space<semaphore_mem>>)
    %slice3A_170 = vector.extract_strided_slice %get3A_4 {offsets = [14], sizes = [1], strides = [1]} : vector<16xi32> to vector<1xi32>
    %squeeze3A_171 = vector.extract %slice3A_170[0] : i32 from vector<1xi32>
    %dma_start3A_172 = arith.constant 14 : i32
    %dma_start3A_173 = arith.constant 0 : i32
    %dma_start3A_174 = tpu.memref_slice %arg6[%dma_start3A_172, %dma_start3A_173] : memref<16x80xf32, #tpu.memory_space<vmem>> -> memref<1x80xf32, #tpu.memory_space<vmem>>
    %dma_start3A_175 = arith.constant 0 : i32
    %dma_start3A_176 = tpu.memref_slice %arg2[%squeeze3A_171, %dma_start3A_175] : memref<80000x80xf32, #tpu.memory_space<hbm>> -> memref<1x80xf32, #tpu.memory_space<hbm>>
    %dma_start3A_177 = arith.constant 14 : i32
    %dma_start3A_178 = arith.constant 0 : i32
    %dma_start3A_179 = tpu.memref_slice %arg6[%dma_start3A_177, %dma_start3A_178] : memref<16x80xf32, #tpu.memory_space<vmem>> -> memref<1x80xf32, #tpu.memory_space<vmem>>
    %dma_start3A_180 = arith.constant 0 : i32
    %dma_start3A_181 = tpu.memref_slice %arg2[%squeeze3A_171, %dma_start3A_180] : memref<80000x80xf32, #tpu.memory_space<hbm>> -> memref<1x80xf32, #tpu.memory_space<hbm>>
    tpu.enqueue_dma source(%dma_start3A_181 : memref<1x80xf32, #tpu.memory_space<hbm>>) target(%dma_start3A_179 : memref<1x80xf32, #tpu.memory_space<vmem>>) target_semaphore(%arg7 : memref<!tpu.dma_semaphore, #tpu.memory_space<semaphore_mem>>)
    %slice3A_182 = vector.extract_strided_slice %get3A_4 {offsets = [15], sizes = [1], strides = [1]} : vector<16xi32> to vector<1xi32>
    %squeeze3A_183 = vector.extract %slice3A_182[0] : i32 from vector<1xi32>
    %dma_start3A_184 = arith.constant 15 : i32
    %dma_start3A_185 = arith.constant 0 : i32
    %dma_start3A_186 = tpu.memref_slice %arg6[%dma_start3A_184, %dma_start3A_185] : memref<16x80xf32, #tpu.memory_space<vmem>> -> memref<1x80xf32, #tpu.memory_space<vmem>>
    %dma_start3A_187 = arith.constant 0 : i32
    %dma_start3A_188 = tpu.memref_slice %arg2[%squeeze3A_183, %dma_start3A_187] : memref<80000x80xf32, #tpu.memory_space<hbm>> -> memref<1x80xf32, #tpu.memory_space<hbm>>
    %dma_start3A_189 = arith.constant 15 : i32
    %dma_start3A_190 = arith.constant 0 : i32
    %dma_start3A_191 = tpu.memref_slice %arg6[%dma_start3A_189, %dma_start3A_190] : memref<16x80xf32, #tpu.memory_space<vmem>> -> memref<1x80xf32, #tpu.memory_space<vmem>>
    %dma_start3A_192 = arith.constant 0 : i32
    %dma_start3A_193 = tpu.memref_slice %arg2[%squeeze3A_183, %dma_start3A_192] : memref<80000x80xf32, #tpu.memory_space<hbm>> -> memref<1x80xf32, #tpu.memory_space<hbm>>
    tpu.enqueue_dma source(%dma_start3A_193 : memref<1x80xf32, #tpu.memory_space<hbm>>) target(%dma_start3A_191 : memref<1x80xf32, #tpu.memory_space<vmem>>) target_semaphore(%arg7 : memref<!tpu.dma_semaphore, #tpu.memory_space<semaphore_mem>>)
    %dma_wait3A = arith.constant 0 : i32
    %dma_wait3A_194 = arith.constant 0 : i32
    %dma_wait3A_195 = tpu.memref_slice %arg6[%dma_wait3A, %dma_wait3A_194] : memref<16x80xf32, #tpu.memory_space<vmem>> -> memref<1x80xf32, #tpu.memory_space<vmem>>
    %dma_wait3A_196 = arith.constant 0 : i32
    %dma_wait3A_197 = tpu.memref_slice %arg2[%squeeze3A, %dma_wait3A_196] : memref<80000x80xf32, #tpu.memory_space<hbm>> -> memref<1x80xf32, #tpu.memory_space<hbm>>
    %dma_wait3A_198 = arith.constant 0 : i32
    %dma_wait3A_199 = arith.constant 0 : i32
    %dma_wait3A_200 = tpu.memref_slice %arg6[%dma_wait3A_198, %dma_wait3A_199] : memref<16x80xf32, #tpu.memory_space<vmem>> -> memref<1x80xf32, #tpu.memory_space<vmem>>
    %dma_wait3A_201 = arith.constant 0 : i32
    %dma_wait3A_202 = tpu.memref_slice %arg2[%squeeze3A, %dma_wait3A_201] : memref<80000x80xf32, #tpu.memory_space<hbm>> -> memref<1x80xf32, #tpu.memory_space<hbm>>
    tpu.wait_dma2 semaphore(%arg7 : memref<!tpu.dma_semaphore, #tpu.memory_space<semaphore_mem>>) src(%dma_wait3A_202 : memref<1x80xf32, #tpu.memory_space<hbm>>) dst(%dma_wait3A_200 : memref<1x80xf32, #tpu.memory_space<vmem>>)
    %dma_wait3A_203 = arith.constant 1 : i32
    %dma_wait3A_204 = arith.constant 0 : i32
    %dma_wait3A_205 = tpu.memref_slice %arg6[%dma_wait3A_203, %dma_wait3A_204] : memref<16x80xf32, #tpu.memory_space<vmem>> -> memref<1x80xf32, #tpu.memory_space<vmem>>
    %dma_wait3A_206 = arith.constant 0 : i32
    %dma_wait3A_207 = tpu.memref_slice %arg2[%squeeze3A_15, %dma_wait3A_206] : memref<80000x80xf32, #tpu.memory_space<hbm>> -> memref<1x80xf32, #tpu.memory_space<hbm>>
    %dma_wait3A_208 = arith.constant 1 : i32
    %dma_wait3A_209 = arith.constant 0 : i32
    %dma_wait3A_210 = tpu.memref_slice %arg6[%dma_wait3A_208, %dma_wait3A_209] : memref<16x80xf32, #tpu.memory_space<vmem>> -> memref<1x80xf32, #tpu.memory_space<vmem>>
    %dma_wait3A_211 = arith.constant 0 : i32
    %dma_wait3A_212 = tpu.memref_slice %arg2[%squeeze3A_15, %dma_wait3A_211] : memref<80000x80xf32, #tpu.memory_space<hbm>> -> memref<1x80xf32, #tpu.memory_space<hbm>>
    tpu.wait_dma2 semaphore(%arg7 : memref<!tpu.dma_semaphore, #tpu.memory_space<semaphore_mem>>) src(%dma_wait3A_212 : memref<1x80xf32, #tpu.memory_space<hbm>>) dst(%dma_wait3A_210 : memref<1x80xf32, #tpu.memory_space<vmem>>)
    %dma_wait3A_213 = arith.constant 2 : i32
    %dma_wait3A_214 = arith.constant 0 : i32
    %dma_wait3A_215 = tpu.memref_slice %arg6[%dma_wait3A_213, %dma_wait3A_214] : memref<16x80xf32, #tpu.memory_space<vmem>> -> memref<1x80xf32, #tpu.memory_space<vmem>>
    %dma_wait3A_216 = arith.constant 0 : i32
    %dma_wait3A_217 = tpu.memref_slice %arg2[%squeeze3A_27, %dma_wait3A_216] : memref<80000x80xf32, #tpu.memory_space<hbm>> -> memref<1x80xf32, #tpu.memory_space<hbm>>
    %dma_wait3A_218 = arith.constant 2 : i32
    %dma_wait3A_219 = arith.constant 0 : i32
    %dma_wait3A_220 = tpu.memref_slice %arg6[%dma_wait3A_218, %dma_wait3A_219] : memref<16x80xf32, #tpu.memory_space<vmem>> -> memref<1x80xf32, #tpu.memory_space<vmem>>
    %dma_wait3A_221 = arith.constant 0 : i32
    %dma_wait3A_222 = tpu.memref_slice %arg2[%squeeze3A_27, %dma_wait3A_221] : memref<80000x80xf32, #tpu.memory_space<hbm>> -> memref<1x80xf32, #tpu.memory_space<hbm>>
    tpu.wait_dma2 semaphore(%arg7 : memref<!tpu.dma_semaphore, #tpu.memory_space<semaphore_mem>>) src(%dma_wait3A_222 : memref<1x80xf32, #tpu.memory_space<hbm>>) dst(%dma_wait3A_220 : memref<1x80xf32, #tpu.memory_space<vmem>>)
    %dma_wait3A_223 = arith.constant 3 : i32
    %dma_wait3A_224 = arith.constant 0 : i32
    %dma_wait3A_225 = tpu.memref_slice %arg6[%dma_wait3A_223, %dma_wait3A_224] : memref<16x80xf32, #tpu.memory_space<vmem>> -> memref<1x80xf32, #tpu.memory_space<vmem>>
    %dma_wait3A_226 = arith.constant 0 : i32
    %dma_wait3A_227 = tpu.memref_slice %arg2[%squeeze3A_39, %dma_wait3A_226] : memref<80000x80xf32, #tpu.memory_space<hbm>> -> memref<1x80xf32, #tpu.memory_space<hbm>>
    %dma_wait3A_228 = arith.constant 3 : i32
    %dma_wait3A_229 = arith.constant 0 : i32
    %dma_wait3A_230 = tpu.memref_slice %arg6[%dma_wait3A_228, %dma_wait3A_229] : memref<16x80xf32, #tpu.memory_space<vmem>> -> memref<1x80xf32, #tpu.memory_space<vmem>>
    %dma_wait3A_231 = arith.constant 0 : i32
    %dma_wait3A_232 = tpu.memref_slice %arg2[%squeeze3A_39, %dma_wait3A_231] : memref<80000x80xf32, #tpu.memory_space<hbm>> -> memref<1x80xf32, #tpu.memory_space<hbm>>
    tpu.wait_dma2 semaphore(%arg7 : memref<!tpu.dma_semaphore, #tpu.memory_space<semaphore_mem>>) src(%dma_wait3A_232 : memref<1x80xf32, #tpu.memory_space<hbm>>) dst(%dma_wait3A_230 : memref<1x80xf32, #tpu.memory_space<vmem>>)
    %dma_wait3A_233 = arith.constant 4 : i32
    %dma_wait3A_234 = arith.constant 0 : i32
    %dma_wait3A_235 = tpu.memref_slice %arg6[%dma_wait3A_233, %dma_wait3A_234] : memref<16x80xf32, #tpu.memory_space<vmem>> -> memref<1x80xf32, #tpu.memory_space<vmem>>
    %dma_wait3A_236 = arith.constant 0 : i32
    %dma_wait3A_237 = tpu.memref_slice %arg2[%squeeze3A_51, %dma_wait3A_236] : memref<80000x80xf32, #tpu.memory_space<hbm>> -> memref<1x80xf32, #tpu.memory_space<hbm>>
    %dma_wait3A_238 = arith.constant 4 : i32
    %dma_wait3A_239 = arith.constant 0 : i32
    %dma_wait3A_240 = tpu.memref_slice %arg6[%dma_wait3A_238, %dma_wait3A_239] : memref<16x80xf32, #tpu.memory_space<vmem>> -> memref<1x80xf32, #tpu.memory_space<vmem>>
    %dma_wait3A_241 = arith.constant 0 : i32
    %dma_wait3A_242 = tpu.memref_slice %arg2[%squeeze3A_51, %dma_wait3A_241] : memref<80000x80xf32, #tpu.memory_space<hbm>> -> memref<1x80xf32, #tpu.memory_space<hbm>>
    tpu.wait_dma2 semaphore(%arg7 : memref<!tpu.dma_semaphore, #tpu.memory_space<semaphore_mem>>) src(%dma_wait3A_242 : memref<1x80xf32, #tpu.memory_space<hbm>>) dst(%dma_wait3A_240 : memref<1x80xf32, #tpu.memory_space<vmem>>)
    %dma_wait3A_243 = arith.constant 5 : i32
    %dma_wait3A_244 = arith.constant 0 : i32
    %dma_wait3A_245 = tpu.memref_slice %arg6[%dma_wait3A_243, %dma_wait3A_244] : memref<16x80xf32, #tpu.memory_space<vmem>> -> memref<1x80xf32, #tpu.memory_space<vmem>>
    %dma_wait3A_246 = arith.constant 0 : i32
    %dma_wait3A_247 = tpu.memref_slice %arg2[%squeeze3A_63, %dma_wait3A_246] : memref<80000x80xf32, #tpu.memory_space<hbm>> -> memref<1x80xf32, #tpu.memory_space<hbm>>
    %dma_wait3A_248 = arith.constant 5 : i32
    %dma_wait3A_249 = arith.constant 0 : i32
    %dma_wait3A_250 = tpu.memref_slice %arg6[%dma_wait3A_248, %dma_wait3A_249] : memref<16x80xf32, #tpu.memory_space<vmem>> -> memref<1x80xf32, #tpu.memory_space<vmem>>
    %dma_wait3A_251 = arith.constant 0 : i32
    %dma_wait3A_252 = tpu.memref_slice %arg2[%squeeze3A_63, %dma_wait3A_251] : memref<80000x80xf32, #tpu.memory_space<hbm>> -> memref<1x80xf32, #tpu.memory_space<hbm>>
    tpu.wait_dma2 semaphore(%arg7 : memref<!tpu.dma_semaphore, #tpu.memory_space<semaphore_mem>>) src(%dma_wait3A_252 : memref<1x80xf32, #tpu.memory_space<hbm>>) dst(%dma_wait3A_250 : memref<1x80xf32, #tpu.memory_space<vmem>>)
    %dma_wait3A_253 = arith.constant 6 : i32
    %dma_wait3A_254 = arith.constant 0 : i32
    %dma_wait3A_255 = tpu.memref_slice %arg6[%dma_wait3A_253, %dma_wait3A_254] : memref<16x80xf32, #tpu.memory_space<vmem>> -> memref<1x80xf32, #tpu.memory_space<vmem>>
    %dma_wait3A_256 = arith.constant 0 : i32
    %dma_wait3A_257 = tpu.memref_slice %arg2[%squeeze3A_75, %dma_wait3A_256] : memref<80000x80xf32, #tpu.memory_space<hbm>> -> memref<1x80xf32, #tpu.memory_space<hbm>>
    %dma_wait3A_258 = arith.constant 6 : i32
    %dma_wait3A_259 = arith.constant 0 : i32
    %dma_wait3A_260 = tpu.memref_slice %arg6[%dma_wait3A_258, %dma_wait3A_259] : memref<16x80xf32, #tpu.memory_space<vmem>> -> memref<1x80xf32, #tpu.memory_space<vmem>>
    %dma_wait3A_261 = arith.constant 0 : i32
    %dma_wait3A_262 = tpu.memref_slice %arg2[%squeeze3A_75, %dma_wait3A_261] : memref<80000x80xf32, #tpu.memory_space<hbm>> -> memref<1x80xf32, #tpu.memory_space<hbm>>
    tpu.wait_dma2 semaphore(%arg7 : memref<!tpu.dma_semaphore, #tpu.memory_space<semaphore_mem>>) src(%dma_wait3A_262 : memref<1x80xf32, #tpu.memory_space<hbm>>) dst(%dma_wait3A_260 : memref<1x80xf32, #tpu.memory_space<vmem>>)
    %dma_wait3A_263 = arith.constant 7 : i32
    %dma_wait3A_264 = arith.constant 0 : i32
    %dma_wait3A_265 = tpu.memref_slice %arg6[%dma_wait3A_263, %dma_wait3A_264] : memref<16x80xf32, #tpu.memory_space<vmem>> -> memref<1x80xf32, #tpu.memory_space<vmem>>
    %dma_wait3A_266 = arith.constant 0 : i32
    %dma_wait3A_267 = tpu.memref_slice %arg2[%squeeze3A_87, %dma_wait3A_266] : memref<80000x80xf32, #tpu.memory_space<hbm>> -> memref<1x80xf32, #tpu.memory_space<hbm>>
    %dma_wait3A_268 = arith.constant 7 : i32
    %dma_wait3A_269 = arith.constant 0 : i32
    %dma_wait3A_270 = tpu.memref_slice %arg6[%dma_wait3A_268, %dma_wait3A_269] : memref<16x80xf32, #tpu.memory_space<vmem>> -> memref<1x80xf32, #tpu.memory_space<vmem>>
    %dma_wait3A_271 = arith.constant 0 : i32
    %dma_wait3A_272 = tpu.memref_slice %arg2[%squeeze3A_87, %dma_wait3A_271] : memref<80000x80xf32, #tpu.memory_space<hbm>> -> memref<1x80xf32, #tpu.memory_space<hbm>>
    tpu.wait_dma2 semaphore(%arg7 : memref<!tpu.dma_semaphore, #tpu.memory_space<semaphore_mem>>) src(%dma_wait3A_272 : memref<1x80xf32, #tpu.memory_space<hbm>>) dst(%dma_wait3A_270 : memref<1x80xf32, #tpu.memory_space<vmem>>)
    %dma_wait3A_273 = arith.constant 8 : i32
    %dma_wait3A_274 = arith.constant 0 : i32
    %dma_wait3A_275 = tpu.memref_slice %arg6[%dma_wait3A_273, %dma_wait3A_274] : memref<16x80xf32, #tpu.memory_space<vmem>> -> memref<1x80xf32, #tpu.memory_space<vmem>>
    %dma_wait3A_276 = arith.constant 0 : i32
    %dma_wait3A_277 = tpu.memref_slice %arg2[%squeeze3A_99, %dma_wait3A_276] : memref<80000x80xf32, #tpu.memory_space<hbm>> -> memref<1x80xf32, #tpu.memory_space<hbm>>
    %dma_wait3A_278 = arith.constant 8 : i32
    %dma_wait3A_279 = arith.constant 0 : i32
    %dma_wait3A_280 = tpu.memref_slice %arg6[%dma_wait3A_278, %dma_wait3A_279] : memref<16x80xf32, #tpu.memory_space<vmem>> -> memref<1x80xf32, #tpu.memory_space<vmem>>
    %dma_wait3A_281 = arith.constant 0 : i32
    %dma_wait3A_282 = tpu.memref_slice %arg2[%squeeze3A_99, %dma_wait3A_281] : memref<80000x80xf32, #tpu.memory_space<hbm>> -> memref<1x80xf32, #tpu.memory_space<hbm>>
    tpu.wait_dma2 semaphore(%arg7 : memref<!tpu.dma_semaphore, #tpu.memory_space<semaphore_mem>>) src(%dma_wait3A_282 : memref<1x80xf32, #tpu.memory_space<hbm>>) dst(%dma_wait3A_280 : memref<1x80xf32, #tpu.memory_space<vmem>>)
    %dma_wait3A_283 = arith.constant 9 : i32
    %dma_wait3A_284 = arith.constant 0 : i32
    %dma_wait3A_285 = tpu.memref_slice %arg6[%dma_wait3A_283, %dma_wait3A_284] : memref<16x80xf32, #tpu.memory_space<vmem>> -> memref<1x80xf32, #tpu.memory_space<vmem>>
    %dma_wait3A_286 = arith.constant 0 : i32
    %dma_wait3A_287 = tpu.memref_slice %arg2[%squeeze3A_111, %dma_wait3A_286] : memref<80000x80xf32, #tpu.memory_space<hbm>> -> memref<1x80xf32, #tpu.memory_space<hbm>>
    %dma_wait3A_288 = arith.constant 9 : i32
    %dma_wait3A_289 = arith.constant 0 : i32
    %dma_wait3A_290 = tpu.memref_slice %arg6[%dma_wait3A_288, %dma_wait3A_289] : memref<16x80xf32, #tpu.memory_space<vmem>> -> memref<1x80xf32, #tpu.memory_space<vmem>>
    %dma_wait3A_291 = arith.constant 0 : i32
    %dma_wait3A_292 = tpu.memref_slice %arg2[%squeeze3A_111, %dma_wait3A_291] : memref<80000x80xf32, #tpu.memory_space<hbm>> -> memref<1x80xf32, #tpu.memory_space<hbm>>
    tpu.wait_dma2 semaphore(%arg7 : memref<!tpu.dma_semaphore, #tpu.memory_space<semaphore_mem>>) src(%dma_wait3A_292 : memref<1x80xf32, #tpu.memory_space<hbm>>) dst(%dma_wait3A_290 : memref<1x80xf32, #tpu.memory_space<vmem>>)
    %dma_wait3A_293 = arith.constant 10 : i32
    %dma_wait3A_294 = arith.constant 0 : i32
    %dma_wait3A_295 = tpu.memref_slice %arg6[%dma_wait3A_293, %dma_wait3A_294] : memref<16x80xf32, #tpu.memory_space<vmem>> -> memref<1x80xf32, #tpu.memory_space<vmem>>
    %dma_wait3A_296 = arith.constant 0 : i32
    %dma_wait3A_297 = tpu.memref_slice %arg2[%squeeze3A_123, %dma_wait3A_296] : memref<80000x80xf32, #tpu.memory_space<hbm>> -> memref<1x80xf32, #tpu.memory_space<hbm>>
    %dma_wait3A_298 = arith.constant 10 : i32
    %dma_wait3A_299 = arith.constant 0 : i32
    %dma_wait3A_300 = tpu.memref_slice %arg6[%dma_wait3A_298, %dma_wait3A_299] : memref<16x80xf32, #tpu.memory_space<vmem>> -> memref<1x80xf32, #tpu.memory_space<vmem>>
    %dma_wait3A_301 = arith.constant 0 : i32
    %dma_wait3A_302 = tpu.memref_slice %arg2[%squeeze3A_123, %dma_wait3A_301] : memref<80000x80xf32, #tpu.memory_space<hbm>> -> memref<1x80xf32, #tpu.memory_space<hbm>>
    tpu.wait_dma2 semaphore(%arg7 : memref<!tpu.dma_semaphore, #tpu.memory_space<semaphore_mem>>) src(%dma_wait3A_302 : memref<1x80xf32, #tpu.memory_space<hbm>>) dst(%dma_wait3A_300 : memref<1x80xf32, #tpu.memory_space<vmem>>)
    %dma_wait3A_303 = arith.constant 11 : i32
    %dma_wait3A_304 = arith.constant 0 : i32
    %dma_wait3A_305 = tpu.memref_slice %arg6[%dma_wait3A_303, %dma_wait3A_304] : memref<16x80xf32, #tpu.memory_space<vmem>> -> memref<1x80xf32, #tpu.memory_space<vmem>>
    %dma_wait3A_306 = arith.constant 0 : i32
    %dma_wait3A_307 = tpu.memref_slice %arg2[%squeeze3A_135, %dma_wait3A_306] : memref<80000x80xf32, #tpu.memory_space<hbm>> -> memref<1x80xf32, #tpu.memory_space<hbm>>
    %dma_wait3A_308 = arith.constant 11 : i32
    %dma_wait3A_309 = arith.constant 0 : i32
    %dma_wait3A_310 = tpu.memref_slice %arg6[%dma_wait3A_308, %dma_wait3A_309] : memref<16x80xf32, #tpu.memory_space<vmem>> -> memref<1x80xf32, #tpu.memory_space<vmem>>
    %dma_wait3A_311 = arith.constant 0 : i32
    %dma_wait3A_312 = tpu.memref_slice %arg2[%squeeze3A_135, %dma_wait3A_311] : memref<80000x80xf32, #tpu.memory_space<hbm>> -> memref<1x80xf32, #tpu.memory_space<hbm>>
    tpu.wait_dma2 semaphore(%arg7 : memref<!tpu.dma_semaphore, #tpu.memory_space<semaphore_mem>>) src(%dma_wait3A_312 : memref<1x80xf32, #tpu.memory_space<hbm>>) dst(%dma_wait3A_310 : memref<1x80xf32, #tpu.memory_space<vmem>>)
    %dma_wait3A_313 = arith.constant 12 : i32
    %dma_wait3A_314 = arith.constant 0 : i32
    %dma_wait3A_315 = tpu.memref_slice %arg6[%dma_wait3A_313, %dma_wait3A_314] : memref<16x80xf32, #tpu.memory_space<vmem>> -> memref<1x80xf32, #tpu.memory_space<vmem>>
    %dma_wait3A_316 = arith.constant 0 : i32
    %dma_wait3A_317 = tpu.memref_slice %arg2[%squeeze3A_147, %dma_wait3A_316] : memref<80000x80xf32, #tpu.memory_space<hbm>> -> memref<1x80xf32, #tpu.memory_space<hbm>>
    %dma_wait3A_318 = arith.constant 12 : i32
    %dma_wait3A_319 = arith.constant 0 : i32
    %dma_wait3A_320 = tpu.memref_slice %arg6[%dma_wait3A_318, %dma_wait3A_319] : memref<16x80xf32, #tpu.memory_space<vmem>> -> memref<1x80xf32, #tpu.memory_space<vmem>>
    %dma_wait3A_321 = arith.constant 0 : i32
    %dma_wait3A_322 = tpu.memref_slice %arg2[%squeeze3A_147, %dma_wait3A_321] : memref<80000x80xf32, #tpu.memory_space<hbm>> -> memref<1x80xf32, #tpu.memory_space<hbm>>
    tpu.wait_dma2 semaphore(%arg7 : memref<!tpu.dma_semaphore, #tpu.memory_space<semaphore_mem>>) src(%dma_wait3A_322 : memref<1x80xf32, #tpu.memory_space<hbm>>) dst(%dma_wait3A_320 : memref<1x80xf32, #tpu.memory_space<vmem>>)
    %dma_wait3A_323 = arith.constant 13 : i32
    %dma_wait3A_324 = arith.constant 0 : i32
    %dma_wait3A_325 = tpu.memref_slice %arg6[%dma_wait3A_323, %dma_wait3A_324] : memref<16x80xf32, #tpu.memory_space<vmem>> -> memref<1x80xf32, #tpu.memory_space<vmem>>
    %dma_wait3A_326 = arith.constant 0 : i32
    %dma_wait3A_327 = tpu.memref_slice %arg2[%squeeze3A_159, %dma_wait3A_326] : memref<80000x80xf32, #tpu.memory_space<hbm>> -> memref<1x80xf32, #tpu.memory_space<hbm>>
    %dma_wait3A_328 = arith.constant 13 : i32
    %dma_wait3A_329 = arith.constant 0 : i32
    %dma_wait3A_330 = tpu.memref_slice %arg6[%dma_wait3A_328, %dma_wait3A_329] : memref<16x80xf32, #tpu.memory_space<vmem>> -> memref<1x80xf32, #tpu.memory_space<vmem>>
    %dma_wait3A_331 = arith.constant 0 : i32
    %dma_wait3A_332 = tpu.memref_slice %arg2[%squeeze3A_159, %dma_wait3A_331] : memref<80000x80xf32, #tpu.memory_space<hbm>> -> memref<1x80xf32, #tpu.memory_space<hbm>>
    tpu.wait_dma2 semaphore(%arg7 : memref<!tpu.dma_semaphore, #tpu.memory_space<semaphore_mem>>) src(%dma_wait3A_332 : memref<1x80xf32, #tpu.memory_space<hbm>>) dst(%dma_wait3A_330 : memref<1x80xf32, #tpu.memory_space<vmem>>)
    %dma_wait3A_333 = arith.constant 14 : i32
    %dma_wait3A_334 = arith.constant 0 : i32
    %dma_wait3A_335 = tpu.memref_slice %arg6[%dma_wait3A_333, %dma_wait3A_334] : memref<16x80xf32, #tpu.memory_space<vmem>> -> memref<1x80xf32, #tpu.memory_space<vmem>>
    %dma_wait3A_336 = arith.constant 0 : i32
    %dma_wait3A_337 = tpu.memref_slice %arg2[%squeeze3A_171, %dma_wait3A_336] : memref<80000x80xf32, #tpu.memory_space<hbm>> -> memref<1x80xf32, #tpu.memory_space<hbm>>
    %dma_wait3A_338 = arith.constant 14 : i32
    %dma_wait3A_339 = arith.constant 0 : i32
    %dma_wait3A_340 = tpu.memref_slice %arg6[%dma_wait3A_338, %dma_wait3A_339] : memref<16x80xf32, #tpu.memory_space<vmem>> -> memref<1x80xf32, #tpu.memory_space<vmem>>
    %dma_wait3A_341 = arith.constant 0 : i32
    %dma_wait3A_342 = tpu.memref_slice %arg2[%squeeze3A_171, %dma_wait3A_341] : memref<80000x80xf32, #tpu.memory_space<hbm>> -> memref<1x80xf32, #tpu.memory_space<hbm>>
    tpu.wait_dma2 semaphore(%arg7 : memref<!tpu.dma_semaphore, #tpu.memory_space<semaphore_mem>>) src(%dma_wait3A_342 : memref<1x80xf32, #tpu.memory_space<hbm>>) dst(%dma_wait3A_340 : memref<1x80xf32, #tpu.memory_space<vmem>>)
    %dma_wait3A_343 = arith.constant 15 : i32
    %dma_wait3A_344 = arith.constant 0 : i32
    %dma_wait3A_345 = tpu.memref_slice %arg6[%dma_wait3A_343, %dma_wait3A_344] : memref<16x80xf32, #tpu.memory_space<vmem>> -> memref<1x80xf32, #tpu.memory_space<vmem>>
    %dma_wait3A_346 = arith.constant 0 : i32
    %dma_wait3A_347 = tpu.memref_slice %arg2[%squeeze3A_183, %dma_wait3A_346] : memref<80000x80xf32, #tpu.memory_space<hbm>> -> memref<1x80xf32, #tpu.memory_space<hbm>>
    %dma_wait3A_348 = arith.constant 15 : i32
    %dma_wait3A_349 = arith.constant 0 : i32
    %dma_wait3A_350 = tpu.memref_slice %arg6[%dma_wait3A_348, %dma_wait3A_349] : memref<16x80xf32, #tpu.memory_space<vmem>> -> memref<1x80xf32, #tpu.memory_space<vmem>>
    %dma_wait3A_351 = arith.constant 0 : i32
    %dma_wait3A_352 = tpu.memref_slice %arg2[%squeeze3A_183, %dma_wait3A_351] : memref<80000x80xf32, #tpu.memory_space<hbm>> -> memref<1x80xf32, #tpu.memory_space<hbm>>
    tpu.wait_dma2 semaphore(%arg7 : memref<!tpu.dma_semaphore, #tpu.memory_space<semaphore_mem>>) src(%dma_wait3A_352 : memref<1x80xf32, #tpu.memory_space<hbm>>) dst(%dma_wait3A_350 : memref<1x80xf32, #tpu.memory_space<vmem>>)
    "tpu.region"() ({
      %run_scoped3A = tpu.sem_alloc : memref<!tpu.dma_semaphore, #tpu.memory_space<semaphore_mem>>
      %dma_start3A_353 = arith.constant 0 : i32
      %dma_start3A_354 = tpu.memref_slice %arg4[%mul3A_2, %dma_start3A_353] : memref<512x80xf32, #tpu.memory_space<hbm>> -> memref<16x80xf32, #tpu.memory_space<hbm>>
      %dma_start3A_355 = arith.constant 0 : i32
      %dma_start3A_356 = tpu.memref_slice %arg4[%mul3A_2, %dma_start3A_355] : memref<512x80xf32, #tpu.memory_space<hbm>> -> memref<16x80xf32, #tpu.memory_space<hbm>>
      tpu.enqueue_dma source(%arg6 : memref<16x80xf32, #tpu.memory_space<vmem>>) target(%dma_start3A_356 : memref<16x80xf32, #tpu.memory_space<hbm>>) target_semaphore(%run_scoped3A : memref<!tpu.dma_semaphore, #tpu.memory_space<semaphore_mem>>)
      %dma_wait3A_357 = arith.constant 0 : i32
      %dma_wait3A_358 = tpu.memref_slice %arg4[%mul3A_2, %dma_wait3A_357] : memref<512x80xf32, #tpu.memory_space<hbm>> -> memref<16x80xf32, #tpu.memory_space<hbm>>
      %dma_wait3A_359 = arith.constant 0 : i32
      %dma_wait3A_360 = tpu.memref_slice %arg4[%mul3A_2, %dma_wait3A_359] : memref<512x80xf32, #tpu.memory_space<hbm>> -> memref<16x80xf32, #tpu.memory_space<hbm>>
      tpu.wait_dma2 semaphore(%run_scoped3A : memref<!tpu.dma_semaphore, #tpu.memory_space<semaphore_mem>>) src(%arg6 : memref<16x80xf32, #tpu.memory_space<vmem>>) dst(%dma_wait3A_360 : memref<16x80xf32, #tpu.memory_space<hbm>>)
      tpu.yield
    }) : () -> ()
    return
  }
}

module attributes {stable_mosaic.version = 14 : i64} {
  func.func @_nms_body(%arg0: memref<4x160x128xf32, #tpu.memory_space<vmem>>, %arg1: memref<4x160x128xf32, #tpu.memory_space<vmem>>, %arg2: memref<4x160x128xf32, #tpu.memory_space<vmem>>, %arg3: memref<4x160x128xf32, #tpu.memory_space<vmem>>, %arg4: memref<4x160x128xf32, #tpu.memory_space<vmem>>, %arg5: memref<4x104x128xf32, #tpu.memory_space<vmem>>, %arg6: memref<4x8x128xi32, #tpu.memory_space<vmem>>) attributes {dimension_semantics = [], scalar_prefetch = 0 : i64, scratch_operands = 0 : i64, tpu.core_type = #tpu.core_type<tc>} {
    %get3A = arith.constant 0 : index
    %get3A_0 = arith.constant 0 : index
    %get3A_1 = arith.constant 0 : index
    %get3A_2 = vector.load %arg0[%get3A, %get3A_0, %get3A_1] : memref<4x160x128xf32, #tpu.memory_space<vmem>>, vector<4x160x128xf32>
    %get3A_3 = arith.constant 0 : index
    %get3A_4 = arith.constant 0 : index
    %get3A_5 = arith.constant 0 : index
    %get3A_6 = vector.load %arg1[%get3A_3, %get3A_4, %get3A_5] : memref<4x160x128xf32, #tpu.memory_space<vmem>>, vector<4x160x128xf32>
    %get3A_7 = arith.constant 0 : index
    %get3A_8 = arith.constant 0 : index
    %get3A_9 = arith.constant 0 : index
    %get3A_10 = vector.load %arg2[%get3A_7, %get3A_8, %get3A_9] : memref<4x160x128xf32, #tpu.memory_space<vmem>>, vector<4x160x128xf32>
    %div3A = arith.constant 2.000000e+00 : f32
    %div3A_11 = vector.broadcast %div3A : f32 to vector<4x160x128xf32>
    %div3A_12 = arith.divf %get3A_10, %div3A_11 : vector<4x160x128xf32>
    %get3A_13 = arith.constant 0 : index
    %get3A_14 = arith.constant 0 : index
    %get3A_15 = arith.constant 0 : index
    %get3A_16 = vector.load %arg3[%get3A_13, %get3A_14, %get3A_15] : memref<4x160x128xf32, #tpu.memory_space<vmem>>, vector<4x160x128xf32>
    %div3A_17 = arith.constant 2.000000e+00 : f32
    %div3A_18 = vector.broadcast %div3A_17 : f32 to vector<4x160x128xf32>
    %div3A_19 = arith.divf %get3A_16, %div3A_18 : vector<4x160x128xf32>
    %sub3A = arith.subf %get3A_2, %div3A_12 : vector<4x160x128xf32>
    %sub3A_20 = arith.subf %get3A_6, %div3A_19 : vector<4x160x128xf32>
    %add3A = arith.addf %get3A_2, %div3A_12 : vector<4x160x128xf32>
    %add3A_21 = arith.addf %get3A_6, %div3A_19 : vector<4x160x128xf32>
    %sub3A_22 = arith.subf %add3A, %sub3A : vector<4x160x128xf32>
    %sub3A_23 = arith.subf %add3A_21, %sub3A_20 : vector<4x160x128xf32>
    %mul3A = arith.mulf %sub3A_22, %sub3A_23 : vector<4x160x128xf32>
    %get3A_24 = arith.constant 0 : index
    %get3A_25 = arith.constant 0 : index
    %get3A_26 = arith.constant 0 : index
    %get3A_27 = vector.load %arg4[%get3A_24, %get3A_25, %get3A_26] : memref<4x160x128xf32, #tpu.memory_space<vmem>>, vector<4x160x128xf32>
    %ge3A = arith.constant 5.000000e-01 : f32
    %ge3A_28 = vector.broadcast %ge3A : f32 to vector<4x160x128xf32>
    %ge3A_29 = arith.cmpf oge, %get3A_27, %ge3A_28 : vector<4x160x128xf32>
    %jit3A = arith.constant 0xFF800000 : f32
    %broadcast_in_dim3A = vector.broadcast %jit3A : f32 to vector<4x160x128xf32>
    %select_n3A = arith.select %ge3A_29, %get3A_27, %broadcast_in_dim3A : vector<4x160x128xi1>, vector<4x160x128xf32>
    %iota3A = tpu.iota {dimensions = array<i32: 2>} : vector<4x1x128xi32>
    %iota3A_30 = tpu.iota {dimensions = array<i32: 1>} : vector<4x8x1xi32>
    %broadcast_in_dim3A_31 = arith.constant 0 : i32
    %broadcast_in_dim3A_32 = vector.broadcast %broadcast_in_dim3A_31 : i32 to vector<4x1x1xi32>
    %reduce_max3A = arith.constant dense<0xFF800000> : vector<4x128xf32>
    %reduce_max3A_33 = vector.multi_reduction <maximumf>, %select_n3A, %reduce_max3A [1] : vector<4x160x128xf32> to vector<4x128xf32>
    %broadcast_in_dim3A_34 = vector.shape_cast %reduce_max3A_33 : vector<4x128xf32> to vector<4x1x128xf32>
    %scan3A = arith.constant 0xFF800000 : f32
    %scan3A_35 = arith.constant 0 : i32
    %scan3A_36 = arith.constant 100 : i32
    %scan3A_37 = arith.addi %scan3A_35, %scan3A_36 : i32
    %scan3A_38 = arith.constant 1 : i32
    %scan3A_39:3 = scf.for %scan3A_46 = %scan3A_35 to %scan3A_37 step %scan3A_38 iter_args(%scan3A_47 = %select_n3A, %scan3A_48 = %broadcast_in_dim3A_34, %scan3A_49 = %broadcast_in_dim3A_32) -> (vector<4x160x128xf32>, vector<4x1x128xf32>, vector<4x1x1xi32>)  : i32 {
      %reduce_max3A_50 = arith.constant dense<0xFF800000> : vector<4x1xf32>
      %reduce_max3A_51 = vector.multi_reduction <maximumf>, %scan3A_48, %reduce_max3A_50 [2] : vector<4x1x128xf32> to vector<4x1xf32>
      %broadcast_in_dim3A_52 = vector.shape_cast %reduce_max3A_51 : vector<4x1xf32> to vector<4x1x1xf32>
      %broadcast_in_dim3A_53 = arith.constant 160 : i32
      %broadcast_in_dim3A_54 = vector.broadcast %broadcast_in_dim3A_53 : i32 to vector<4x8x128xi32>
      %slice3A = vector.extract_strided_slice %scan3A_47 {offsets = [0, 0, 0], sizes = [4, 8, 128], strides = [1, 1, 1]} : vector<4x160x128xf32> to vector<4x8x128xf32>
      %eq3A = vector.broadcast %broadcast_in_dim3A_52 : vector<4x1x1xf32> to vector<4x8x128xf32>
      %eq3A_55 = arith.cmpf oeq, %slice3A, %eq3A : vector<4x8x128xf32>
      %add3A_56 = arith.constant 0 : i32
      %add3A_57 = vector.broadcast %add3A_56 : i32 to vector<4x8x1xi32>
      %add3A_58 = arith.addi %iota3A_30, %add3A_57 : vector<4x8x1xi32>
      %jit3A_59 = arith.constant 160 : i32
      %broadcast_in_dim3A_60 = vector.shape_cast %add3A_58 : vector<4x8x1xi32> to vector<4x8x1xi32>
      %broadcast_in_dim3A_61 = vector.broadcast %broadcast_in_dim3A_60 : vector<4x8x1xi32> to vector<4x8x128xi32>
      %broadcast_in_dim3A_62 = vector.broadcast %jit3A_59 : i32 to vector<4x8x128xi32>
      %select_n3A_63 = arith.select %eq3A_55, %broadcast_in_dim3A_61, %broadcast_in_dim3A_62 : vector<4x8x128xi1>, vector<4x8x128xi32>
      %min3A = arith.minsi %broadcast_in_dim3A_54, %select_n3A_63 : vector<4x8x128xi32>
      %slice3A_64 = vector.extract_strided_slice %scan3A_47 {offsets = [0, 8, 0], sizes = [4, 8, 128], strides = [1, 1, 1]} : vector<4x160x128xf32> to vector<4x8x128xf32>
      %eq3A_65 = vector.broadcast %broadcast_in_dim3A_52 : vector<4x1x1xf32> to vector<4x8x128xf32>
      %eq3A_66 = arith.cmpf oeq, %slice3A_64, %eq3A_65 : vector<4x8x128xf32>
      %add3A_67 = arith.constant 8 : i32
      %add3A_68 = vector.broadcast %add3A_67 : i32 to vector<4x8x1xi32>
      %add3A_69 = arith.addi %iota3A_30, %add3A_68 : vector<4x8x1xi32>
      %jit3A_70 = arith.constant 160 : i32
      %broadcast_in_dim3A_71 = vector.shape_cast %add3A_69 : vector<4x8x1xi32> to vector<4x8x1xi32>
      %broadcast_in_dim3A_72 = vector.broadcast %broadcast_in_dim3A_71 : vector<4x8x1xi32> to vector<4x8x128xi32>
      %broadcast_in_dim3A_73 = vector.broadcast %jit3A_70 : i32 to vector<4x8x128xi32>
      %select_n3A_74 = arith.select %eq3A_66, %broadcast_in_dim3A_72, %broadcast_in_dim3A_73 : vector<4x8x128xi1>, vector<4x8x128xi32>
      %min3A_75 = arith.minsi %min3A, %select_n3A_74 : vector<4x8x128xi32>
      %slice3A_76 = vector.extract_strided_slice %scan3A_47 {offsets = [0, 16, 0], sizes = [4, 8, 128], strides = [1, 1, 1]} : vector<4x160x128xf32> to vector<4x8x128xf32>
      %eq3A_77 = vector.broadcast %broadcast_in_dim3A_52 : vector<4x1x1xf32> to vector<4x8x128xf32>
      %eq3A_78 = arith.cmpf oeq, %slice3A_76, %eq3A_77 : vector<4x8x128xf32>
      %add3A_79 = arith.constant 16 : i32
      %add3A_80 = vector.broadcast %add3A_79 : i32 to vector<4x8x1xi32>
      %add3A_81 = arith.addi %iota3A_30, %add3A_80 : vector<4x8x1xi32>
      %jit3A_82 = arith.constant 160 : i32
      %broadcast_in_dim3A_83 = vector.shape_cast %add3A_81 : vector<4x8x1xi32> to vector<4x8x1xi32>
      %broadcast_in_dim3A_84 = vector.broadcast %broadcast_in_dim3A_83 : vector<4x8x1xi32> to vector<4x8x128xi32>
      %broadcast_in_dim3A_85 = vector.broadcast %jit3A_82 : i32 to vector<4x8x128xi32>
      %select_n3A_86 = arith.select %eq3A_78, %broadcast_in_dim3A_84, %broadcast_in_dim3A_85 : vector<4x8x128xi1>, vector<4x8x128xi32>
      %min3A_87 = arith.minsi %min3A_75, %select_n3A_86 : vector<4x8x128xi32>
      %slice3A_88 = vector.extract_strided_slice %scan3A_47 {offsets = [0, 24, 0], sizes = [4, 8, 128], strides = [1, 1, 1]} : vector<4x160x128xf32> to vector<4x8x128xf32>
      %eq3A_89 = vector.broadcast %broadcast_in_dim3A_52 : vector<4x1x1xf32> to vector<4x8x128xf32>
      %eq3A_90 = arith.cmpf oeq, %slice3A_88, %eq3A_89 : vector<4x8x128xf32>
      %add3A_91 = arith.constant 24 : i32
      %add3A_92 = vector.broadcast %add3A_91 : i32 to vector<4x8x1xi32>
      %add3A_93 = arith.addi %iota3A_30, %add3A_92 : vector<4x8x1xi32>
      %jit3A_94 = arith.constant 160 : i32
      %broadcast_in_dim3A_95 = vector.shape_cast %add3A_93 : vector<4x8x1xi32> to vector<4x8x1xi32>
      %broadcast_in_dim3A_96 = vector.broadcast %broadcast_in_dim3A_95 : vector<4x8x1xi32> to vector<4x8x128xi32>
      %broadcast_in_dim3A_97 = vector.broadcast %jit3A_94 : i32 to vector<4x8x128xi32>
      %select_n3A_98 = arith.select %eq3A_90, %broadcast_in_dim3A_96, %broadcast_in_dim3A_97 : vector<4x8x128xi1>, vector<4x8x128xi32>
      %min3A_99 = arith.minsi %min3A_87, %select_n3A_98 : vector<4x8x128xi32>
      %slice3A_100 = vector.extract_strided_slice %scan3A_47 {offsets = [0, 32, 0], sizes = [4, 8, 128], strides = [1, 1, 1]} : vector<4x160x128xf32> to vector<4x8x128xf32>
      %eq3A_101 = vector.broadcast %broadcast_in_dim3A_52 : vector<4x1x1xf32> to vector<4x8x128xf32>
      %eq3A_102 = arith.cmpf oeq, %slice3A_100, %eq3A_101 : vector<4x8x128xf32>
      %add3A_103 = arith.constant 32 : i32
      %add3A_104 = vector.broadcast %add3A_103 : i32 to vector<4x8x1xi32>
      %add3A_105 = arith.addi %iota3A_30, %add3A_104 : vector<4x8x1xi32>
      %jit3A_106 = arith.constant 160 : i32
      %broadcast_in_dim3A_107 = vector.shape_cast %add3A_105 : vector<4x8x1xi32> to vector<4x8x1xi32>
      %broadcast_in_dim3A_108 = vector.broadcast %broadcast_in_dim3A_107 : vector<4x8x1xi32> to vector<4x8x128xi32>
      %broadcast_in_dim3A_109 = vector.broadcast %jit3A_106 : i32 to vector<4x8x128xi32>
      %select_n3A_110 = arith.select %eq3A_102, %broadcast_in_dim3A_108, %broadcast_in_dim3A_109 : vector<4x8x128xi1>, vector<4x8x128xi32>
      %min3A_111 = arith.minsi %min3A_99, %select_n3A_110 : vector<4x8x128xi32>
      %slice3A_112 = vector.extract_strided_slice %scan3A_47 {offsets = [0, 40, 0], sizes = [4, 8, 128], strides = [1, 1, 1]} : vector<4x160x128xf32> to vector<4x8x128xf32>
      %eq3A_113 = vector.broadcast %broadcast_in_dim3A_52 : vector<4x1x1xf32> to vector<4x8x128xf32>
      %eq3A_114 = arith.cmpf oeq, %slice3A_112, %eq3A_113 : vector<4x8x128xf32>
      %add3A_115 = arith.constant 40 : i32
      %add3A_116 = vector.broadcast %add3A_115 : i32 to vector<4x8x1xi32>
      %add3A_117 = arith.addi %iota3A_30, %add3A_116 : vector<4x8x1xi32>
      %jit3A_118 = arith.constant 160 : i32
      %broadcast_in_dim3A_119 = vector.shape_cast %add3A_117 : vector<4x8x1xi32> to vector<4x8x1xi32>
      %broadcast_in_dim3A_120 = vector.broadcast %broadcast_in_dim3A_119 : vector<4x8x1xi32> to vector<4x8x128xi32>
      %broadcast_in_dim3A_121 = vector.broadcast %jit3A_118 : i32 to vector<4x8x128xi32>
      %select_n3A_122 = arith.select %eq3A_114, %broadcast_in_dim3A_120, %broadcast_in_dim3A_121 : vector<4x8x128xi1>, vector<4x8x128xi32>
      %min3A_123 = arith.minsi %min3A_111, %select_n3A_122 : vector<4x8x128xi32>
      %slice3A_124 = vector.extract_strided_slice %scan3A_47 {offsets = [0, 48, 0], sizes = [4, 8, 128], strides = [1, 1, 1]} : vector<4x160x128xf32> to vector<4x8x128xf32>
      %eq3A_125 = vector.broadcast %broadcast_in_dim3A_52 : vector<4x1x1xf32> to vector<4x8x128xf32>
      %eq3A_126 = arith.cmpf oeq, %slice3A_124, %eq3A_125 : vector<4x8x128xf32>
      %add3A_127 = arith.constant 48 : i32
      %add3A_128 = vector.broadcast %add3A_127 : i32 to vector<4x8x1xi32>
      %add3A_129 = arith.addi %iota3A_30, %add3A_128 : vector<4x8x1xi32>
      %jit3A_130 = arith.constant 160 : i32
      %broadcast_in_dim3A_131 = vector.shape_cast %add3A_129 : vector<4x8x1xi32> to vector<4x8x1xi32>
      %broadcast_in_dim3A_132 = vector.broadcast %broadcast_in_dim3A_131 : vector<4x8x1xi32> to vector<4x8x128xi32>
      %broadcast_in_dim3A_133 = vector.broadcast %jit3A_130 : i32 to vector<4x8x128xi32>
      %select_n3A_134 = arith.select %eq3A_126, %broadcast_in_dim3A_132, %broadcast_in_dim3A_133 : vector<4x8x128xi1>, vector<4x8x128xi32>
      %min3A_135 = arith.minsi %min3A_123, %select_n3A_134 : vector<4x8x128xi32>
      %slice3A_136 = vector.extract_strided_slice %scan3A_47 {offsets = [0, 56, 0], sizes = [4, 8, 128], strides = [1, 1, 1]} : vector<4x160x128xf32> to vector<4x8x128xf32>
      %eq3A_137 = vector.broadcast %broadcast_in_dim3A_52 : vector<4x1x1xf32> to vector<4x8x128xf32>
      %eq3A_138 = arith.cmpf oeq, %slice3A_136, %eq3A_137 : vector<4x8x128xf32>
      %add3A_139 = arith.constant 56 : i32
      %add3A_140 = vector.broadcast %add3A_139 : i32 to vector<4x8x1xi32>
      %add3A_141 = arith.addi %iota3A_30, %add3A_140 : vector<4x8x1xi32>
      %jit3A_142 = arith.constant 160 : i32
      %broadcast_in_dim3A_143 = vector.shape_cast %add3A_141 : vector<4x8x1xi32> to vector<4x8x1xi32>
      %broadcast_in_dim3A_144 = vector.broadcast %broadcast_in_dim3A_143 : vector<4x8x1xi32> to vector<4x8x128xi32>
      %broadcast_in_dim3A_145 = vector.broadcast %jit3A_142 : i32 to vector<4x8x128xi32>
      %select_n3A_146 = arith.select %eq3A_138, %broadcast_in_dim3A_144, %broadcast_in_dim3A_145 : vector<4x8x128xi1>, vector<4x8x128xi32>
      %min3A_147 = arith.minsi %min3A_135, %select_n3A_146 : vector<4x8x128xi32>
      %slice3A_148 = vector.extract_strided_slice %scan3A_47 {offsets = [0, 64, 0], sizes = [4, 8, 128], strides = [1, 1, 1]} : vector<4x160x128xf32> to vector<4x8x128xf32>
      %eq3A_149 = vector.broadcast %broadcast_in_dim3A_52 : vector<4x1x1xf32> to vector<4x8x128xf32>
      %eq3A_150 = arith.cmpf oeq, %slice3A_148, %eq3A_149 : vector<4x8x128xf32>
      %add3A_151 = arith.constant 64 : i32
      %add3A_152 = vector.broadcast %add3A_151 : i32 to vector<4x8x1xi32>
      %add3A_153 = arith.addi %iota3A_30, %add3A_152 : vector<4x8x1xi32>
      %jit3A_154 = arith.constant 160 : i32
      %broadcast_in_dim3A_155 = vector.shape_cast %add3A_153 : vector<4x8x1xi32> to vector<4x8x1xi32>
      %broadcast_in_dim3A_156 = vector.broadcast %broadcast_in_dim3A_155 : vector<4x8x1xi32> to vector<4x8x128xi32>
      %broadcast_in_dim3A_157 = vector.broadcast %jit3A_154 : i32 to vector<4x8x128xi32>
      %select_n3A_158 = arith.select %eq3A_150, %broadcast_in_dim3A_156, %broadcast_in_dim3A_157 : vector<4x8x128xi1>, vector<4x8x128xi32>
      %min3A_159 = arith.minsi %min3A_147, %select_n3A_158 : vector<4x8x128xi32>
      %slice3A_160 = vector.extract_strided_slice %scan3A_47 {offsets = [0, 72, 0], sizes = [4, 8, 128], strides = [1, 1, 1]} : vector<4x160x128xf32> to vector<4x8x128xf32>
      %eq3A_161 = vector.broadcast %broadcast_in_dim3A_52 : vector<4x1x1xf32> to vector<4x8x128xf32>
      %eq3A_162 = arith.cmpf oeq, %slice3A_160, %eq3A_161 : vector<4x8x128xf32>
      %add3A_163 = arith.constant 72 : i32
      %add3A_164 = vector.broadcast %add3A_163 : i32 to vector<4x8x1xi32>
      %add3A_165 = arith.addi %iota3A_30, %add3A_164 : vector<4x8x1xi32>
      %jit3A_166 = arith.constant 160 : i32
      %broadcast_in_dim3A_167 = vector.shape_cast %add3A_165 : vector<4x8x1xi32> to vector<4x8x1xi32>
      %broadcast_in_dim3A_168 = vector.broadcast %broadcast_in_dim3A_167 : vector<4x8x1xi32> to vector<4x8x128xi32>
      %broadcast_in_dim3A_169 = vector.broadcast %jit3A_166 : i32 to vector<4x8x128xi32>
      %select_n3A_170 = arith.select %eq3A_162, %broadcast_in_dim3A_168, %broadcast_in_dim3A_169 : vector<4x8x128xi1>, vector<4x8x128xi32>
      %min3A_171 = arith.minsi %min3A_159, %select_n3A_170 : vector<4x8x128xi32>
      %slice3A_172 = vector.extract_strided_slice %scan3A_47 {offsets = [0, 80, 0], sizes = [4, 8, 128], strides = [1, 1, 1]} : vector<4x160x128xf32> to vector<4x8x128xf32>
      %eq3A_173 = vector.broadcast %broadcast_in_dim3A_52 : vector<4x1x1xf32> to vector<4x8x128xf32>
      %eq3A_174 = arith.cmpf oeq, %slice3A_172, %eq3A_173 : vector<4x8x128xf32>
      %add3A_175 = arith.constant 80 : i32
      %add3A_176 = vector.broadcast %add3A_175 : i32 to vector<4x8x1xi32>
      %add3A_177 = arith.addi %iota3A_30, %add3A_176 : vector<4x8x1xi32>
      %jit3A_178 = arith.constant 160 : i32
      %broadcast_in_dim3A_179 = vector.shape_cast %add3A_177 : vector<4x8x1xi32> to vector<4x8x1xi32>
      %broadcast_in_dim3A_180 = vector.broadcast %broadcast_in_dim3A_179 : vector<4x8x1xi32> to vector<4x8x128xi32>
      %broadcast_in_dim3A_181 = vector.broadcast %jit3A_178 : i32 to vector<4x8x128xi32>
      %select_n3A_182 = arith.select %eq3A_174, %broadcast_in_dim3A_180, %broadcast_in_dim3A_181 : vector<4x8x128xi1>, vector<4x8x128xi32>
      %min3A_183 = arith.minsi %min3A_171, %select_n3A_182 : vector<4x8x128xi32>
      %slice3A_184 = vector.extract_strided_slice %scan3A_47 {offsets = [0, 88, 0], sizes = [4, 8, 128], strides = [1, 1, 1]} : vector<4x160x128xf32> to vector<4x8x128xf32>
      %eq3A_185 = vector.broadcast %broadcast_in_dim3A_52 : vector<4x1x1xf32> to vector<4x8x128xf32>
      %eq3A_186 = arith.cmpf oeq, %slice3A_184, %eq3A_185 : vector<4x8x128xf32>
      %add3A_187 = arith.constant 88 : i32
      %add3A_188 = vector.broadcast %add3A_187 : i32 to vector<4x8x1xi32>
      %add3A_189 = arith.addi %iota3A_30, %add3A_188 : vector<4x8x1xi32>
      %jit3A_190 = arith.constant 160 : i32
      %broadcast_in_dim3A_191 = vector.shape_cast %add3A_189 : vector<4x8x1xi32> to vector<4x8x1xi32>
      %broadcast_in_dim3A_192 = vector.broadcast %broadcast_in_dim3A_191 : vector<4x8x1xi32> to vector<4x8x128xi32>
      %broadcast_in_dim3A_193 = vector.broadcast %jit3A_190 : i32 to vector<4x8x128xi32>
      %select_n3A_194 = arith.select %eq3A_186, %broadcast_in_dim3A_192, %broadcast_in_dim3A_193 : vector<4x8x128xi1>, vector<4x8x128xi32>
      %min3A_195 = arith.minsi %min3A_183, %select_n3A_194 : vector<4x8x128xi32>
      %slice3A_196 = vector.extract_strided_slice %scan3A_47 {offsets = [0, 96, 0], sizes = [4, 8, 128], strides = [1, 1, 1]} : vector<4x160x128xf32> to vector<4x8x128xf32>
      %eq3A_197 = vector.broadcast %broadcast_in_dim3A_52 : vector<4x1x1xf32> to vector<4x8x128xf32>
      %eq3A_198 = arith.cmpf oeq, %slice3A_196, %eq3A_197 : vector<4x8x128xf32>
      %add3A_199 = arith.constant 96 : i32
      %add3A_200 = vector.broadcast %add3A_199 : i32 to vector<4x8x1xi32>
      %add3A_201 = arith.addi %iota3A_30, %add3A_200 : vector<4x8x1xi32>
      %jit3A_202 = arith.constant 160 : i32
      %broadcast_in_dim3A_203 = vector.shape_cast %add3A_201 : vector<4x8x1xi32> to vector<4x8x1xi32>
      %broadcast_in_dim3A_204 = vector.broadcast %broadcast_in_dim3A_203 : vector<4x8x1xi32> to vector<4x8x128xi32>
      %broadcast_in_dim3A_205 = vector.broadcast %jit3A_202 : i32 to vector<4x8x128xi32>
      %select_n3A_206 = arith.select %eq3A_198, %broadcast_in_dim3A_204, %broadcast_in_dim3A_205 : vector<4x8x128xi1>, vector<4x8x128xi32>
      %min3A_207 = arith.minsi %min3A_195, %select_n3A_206 : vector<4x8x128xi32>
      %slice3A_208 = vector.extract_strided_slice %scan3A_47 {offsets = [0, 104, 0], sizes = [4, 8, 128], strides = [1, 1, 1]} : vector<4x160x128xf32> to vector<4x8x128xf32>
      %eq3A_209 = vector.broadcast %broadcast_in_dim3A_52 : vector<4x1x1xf32> to vector<4x8x128xf32>
      %eq3A_210 = arith.cmpf oeq, %slice3A_208, %eq3A_209 : vector<4x8x128xf32>
      %add3A_211 = arith.constant 104 : i32
      %add3A_212 = vector.broadcast %add3A_211 : i32 to vector<4x8x1xi32>
      %add3A_213 = arith.addi %iota3A_30, %add3A_212 : vector<4x8x1xi32>
      %jit3A_214 = arith.constant 160 : i32
      %broadcast_in_dim3A_215 = vector.shape_cast %add3A_213 : vector<4x8x1xi32> to vector<4x8x1xi32>
      %broadcast_in_dim3A_216 = vector.broadcast %broadcast_in_dim3A_215 : vector<4x8x1xi32> to vector<4x8x128xi32>
      %broadcast_in_dim3A_217 = vector.broadcast %jit3A_214 : i32 to vector<4x8x128xi32>
      %select_n3A_218 = arith.select %eq3A_210, %broadcast_in_dim3A_216, %broadcast_in_dim3A_217 : vector<4x8x128xi1>, vector<4x8x128xi32>
      %min3A_219 = arith.minsi %min3A_207, %select_n3A_218 : vector<4x8x128xi32>
      %slice3A_220 = vector.extract_strided_slice %scan3A_47 {offsets = [0, 112, 0], sizes = [4, 8, 128], strides = [1, 1, 1]} : vector<4x160x128xf32> to vector<4x8x128xf32>
      %eq3A_221 = vector.broadcast %broadcast_in_dim3A_52 : vector<4x1x1xf32> to vector<4x8x128xf32>
      %eq3A_222 = arith.cmpf oeq, %slice3A_220, %eq3A_221 : vector<4x8x128xf32>
      %add3A_223 = arith.constant 112 : i32
      %add3A_224 = vector.broadcast %add3A_223 : i32 to vector<4x8x1xi32>
      %add3A_225 = arith.addi %iota3A_30, %add3A_224 : vector<4x8x1xi32>
      %jit3A_226 = arith.constant 160 : i32
      %broadcast_in_dim3A_227 = vector.shape_cast %add3A_225 : vector<4x8x1xi32> to vector<4x8x1xi32>
      %broadcast_in_dim3A_228 = vector.broadcast %broadcast_in_dim3A_227 : vector<4x8x1xi32> to vector<4x8x128xi32>
      %broadcast_in_dim3A_229 = vector.broadcast %jit3A_226 : i32 to vector<4x8x128xi32>
      %select_n3A_230 = arith.select %eq3A_222, %broadcast_in_dim3A_228, %broadcast_in_dim3A_229 : vector<4x8x128xi1>, vector<4x8x128xi32>
      %min3A_231 = arith.minsi %min3A_219, %select_n3A_230 : vector<4x8x128xi32>
      %slice3A_232 = vector.extract_strided_slice %scan3A_47 {offsets = [0, 120, 0], sizes = [4, 8, 128], strides = [1, 1, 1]} : vector<4x160x128xf32> to vector<4x8x128xf32>
      %eq3A_233 = vector.broadcast %broadcast_in_dim3A_52 : vector<4x1x1xf32> to vector<4x8x128xf32>
      %eq3A_234 = arith.cmpf oeq, %slice3A_232, %eq3A_233 : vector<4x8x128xf32>
      %add3A_235 = arith.constant 120 : i32
      %add3A_236 = vector.broadcast %add3A_235 : i32 to vector<4x8x1xi32>
      %add3A_237 = arith.addi %iota3A_30, %add3A_236 : vector<4x8x1xi32>
      %jit3A_238 = arith.constant 160 : i32
      %broadcast_in_dim3A_239 = vector.shape_cast %add3A_237 : vector<4x8x1xi32> to vector<4x8x1xi32>
      %broadcast_in_dim3A_240 = vector.broadcast %broadcast_in_dim3A_239 : vector<4x8x1xi32> to vector<4x8x128xi32>
      %broadcast_in_dim3A_241 = vector.broadcast %jit3A_238 : i32 to vector<4x8x128xi32>
      %select_n3A_242 = arith.select %eq3A_234, %broadcast_in_dim3A_240, %broadcast_in_dim3A_241 : vector<4x8x128xi1>, vector<4x8x128xi32>
      %min3A_243 = arith.minsi %min3A_231, %select_n3A_242 : vector<4x8x128xi32>
      %slice3A_244 = vector.extract_strided_slice %scan3A_47 {offsets = [0, 128, 0], sizes = [4, 8, 128], strides = [1, 1, 1]} : vector<4x160x128xf32> to vector<4x8x128xf32>
      %eq3A_245 = vector.broadcast %broadcast_in_dim3A_52 : vector<4x1x1xf32> to vector<4x8x128xf32>
      %eq3A_246 = arith.cmpf oeq, %slice3A_244, %eq3A_245 : vector<4x8x128xf32>
      %add3A_247 = arith.constant 128 : i32
      %add3A_248 = vector.broadcast %add3A_247 : i32 to vector<4x8x1xi32>
      %add3A_249 = arith.addi %iota3A_30, %add3A_248 : vector<4x8x1xi32>
      %jit3A_250 = arith.constant 160 : i32
      %broadcast_in_dim3A_251 = vector.shape_cast %add3A_249 : vector<4x8x1xi32> to vector<4x8x1xi32>
      %broadcast_in_dim3A_252 = vector.broadcast %broadcast_in_dim3A_251 : vector<4x8x1xi32> to vector<4x8x128xi32>
      %broadcast_in_dim3A_253 = vector.broadcast %jit3A_250 : i32 to vector<4x8x128xi32>
      %select_n3A_254 = arith.select %eq3A_246, %broadcast_in_dim3A_252, %broadcast_in_dim3A_253 : vector<4x8x128xi1>, vector<4x8x128xi32>
      %min3A_255 = arith.minsi %min3A_243, %select_n3A_254 : vector<4x8x128xi32>
      %slice3A_256 = vector.extract_strided_slice %scan3A_47 {offsets = [0, 136, 0], sizes = [4, 8, 128], strides = [1, 1, 1]} : vector<4x160x128xf32> to vector<4x8x128xf32>
      %eq3A_257 = vector.broadcast %broadcast_in_dim3A_52 : vector<4x1x1xf32> to vector<4x8x128xf32>
      %eq3A_258 = arith.cmpf oeq, %slice3A_256, %eq3A_257 : vector<4x8x128xf32>
      %add3A_259 = arith.constant 136 : i32
      %add3A_260 = vector.broadcast %add3A_259 : i32 to vector<4x8x1xi32>
      %add3A_261 = arith.addi %iota3A_30, %add3A_260 : vector<4x8x1xi32>
      %jit3A_262 = arith.constant 160 : i32
      %broadcast_in_dim3A_263 = vector.shape_cast %add3A_261 : vector<4x8x1xi32> to vector<4x8x1xi32>
      %broadcast_in_dim3A_264 = vector.broadcast %broadcast_in_dim3A_263 : vector<4x8x1xi32> to vector<4x8x128xi32>
      %broadcast_in_dim3A_265 = vector.broadcast %jit3A_262 : i32 to vector<4x8x128xi32>
      %select_n3A_266 = arith.select %eq3A_258, %broadcast_in_dim3A_264, %broadcast_in_dim3A_265 : vector<4x8x128xi1>, vector<4x8x128xi32>
      %min3A_267 = arith.minsi %min3A_255, %select_n3A_266 : vector<4x8x128xi32>
      %slice3A_268 = vector.extract_strided_slice %scan3A_47 {offsets = [0, 144, 0], sizes = [4, 8, 128], strides = [1, 1, 1]} : vector<4x160x128xf32> to vector<4x8x128xf32>
      %eq3A_269 = vector.broadcast %broadcast_in_dim3A_52 : vector<4x1x1xf32> to vector<4x8x128xf32>
      %eq3A_270 = arith.cmpf oeq, %slice3A_268, %eq3A_269 : vector<4x8x128xf32>
      %add3A_271 = arith.constant 144 : i32
      %add3A_272 = vector.broadcast %add3A_271 : i32 to vector<4x8x1xi32>
      %add3A_273 = arith.addi %iota3A_30, %add3A_272 : vector<4x8x1xi32>
      %jit3A_274 = arith.constant 160 : i32
      %broadcast_in_dim3A_275 = vector.shape_cast %add3A_273 : vector<4x8x1xi32> to vector<4x8x1xi32>
      %broadcast_in_dim3A_276 = vector.broadcast %broadcast_in_dim3A_275 : vector<4x8x1xi32> to vector<4x8x128xi32>
      %broadcast_in_dim3A_277 = vector.broadcast %jit3A_274 : i32 to vector<4x8x128xi32>
      %select_n3A_278 = arith.select %eq3A_270, %broadcast_in_dim3A_276, %broadcast_in_dim3A_277 : vector<4x8x128xi1>, vector<4x8x128xi32>
      %min3A_279 = arith.minsi %min3A_267, %select_n3A_278 : vector<4x8x128xi32>
      %slice3A_280 = vector.extract_strided_slice %scan3A_47 {offsets = [0, 152, 0], sizes = [4, 8, 128], strides = [1, 1, 1]} : vector<4x160x128xf32> to vector<4x8x128xf32>
      %eq3A_281 = vector.broadcast %broadcast_in_dim3A_52 : vector<4x1x1xf32> to vector<4x8x128xf32>
      %eq3A_282 = arith.cmpf oeq, %slice3A_280, %eq3A_281 : vector<4x8x128xf32>
      %add3A_283 = arith.constant 152 : i32
      %add3A_284 = vector.broadcast %add3A_283 : i32 to vector<4x8x1xi32>
      %add3A_285 = arith.addi %iota3A_30, %add3A_284 : vector<4x8x1xi32>
      %jit3A_286 = arith.constant 160 : i32
      %broadcast_in_dim3A_287 = vector.shape_cast %add3A_285 : vector<4x8x1xi32> to vector<4x8x1xi32>
      %broadcast_in_dim3A_288 = vector.broadcast %broadcast_in_dim3A_287 : vector<4x8x1xi32> to vector<4x8x128xi32>
      %broadcast_in_dim3A_289 = vector.broadcast %jit3A_286 : i32 to vector<4x8x128xi32>
      %select_n3A_290 = arith.select %eq3A_282, %broadcast_in_dim3A_288, %broadcast_in_dim3A_289 : vector<4x8x128xi1>, vector<4x8x128xi32>
      %min3A_291 = arith.minsi %min3A_279, %select_n3A_290 : vector<4x8x128xi32>
      %reduce_min3A = arith.constant dense<2147483647> : vector<4x128xi32>
      %reduce_min3A_292 = vector.multi_reduction <minsi>, %min3A_291, %reduce_min3A [1] : vector<4x8x128xi32> to vector<4x128xi32>
      %broadcast_in_dim3A_293 = vector.shape_cast %reduce_min3A_292 : vector<4x128xi32> to vector<4x1x128xi32>
      %mul3A_294 = arith.constant 128 : i32
      %mul3A_295 = vector.broadcast %mul3A_294 : i32 to vector<4x1x128xi32>
      %mul3A_296 = arith.muli %broadcast_in_dim3A_293, %mul3A_295 : vector<4x1x128xi32>
      %add3A_297 = arith.addi %mul3A_296, %iota3A : vector<4x1x128xi32>
      %reduce_min3A_298 = arith.constant dense<2147483647> : vector<4x1xi32>
      %reduce_min3A_299 = vector.multi_reduction <minsi>, %add3A_297, %reduce_min3A_298 [2] : vector<4x1x128xi32> to vector<4x1xi32>
      %broadcast_in_dim3A_300 = vector.shape_cast %reduce_min3A_299 : vector<4x1xi32> to vector<4x1x1xi32>
      %shift_right_logical3A = arith.constant 7 : i32
      %shift_right_logical3A_301 = vector.broadcast %shift_right_logical3A : i32 to vector<4x1x1xi32>
      %shift_right_logical3A_302 = arith.shrui %broadcast_in_dim3A_300, %shift_right_logical3A_301 : vector<4x1x1xi32>
      %and3A = arith.constant 127 : i32
      %and3A_303 = vector.broadcast %and3A : i32 to vector<4x1x1xi32>
      %and3A_304 = arith.andi %broadcast_in_dim3A_300, %and3A_303 : vector<4x1x1xi32>
      %eq3A_305 = vector.broadcast %and3A_304 : vector<4x1x1xi32> to vector<4x1x128xi32>
      %eq3A_306 = arith.cmpi eq, %iota3A, %eq3A_305 : vector<4x1x128xi32>
      %broadcast_in_dim3A_307 = arith.constant 0.000000e+00 : f32
      %broadcast_in_dim3A_308 = vector.broadcast %broadcast_in_dim3A_307 : f32 to vector<4x8x128xf32>
      %broadcast_in_dim3A_309 = arith.constant 0.000000e+00 : f32
      %broadcast_in_dim3A_310 = vector.broadcast %broadcast_in_dim3A_309 : f32 to vector<4x8x128xf32>
      %broadcast_in_dim3A_311 = arith.constant 0.000000e+00 : f32
      %broadcast_in_dim3A_312 = vector.broadcast %broadcast_in_dim3A_311 : f32 to vector<4x8x128xf32>
      %broadcast_in_dim3A_313 = arith.constant 0.000000e+00 : f32
      %broadcast_in_dim3A_314 = vector.broadcast %broadcast_in_dim3A_313 : f32 to vector<4x8x128xf32>
      %add3A_315 = arith.constant 0 : i32
      %add3A_316 = vector.broadcast %add3A_315 : i32 to vector<4x8x1xi32>
      %add3A_317 = arith.addi %iota3A_30, %add3A_316 : vector<4x8x1xi32>
      %eq3A_318 = vector.broadcast %shift_right_logical3A_302 : vector<4x1x1xi32> to vector<4x8x1xi32>
      %eq3A_319 = arith.cmpi eq, %add3A_317, %eq3A_318 : vector<4x8x1xi32>
      %slice3A_320 = vector.extract_strided_slice %sub3A {offsets = [0, 0, 0], sizes = [4, 8, 128], strides = [1, 1, 1]} : vector<4x160x128xf32> to vector<4x8x128xf32>
      %jit3A_321 = arith.constant 0.000000e+00 : f32
      %broadcast_in_dim3A_322 = vector.shape_cast %eq3A_319 : vector<4x8x1xi1> to vector<4x8x1xi1>
      %broadcast_in_dim3A_323 = vector.broadcast %broadcast_in_dim3A_322 : vector<4x8x1xi1> to vector<4x8x128xi1>
      %broadcast_in_dim3A_324 = vector.broadcast %jit3A_321 : f32 to vector<4x8x128xf32>
      %select_n3A_325 = arith.select %broadcast_in_dim3A_323, %slice3A_320, %broadcast_in_dim3A_324 : vector<4x8x128xi1>, vector<4x8x128xf32>
      %add3A_326 = arith.addf %broadcast_in_dim3A_308, %select_n3A_325 : vector<4x8x128xf32>
      %slice3A_327 = vector.extract_strided_slice %sub3A_20 {offsets = [0, 0, 0], sizes = [4, 8, 128], strides = [1, 1, 1]} : vector<4x160x128xf32> to vector<4x8x128xf32>
      %jit3A_328 = arith.constant 0.000000e+00 : f32
      %broadcast_in_dim3A_329 = vector.shape_cast %eq3A_319 : vector<4x8x1xi1> to vector<4x8x1xi1>
      %broadcast_in_dim3A_330 = vector.broadcast %broadcast_in_dim3A_329 : vector<4x8x1xi1> to vector<4x8x128xi1>
      %broadcast_in_dim3A_331 = vector.broadcast %jit3A_328 : f32 to vector<4x8x128xf32>
      %select_n3A_332 = arith.select %broadcast_in_dim3A_330, %slice3A_327, %broadcast_in_dim3A_331 : vector<4x8x128xi1>, vector<4x8x128xf32>
      %add3A_333 = arith.addf %broadcast_in_dim3A_310, %select_n3A_332 : vector<4x8x128xf32>
      %slice3A_334 = vector.extract_strided_slice %add3A {offsets = [0, 0, 0], sizes = [4, 8, 128], strides = [1, 1, 1]} : vector<4x160x128xf32> to vector<4x8x128xf32>
      %jit3A_335 = arith.constant 0.000000e+00 : f32
      %broadcast_in_dim3A_336 = vector.shape_cast %eq3A_319 : vector<4x8x1xi1> to vector<4x8x1xi1>
      %broadcast_in_dim3A_337 = vector.broadcast %broadcast_in_dim3A_336 : vector<4x8x1xi1> to vector<4x8x128xi1>
      %broadcast_in_dim3A_338 = vector.broadcast %jit3A_335 : f32 to vector<4x8x128xf32>
      %select_n3A_339 = arith.select %broadcast_in_dim3A_337, %slice3A_334, %broadcast_in_dim3A_338 : vector<4x8x128xi1>, vector<4x8x128xf32>
      %add3A_340 = arith.addf %broadcast_in_dim3A_312, %select_n3A_339 : vector<4x8x128xf32>
      %slice3A_341 = vector.extract_strided_slice %add3A_21 {offsets = [0, 0, 0], sizes = [4, 8, 128], strides = [1, 1, 1]} : vector<4x160x128xf32> to vector<4x8x128xf32>
      %jit3A_342 = arith.constant 0.000000e+00 : f32
      %broadcast_in_dim3A_343 = vector.shape_cast %eq3A_319 : vector<4x8x1xi1> to vector<4x8x1xi1>
      %broadcast_in_dim3A_344 = vector.broadcast %broadcast_in_dim3A_343 : vector<4x8x1xi1> to vector<4x8x128xi1>
      %broadcast_in_dim3A_345 = vector.broadcast %jit3A_342 : f32 to vector<4x8x128xf32>
      %select_n3A_346 = arith.select %broadcast_in_dim3A_344, %slice3A_341, %broadcast_in_dim3A_345 : vector<4x8x128xi1>, vector<4x8x128xf32>
      %add3A_347 = arith.addf %broadcast_in_dim3A_314, %select_n3A_346 : vector<4x8x128xf32>
      %add3A_348 = arith.constant 8 : i32
      %add3A_349 = vector.broadcast %add3A_348 : i32 to vector<4x8x1xi32>
      %add3A_350 = arith.addi %iota3A_30, %add3A_349 : vector<4x8x1xi32>
      %eq3A_351 = vector.broadcast %shift_right_logical3A_302 : vector<4x1x1xi32> to vector<4x8x1xi32>
      %eq3A_352 = arith.cmpi eq, %add3A_350, %eq3A_351 : vector<4x8x1xi32>
      %slice3A_353 = vector.extract_strided_slice %sub3A {offsets = [0, 8, 0], sizes = [4, 8, 128], strides = [1, 1, 1]} : vector<4x160x128xf32> to vector<4x8x128xf32>
      %jit3A_354 = arith.constant 0.000000e+00 : f32
      %broadcast_in_dim3A_355 = vector.shape_cast %eq3A_352 : vector<4x8x1xi1> to vector<4x8x1xi1>
      %broadcast_in_dim3A_356 = vector.broadcast %broadcast_in_dim3A_355 : vector<4x8x1xi1> to vector<4x8x128xi1>
      %broadcast_in_dim3A_357 = vector.broadcast %jit3A_354 : f32 to vector<4x8x128xf32>
      %select_n3A_358 = arith.select %broadcast_in_dim3A_356, %slice3A_353, %broadcast_in_dim3A_357 : vector<4x8x128xi1>, vector<4x8x128xf32>
      %add3A_359 = arith.addf %add3A_326, %select_n3A_358 : vector<4x8x128xf32>
      %slice3A_360 = vector.extract_strided_slice %sub3A_20 {offsets = [0, 8, 0], sizes = [4, 8, 128], strides = [1, 1, 1]} : vector<4x160x128xf32> to vector<4x8x128xf32>
      %jit3A_361 = arith.constant 0.000000e+00 : f32
      %broadcast_in_dim3A_362 = vector.shape_cast %eq3A_352 : vector<4x8x1xi1> to vector<4x8x1xi1>
      %broadcast_in_dim3A_363 = vector.broadcast %broadcast_in_dim3A_362 : vector<4x8x1xi1> to vector<4x8x128xi1>
      %broadcast_in_dim3A_364 = vector.broadcast %jit3A_361 : f32 to vector<4x8x128xf32>
      %select_n3A_365 = arith.select %broadcast_in_dim3A_363, %slice3A_360, %broadcast_in_dim3A_364 : vector<4x8x128xi1>, vector<4x8x128xf32>
      %add3A_366 = arith.addf %add3A_333, %select_n3A_365 : vector<4x8x128xf32>
      %slice3A_367 = vector.extract_strided_slice %add3A {offsets = [0, 8, 0], sizes = [4, 8, 128], strides = [1, 1, 1]} : vector<4x160x128xf32> to vector<4x8x128xf32>
      %jit3A_368 = arith.constant 0.000000e+00 : f32
      %broadcast_in_dim3A_369 = vector.shape_cast %eq3A_352 : vector<4x8x1xi1> to vector<4x8x1xi1>
      %broadcast_in_dim3A_370 = vector.broadcast %broadcast_in_dim3A_369 : vector<4x8x1xi1> to vector<4x8x128xi1>
      %broadcast_in_dim3A_371 = vector.broadcast %jit3A_368 : f32 to vector<4x8x128xf32>
      %select_n3A_372 = arith.select %broadcast_in_dim3A_370, %slice3A_367, %broadcast_in_dim3A_371 : vector<4x8x128xi1>, vector<4x8x128xf32>
      %add3A_373 = arith.addf %add3A_340, %select_n3A_372 : vector<4x8x128xf32>
      %slice3A_374 = vector.extract_strided_slice %add3A_21 {offsets = [0, 8, 0], sizes = [4, 8, 128], strides = [1, 1, 1]} : vector<4x160x128xf32> to vector<4x8x128xf32>
      %jit3A_375 = arith.constant 0.000000e+00 : f32
      %broadcast_in_dim3A_376 = vector.shape_cast %eq3A_352 : vector<4x8x1xi1> to vector<4x8x1xi1>
      %broadcast_in_dim3A_377 = vector.broadcast %broadcast_in_dim3A_376 : vector<4x8x1xi1> to vector<4x8x128xi1>
      %broadcast_in_dim3A_378 = vector.broadcast %jit3A_375 : f32 to vector<4x8x128xf32>
      %select_n3A_379 = arith.select %broadcast_in_dim3A_377, %slice3A_374, %broadcast_in_dim3A_378 : vector<4x8x128xi1>, vector<4x8x128xf32>
      %add3A_380 = arith.addf %add3A_347, %select_n3A_379 : vector<4x8x128xf32>
      %add3A_381 = arith.constant 16 : i32
      %add3A_382 = vector.broadcast %add3A_381 : i32 to vector<4x8x1xi32>
      %add3A_383 = arith.addi %iota3A_30, %add3A_382 : vector<4x8x1xi32>
      %eq3A_384 = vector.broadcast %shift_right_logical3A_302 : vector<4x1x1xi32> to vector<4x8x1xi32>
      %eq3A_385 = arith.cmpi eq, %add3A_383, %eq3A_384 : vector<4x8x1xi32>
      %slice3A_386 = vector.extract_strided_slice %sub3A {offsets = [0, 16, 0], sizes = [4, 8, 128], strides = [1, 1, 1]} : vector<4x160x128xf32> to vector<4x8x128xf32>
      %jit3A_387 = arith.constant 0.000000e+00 : f32
      %broadcast_in_dim3A_388 = vector.shape_cast %eq3A_385 : vector<4x8x1xi1> to vector<4x8x1xi1>
      %broadcast_in_dim3A_389 = vector.broadcast %broadcast_in_dim3A_388 : vector<4x8x1xi1> to vector<4x8x128xi1>
      %broadcast_in_dim3A_390 = vector.broadcast %jit3A_387 : f32 to vector<4x8x128xf32>
      %select_n3A_391 = arith.select %broadcast_in_dim3A_389, %slice3A_386, %broadcast_in_dim3A_390 : vector<4x8x128xi1>, vector<4x8x128xf32>
      %add3A_392 = arith.addf %add3A_359, %select_n3A_391 : vector<4x8x128xf32>
      %slice3A_393 = vector.extract_strided_slice %sub3A_20 {offsets = [0, 16, 0], sizes = [4, 8, 128], strides = [1, 1, 1]} : vector<4x160x128xf32> to vector<4x8x128xf32>
      %jit3A_394 = arith.constant 0.000000e+00 : f32
      %broadcast_in_dim3A_395 = vector.shape_cast %eq3A_385 : vector<4x8x1xi1> to vector<4x8x1xi1>
      %broadcast_in_dim3A_396 = vector.broadcast %broadcast_in_dim3A_395 : vector<4x8x1xi1> to vector<4x8x128xi1>
      %broadcast_in_dim3A_397 = vector.broadcast %jit3A_394 : f32 to vector<4x8x128xf32>
      %select_n3A_398 = arith.select %broadcast_in_dim3A_396, %slice3A_393, %broadcast_in_dim3A_397 : vector<4x8x128xi1>, vector<4x8x128xf32>
      %add3A_399 = arith.addf %add3A_366, %select_n3A_398 : vector<4x8x128xf32>
      %slice3A_400 = vector.extract_strided_slice %add3A {offsets = [0, 16, 0], sizes = [4, 8, 128], strides = [1, 1, 1]} : vector<4x160x128xf32> to vector<4x8x128xf32>
      %jit3A_401 = arith.constant 0.000000e+00 : f32
      %broadcast_in_dim3A_402 = vector.shape_cast %eq3A_385 : vector<4x8x1xi1> to vector<4x8x1xi1>
      %broadcast_in_dim3A_403 = vector.broadcast %broadcast_in_dim3A_402 : vector<4x8x1xi1> to vector<4x8x128xi1>
      %broadcast_in_dim3A_404 = vector.broadcast %jit3A_401 : f32 to vector<4x8x128xf32>
      %select_n3A_405 = arith.select %broadcast_in_dim3A_403, %slice3A_400, %broadcast_in_dim3A_404 : vector<4x8x128xi1>, vector<4x8x128xf32>
      %add3A_406 = arith.addf %add3A_373, %select_n3A_405 : vector<4x8x128xf32>
      %slice3A_407 = vector.extract_strided_slice %add3A_21 {offsets = [0, 16, 0], sizes = [4, 8, 128], strides = [1, 1, 1]} : vector<4x160x128xf32> to vector<4x8x128xf32>
      %jit3A_408 = arith.constant 0.000000e+00 : f32
      %broadcast_in_dim3A_409 = vector.shape_cast %eq3A_385 : vector<4x8x1xi1> to vector<4x8x1xi1>
      %broadcast_in_dim3A_410 = vector.broadcast %broadcast_in_dim3A_409 : vector<4x8x1xi1> to vector<4x8x128xi1>
      %broadcast_in_dim3A_411 = vector.broadcast %jit3A_408 : f32 to vector<4x8x128xf32>
      %select_n3A_412 = arith.select %broadcast_in_dim3A_410, %slice3A_407, %broadcast_in_dim3A_411 : vector<4x8x128xi1>, vector<4x8x128xf32>
      %add3A_413 = arith.addf %add3A_380, %select_n3A_412 : vector<4x8x128xf32>
      %add3A_414 = arith.constant 24 : i32
      %add3A_415 = vector.broadcast %add3A_414 : i32 to vector<4x8x1xi32>
      %add3A_416 = arith.addi %iota3A_30, %add3A_415 : vector<4x8x1xi32>
      %eq3A_417 = vector.broadcast %shift_right_logical3A_302 : vector<4x1x1xi32> to vector<4x8x1xi32>
      %eq3A_418 = arith.cmpi eq, %add3A_416, %eq3A_417 : vector<4x8x1xi32>
      %slice3A_419 = vector.extract_strided_slice %sub3A {offsets = [0, 24, 0], sizes = [4, 8, 128], strides = [1, 1, 1]} : vector<4x160x128xf32> to vector<4x8x128xf32>
      %jit3A_420 = arith.constant 0.000000e+00 : f32
      %broadcast_in_dim3A_421 = vector.shape_cast %eq3A_418 : vector<4x8x1xi1> to vector<4x8x1xi1>
      %broadcast_in_dim3A_422 = vector.broadcast %broadcast_in_dim3A_421 : vector<4x8x1xi1> to vector<4x8x128xi1>
      %broadcast_in_dim3A_423 = vector.broadcast %jit3A_420 : f32 to vector<4x8x128xf32>
      %select_n3A_424 = arith.select %broadcast_in_dim3A_422, %slice3A_419, %broadcast_in_dim3A_423 : vector<4x8x128xi1>, vector<4x8x128xf32>
      %add3A_425 = arith.addf %add3A_392, %select_n3A_424 : vector<4x8x128xf32>
      %slice3A_426 = vector.extract_strided_slice %sub3A_20 {offsets = [0, 24, 0], sizes = [4, 8, 128], strides = [1, 1, 1]} : vector<4x160x128xf32> to vector<4x8x128xf32>
      %jit3A_427 = arith.constant 0.000000e+00 : f32
      %broadcast_in_dim3A_428 = vector.shape_cast %eq3A_418 : vector<4x8x1xi1> to vector<4x8x1xi1>
      %broadcast_in_dim3A_429 = vector.broadcast %broadcast_in_dim3A_428 : vector<4x8x1xi1> to vector<4x8x128xi1>
      %broadcast_in_dim3A_430 = vector.broadcast %jit3A_427 : f32 to vector<4x8x128xf32>
      %select_n3A_431 = arith.select %broadcast_in_dim3A_429, %slice3A_426, %broadcast_in_dim3A_430 : vector<4x8x128xi1>, vector<4x8x128xf32>
      %add3A_432 = arith.addf %add3A_399, %select_n3A_431 : vector<4x8x128xf32>
      %slice3A_433 = vector.extract_strided_slice %add3A {offsets = [0, 24, 0], sizes = [4, 8, 128], strides = [1, 1, 1]} : vector<4x160x128xf32> to vector<4x8x128xf32>
      %jit3A_434 = arith.constant 0.000000e+00 : f32
      %broadcast_in_dim3A_435 = vector.shape_cast %eq3A_418 : vector<4x8x1xi1> to vector<4x8x1xi1>
      %broadcast_in_dim3A_436 = vector.broadcast %broadcast_in_dim3A_435 : vector<4x8x1xi1> to vector<4x8x128xi1>
      %broadcast_in_dim3A_437 = vector.broadcast %jit3A_434 : f32 to vector<4x8x128xf32>
      %select_n3A_438 = arith.select %broadcast_in_dim3A_436, %slice3A_433, %broadcast_in_dim3A_437 : vector<4x8x128xi1>, vector<4x8x128xf32>
      %add3A_439 = arith.addf %add3A_406, %select_n3A_438 : vector<4x8x128xf32>
      %slice3A_440 = vector.extract_strided_slice %add3A_21 {offsets = [0, 24, 0], sizes = [4, 8, 128], strides = [1, 1, 1]} : vector<4x160x128xf32> to vector<4x8x128xf32>
      %jit3A_441 = arith.constant 0.000000e+00 : f32
      %broadcast_in_dim3A_442 = vector.shape_cast %eq3A_418 : vector<4x8x1xi1> to vector<4x8x1xi1>
      %broadcast_in_dim3A_443 = vector.broadcast %broadcast_in_dim3A_442 : vector<4x8x1xi1> to vector<4x8x128xi1>
      %broadcast_in_dim3A_444 = vector.broadcast %jit3A_441 : f32 to vector<4x8x128xf32>
      %select_n3A_445 = arith.select %broadcast_in_dim3A_443, %slice3A_440, %broadcast_in_dim3A_444 : vector<4x8x128xi1>, vector<4x8x128xf32>
      %add3A_446 = arith.addf %add3A_413, %select_n3A_445 : vector<4x8x128xf32>
      %add3A_447 = arith.constant 32 : i32
      %add3A_448 = vector.broadcast %add3A_447 : i32 to vector<4x8x1xi32>
      %add3A_449 = arith.addi %iota3A_30, %add3A_448 : vector<4x8x1xi32>
      %eq3A_450 = vector.broadcast %shift_right_logical3A_302 : vector<4x1x1xi32> to vector<4x8x1xi32>
      %eq3A_451 = arith.cmpi eq, %add3A_449, %eq3A_450 : vector<4x8x1xi32>
      %slice3A_452 = vector.extract_strided_slice %sub3A {offsets = [0, 32, 0], sizes = [4, 8, 128], strides = [1, 1, 1]} : vector<4x160x128xf32> to vector<4x8x128xf32>
      %jit3A_453 = arith.constant 0.000000e+00 : f32
      %broadcast_in_dim3A_454 = vector.shape_cast %eq3A_451 : vector<4x8x1xi1> to vector<4x8x1xi1>
      %broadcast_in_dim3A_455 = vector.broadcast %broadcast_in_dim3A_454 : vector<4x8x1xi1> to vector<4x8x128xi1>
      %broadcast_in_dim3A_456 = vector.broadcast %jit3A_453 : f32 to vector<4x8x128xf32>
      %select_n3A_457 = arith.select %broadcast_in_dim3A_455, %slice3A_452, %broadcast_in_dim3A_456 : vector<4x8x128xi1>, vector<4x8x128xf32>
      %add3A_458 = arith.addf %add3A_425, %select_n3A_457 : vector<4x8x128xf32>
      %slice3A_459 = vector.extract_strided_slice %sub3A_20 {offsets = [0, 32, 0], sizes = [4, 8, 128], strides = [1, 1, 1]} : vector<4x160x128xf32> to vector<4x8x128xf32>
      %jit3A_460 = arith.constant 0.000000e+00 : f32
      %broadcast_in_dim3A_461 = vector.shape_cast %eq3A_451 : vector<4x8x1xi1> to vector<4x8x1xi1>
      %broadcast_in_dim3A_462 = vector.broadcast %broadcast_in_dim3A_461 : vector<4x8x1xi1> to vector<4x8x128xi1>
      %broadcast_in_dim3A_463 = vector.broadcast %jit3A_460 : f32 to vector<4x8x128xf32>
      %select_n3A_464 = arith.select %broadcast_in_dim3A_462, %slice3A_459, %broadcast_in_dim3A_463 : vector<4x8x128xi1>, vector<4x8x128xf32>
      %add3A_465 = arith.addf %add3A_432, %select_n3A_464 : vector<4x8x128xf32>
      %slice3A_466 = vector.extract_strided_slice %add3A {offsets = [0, 32, 0], sizes = [4, 8, 128], strides = [1, 1, 1]} : vector<4x160x128xf32> to vector<4x8x128xf32>
      %jit3A_467 = arith.constant 0.000000e+00 : f32
      %broadcast_in_dim3A_468 = vector.shape_cast %eq3A_451 : vector<4x8x1xi1> to vector<4x8x1xi1>
      %broadcast_in_dim3A_469 = vector.broadcast %broadcast_in_dim3A_468 : vector<4x8x1xi1> to vector<4x8x128xi1>
      %broadcast_in_dim3A_470 = vector.broadcast %jit3A_467 : f32 to vector<4x8x128xf32>
      %select_n3A_471 = arith.select %broadcast_in_dim3A_469, %slice3A_466, %broadcast_in_dim3A_470 : vector<4x8x128xi1>, vector<4x8x128xf32>
      %add3A_472 = arith.addf %add3A_439, %select_n3A_471 : vector<4x8x128xf32>
      %slice3A_473 = vector.extract_strided_slice %add3A_21 {offsets = [0, 32, 0], sizes = [4, 8, 128], strides = [1, 1, 1]} : vector<4x160x128xf32> to vector<4x8x128xf32>
      %jit3A_474 = arith.constant 0.000000e+00 : f32
      %broadcast_in_dim3A_475 = vector.shape_cast %eq3A_451 : vector<4x8x1xi1> to vector<4x8x1xi1>
      %broadcast_in_dim3A_476 = vector.broadcast %broadcast_in_dim3A_475 : vector<4x8x1xi1> to vector<4x8x128xi1>
      %broadcast_in_dim3A_477 = vector.broadcast %jit3A_474 : f32 to vector<4x8x128xf32>
      %select_n3A_478 = arith.select %broadcast_in_dim3A_476, %slice3A_473, %broadcast_in_dim3A_477 : vector<4x8x128xi1>, vector<4x8x128xf32>
      %add3A_479 = arith.addf %add3A_446, %select_n3A_478 : vector<4x8x128xf32>
      %add3A_480 = arith.constant 40 : i32
      %add3A_481 = vector.broadcast %add3A_480 : i32 to vector<4x8x1xi32>
      %add3A_482 = arith.addi %iota3A_30, %add3A_481 : vector<4x8x1xi32>
      %eq3A_483 = vector.broadcast %shift_right_logical3A_302 : vector<4x1x1xi32> to vector<4x8x1xi32>
      %eq3A_484 = arith.cmpi eq, %add3A_482, %eq3A_483 : vector<4x8x1xi32>
      %slice3A_485 = vector.extract_strided_slice %sub3A {offsets = [0, 40, 0], sizes = [4, 8, 128], strides = [1, 1, 1]} : vector<4x160x128xf32> to vector<4x8x128xf32>
      %jit3A_486 = arith.constant 0.000000e+00 : f32
      %broadcast_in_dim3A_487 = vector.shape_cast %eq3A_484 : vector<4x8x1xi1> to vector<4x8x1xi1>
      %broadcast_in_dim3A_488 = vector.broadcast %broadcast_in_dim3A_487 : vector<4x8x1xi1> to vector<4x8x128xi1>
      %broadcast_in_dim3A_489 = vector.broadcast %jit3A_486 : f32 to vector<4x8x128xf32>
      %select_n3A_490 = arith.select %broadcast_in_dim3A_488, %slice3A_485, %broadcast_in_dim3A_489 : vector<4x8x128xi1>, vector<4x8x128xf32>
      %add3A_491 = arith.addf %add3A_458, %select_n3A_490 : vector<4x8x128xf32>
      %slice3A_492 = vector.extract_strided_slice %sub3A_20 {offsets = [0, 40, 0], sizes = [4, 8, 128], strides = [1, 1, 1]} : vector<4x160x128xf32> to vector<4x8x128xf32>
      %jit3A_493 = arith.constant 0.000000e+00 : f32
      %broadcast_in_dim3A_494 = vector.shape_cast %eq3A_484 : vector<4x8x1xi1> to vector<4x8x1xi1>
      %broadcast_in_dim3A_495 = vector.broadcast %broadcast_in_dim3A_494 : vector<4x8x1xi1> to vector<4x8x128xi1>
      %broadcast_in_dim3A_496 = vector.broadcast %jit3A_493 : f32 to vector<4x8x128xf32>
      %select_n3A_497 = arith.select %broadcast_in_dim3A_495, %slice3A_492, %broadcast_in_dim3A_496 : vector<4x8x128xi1>, vector<4x8x128xf32>
      %add3A_498 = arith.addf %add3A_465, %select_n3A_497 : vector<4x8x128xf32>
      %slice3A_499 = vector.extract_strided_slice %add3A {offsets = [0, 40, 0], sizes = [4, 8, 128], strides = [1, 1, 1]} : vector<4x160x128xf32> to vector<4x8x128xf32>
      %jit3A_500 = arith.constant 0.000000e+00 : f32
      %broadcast_in_dim3A_501 = vector.shape_cast %eq3A_484 : vector<4x8x1xi1> to vector<4x8x1xi1>
      %broadcast_in_dim3A_502 = vector.broadcast %broadcast_in_dim3A_501 : vector<4x8x1xi1> to vector<4x8x128xi1>
      %broadcast_in_dim3A_503 = vector.broadcast %jit3A_500 : f32 to vector<4x8x128xf32>
      %select_n3A_504 = arith.select %broadcast_in_dim3A_502, %slice3A_499, %broadcast_in_dim3A_503 : vector<4x8x128xi1>, vector<4x8x128xf32>
      %add3A_505 = arith.addf %add3A_472, %select_n3A_504 : vector<4x8x128xf32>
      %slice3A_506 = vector.extract_strided_slice %add3A_21 {offsets = [0, 40, 0], sizes = [4, 8, 128], strides = [1, 1, 1]} : vector<4x160x128xf32> to vector<4x8x128xf32>
      %jit3A_507 = arith.constant 0.000000e+00 : f32
      %broadcast_in_dim3A_508 = vector.shape_cast %eq3A_484 : vector<4x8x1xi1> to vector<4x8x1xi1>
      %broadcast_in_dim3A_509 = vector.broadcast %broadcast_in_dim3A_508 : vector<4x8x1xi1> to vector<4x8x128xi1>
      %broadcast_in_dim3A_510 = vector.broadcast %jit3A_507 : f32 to vector<4x8x128xf32>
      %select_n3A_511 = arith.select %broadcast_in_dim3A_509, %slice3A_506, %broadcast_in_dim3A_510 : vector<4x8x128xi1>, vector<4x8x128xf32>
      %add3A_512 = arith.addf %add3A_479, %select_n3A_511 : vector<4x8x128xf32>
      %add3A_513 = arith.constant 48 : i32
      %add3A_514 = vector.broadcast %add3A_513 : i32 to vector<4x8x1xi32>
      %add3A_515 = arith.addi %iota3A_30, %add3A_514 : vector<4x8x1xi32>
      %eq3A_516 = vector.broadcast %shift_right_logical3A_302 : vector<4x1x1xi32> to vector<4x8x1xi32>
      %eq3A_517 = arith.cmpi eq, %add3A_515, %eq3A_516 : vector<4x8x1xi32>
      %slice3A_518 = vector.extract_strided_slice %sub3A {offsets = [0, 48, 0], sizes = [4, 8, 128], strides = [1, 1, 1]} : vector<4x160x128xf32> to vector<4x8x128xf32>
      %jit3A_519 = arith.constant 0.000000e+00 : f32
      %broadcast_in_dim3A_520 = vector.shape_cast %eq3A_517 : vector<4x8x1xi1> to vector<4x8x1xi1>
      %broadcast_in_dim3A_521 = vector.broadcast %broadcast_in_dim3A_520 : vector<4x8x1xi1> to vector<4x8x128xi1>
      %broadcast_in_dim3A_522 = vector.broadcast %jit3A_519 : f32 to vector<4x8x128xf32>
      %select_n3A_523 = arith.select %broadcast_in_dim3A_521, %slice3A_518, %broadcast_in_dim3A_522 : vector<4x8x128xi1>, vector<4x8x128xf32>
      %add3A_524 = arith.addf %add3A_491, %select_n3A_523 : vector<4x8x128xf32>
      %slice3A_525 = vector.extract_strided_slice %sub3A_20 {offsets = [0, 48, 0], sizes = [4, 8, 128], strides = [1, 1, 1]} : vector<4x160x128xf32> to vector<4x8x128xf32>
      %jit3A_526 = arith.constant 0.000000e+00 : f32
      %broadcast_in_dim3A_527 = vector.shape_cast %eq3A_517 : vector<4x8x1xi1> to vector<4x8x1xi1>
      %broadcast_in_dim3A_528 = vector.broadcast %broadcast_in_dim3A_527 : vector<4x8x1xi1> to vector<4x8x128xi1>
      %broadcast_in_dim3A_529 = vector.broadcast %jit3A_526 : f32 to vector<4x8x128xf32>
      %select_n3A_530 = arith.select %broadcast_in_dim3A_528, %slice3A_525, %broadcast_in_dim3A_529 : vector<4x8x128xi1>, vector<4x8x128xf32>
      %add3A_531 = arith.addf %add3A_498, %select_n3A_530 : vector<4x8x128xf32>
      %slice3A_532 = vector.extract_strided_slice %add3A {offsets = [0, 48, 0], sizes = [4, 8, 128], strides = [1, 1, 1]} : vector<4x160x128xf32> to vector<4x8x128xf32>
      %jit3A_533 = arith.constant 0.000000e+00 : f32
      %broadcast_in_dim3A_534 = vector.shape_cast %eq3A_517 : vector<4x8x1xi1> to vector<4x8x1xi1>
      %broadcast_in_dim3A_535 = vector.broadcast %broadcast_in_dim3A_534 : vector<4x8x1xi1> to vector<4x8x128xi1>
      %broadcast_in_dim3A_536 = vector.broadcast %jit3A_533 : f32 to vector<4x8x128xf32>
      %select_n3A_537 = arith.select %broadcast_in_dim3A_535, %slice3A_532, %broadcast_in_dim3A_536 : vector<4x8x128xi1>, vector<4x8x128xf32>
      %add3A_538 = arith.addf %add3A_505, %select_n3A_537 : vector<4x8x128xf32>
      %slice3A_539 = vector.extract_strided_slice %add3A_21 {offsets = [0, 48, 0], sizes = [4, 8, 128], strides = [1, 1, 1]} : vector<4x160x128xf32> to vector<4x8x128xf32>
      %jit3A_540 = arith.constant 0.000000e+00 : f32
      %broadcast_in_dim3A_541 = vector.shape_cast %eq3A_517 : vector<4x8x1xi1> to vector<4x8x1xi1>
      %broadcast_in_dim3A_542 = vector.broadcast %broadcast_in_dim3A_541 : vector<4x8x1xi1> to vector<4x8x128xi1>
      %broadcast_in_dim3A_543 = vector.broadcast %jit3A_540 : f32 to vector<4x8x128xf32>
      %select_n3A_544 = arith.select %broadcast_in_dim3A_542, %slice3A_539, %broadcast_in_dim3A_543 : vector<4x8x128xi1>, vector<4x8x128xf32>
      %add3A_545 = arith.addf %add3A_512, %select_n3A_544 : vector<4x8x128xf32>
      %add3A_546 = arith.constant 56 : i32
      %add3A_547 = vector.broadcast %add3A_546 : i32 to vector<4x8x1xi32>
      %add3A_548 = arith.addi %iota3A_30, %add3A_547 : vector<4x8x1xi32>
      %eq3A_549 = vector.broadcast %shift_right_logical3A_302 : vector<4x1x1xi32> to vector<4x8x1xi32>
      %eq3A_550 = arith.cmpi eq, %add3A_548, %eq3A_549 : vector<4x8x1xi32>
      %slice3A_551 = vector.extract_strided_slice %sub3A {offsets = [0, 56, 0], sizes = [4, 8, 128], strides = [1, 1, 1]} : vector<4x160x128xf32> to vector<4x8x128xf32>
      %jit3A_552 = arith.constant 0.000000e+00 : f32
      %broadcast_in_dim3A_553 = vector.shape_cast %eq3A_550 : vector<4x8x1xi1> to vector<4x8x1xi1>
      %broadcast_in_dim3A_554 = vector.broadcast %broadcast_in_dim3A_553 : vector<4x8x1xi1> to vector<4x8x128xi1>
      %broadcast_in_dim3A_555 = vector.broadcast %jit3A_552 : f32 to vector<4x8x128xf32>
      %select_n3A_556 = arith.select %broadcast_in_dim3A_554, %slice3A_551, %broadcast_in_dim3A_555 : vector<4x8x128xi1>, vector<4x8x128xf32>
      %add3A_557 = arith.addf %add3A_524, %select_n3A_556 : vector<4x8x128xf32>
      %slice3A_558 = vector.extract_strided_slice %sub3A_20 {offsets = [0, 56, 0], sizes = [4, 8, 128], strides = [1, 1, 1]} : vector<4x160x128xf32> to vector<4x8x128xf32>
      %jit3A_559 = arith.constant 0.000000e+00 : f32
      %broadcast_in_dim3A_560 = vector.shape_cast %eq3A_550 : vector<4x8x1xi1> to vector<4x8x1xi1>
      %broadcast_in_dim3A_561 = vector.broadcast %broadcast_in_dim3A_560 : vector<4x8x1xi1> to vector<4x8x128xi1>
      %broadcast_in_dim3A_562 = vector.broadcast %jit3A_559 : f32 to vector<4x8x128xf32>
      %select_n3A_563 = arith.select %broadcast_in_dim3A_561, %slice3A_558, %broadcast_in_dim3A_562 : vector<4x8x128xi1>, vector<4x8x128xf32>
      %add3A_564 = arith.addf %add3A_531, %select_n3A_563 : vector<4x8x128xf32>
      %slice3A_565 = vector.extract_strided_slice %add3A {offsets = [0, 56, 0], sizes = [4, 8, 128], strides = [1, 1, 1]} : vector<4x160x128xf32> to vector<4x8x128xf32>
      %jit3A_566 = arith.constant 0.000000e+00 : f32
      %broadcast_in_dim3A_567 = vector.shape_cast %eq3A_550 : vector<4x8x1xi1> to vector<4x8x1xi1>
      %broadcast_in_dim3A_568 = vector.broadcast %broadcast_in_dim3A_567 : vector<4x8x1xi1> to vector<4x8x128xi1>
      %broadcast_in_dim3A_569 = vector.broadcast %jit3A_566 : f32 to vector<4x8x128xf32>
      %select_n3A_570 = arith.select %broadcast_in_dim3A_568, %slice3A_565, %broadcast_in_dim3A_569 : vector<4x8x128xi1>, vector<4x8x128xf32>
      %add3A_571 = arith.addf %add3A_538, %select_n3A_570 : vector<4x8x128xf32>
      %slice3A_572 = vector.extract_strided_slice %add3A_21 {offsets = [0, 56, 0], sizes = [4, 8, 128], strides = [1, 1, 1]} : vector<4x160x128xf32> to vector<4x8x128xf32>
      %jit3A_573 = arith.constant 0.000000e+00 : f32
      %broadcast_in_dim3A_574 = vector.shape_cast %eq3A_550 : vector<4x8x1xi1> to vector<4x8x1xi1>
      %broadcast_in_dim3A_575 = vector.broadcast %broadcast_in_dim3A_574 : vector<4x8x1xi1> to vector<4x8x128xi1>
      %broadcast_in_dim3A_576 = vector.broadcast %jit3A_573 : f32 to vector<4x8x128xf32>
      %select_n3A_577 = arith.select %broadcast_in_dim3A_575, %slice3A_572, %broadcast_in_dim3A_576 : vector<4x8x128xi1>, vector<4x8x128xf32>
      %add3A_578 = arith.addf %add3A_545, %select_n3A_577 : vector<4x8x128xf32>
      %add3A_579 = arith.constant 64 : i32
      %add3A_580 = vector.broadcast %add3A_579 : i32 to vector<4x8x1xi32>
      %add3A_581 = arith.addi %iota3A_30, %add3A_580 : vector<4x8x1xi32>
      %eq3A_582 = vector.broadcast %shift_right_logical3A_302 : vector<4x1x1xi32> to vector<4x8x1xi32>
      %eq3A_583 = arith.cmpi eq, %add3A_581, %eq3A_582 : vector<4x8x1xi32>
      %slice3A_584 = vector.extract_strided_slice %sub3A {offsets = [0, 64, 0], sizes = [4, 8, 128], strides = [1, 1, 1]} : vector<4x160x128xf32> to vector<4x8x128xf32>
      %jit3A_585 = arith.constant 0.000000e+00 : f32
      %broadcast_in_dim3A_586 = vector.shape_cast %eq3A_583 : vector<4x8x1xi1> to vector<4x8x1xi1>
      %broadcast_in_dim3A_587 = vector.broadcast %broadcast_in_dim3A_586 : vector<4x8x1xi1> to vector<4x8x128xi1>
      %broadcast_in_dim3A_588 = vector.broadcast %jit3A_585 : f32 to vector<4x8x128xf32>
      %select_n3A_589 = arith.select %broadcast_in_dim3A_587, %slice3A_584, %broadcast_in_dim3A_588 : vector<4x8x128xi1>, vector<4x8x128xf32>
      %add3A_590 = arith.addf %add3A_557, %select_n3A_589 : vector<4x8x128xf32>
      %slice3A_591 = vector.extract_strided_slice %sub3A_20 {offsets = [0, 64, 0], sizes = [4, 8, 128], strides = [1, 1, 1]} : vector<4x160x128xf32> to vector<4x8x128xf32>
      %jit3A_592 = arith.constant 0.000000e+00 : f32
      %broadcast_in_dim3A_593 = vector.shape_cast %eq3A_583 : vector<4x8x1xi1> to vector<4x8x1xi1>
      %broadcast_in_dim3A_594 = vector.broadcast %broadcast_in_dim3A_593 : vector<4x8x1xi1> to vector<4x8x128xi1>
      %broadcast_in_dim3A_595 = vector.broadcast %jit3A_592 : f32 to vector<4x8x128xf32>
      %select_n3A_596 = arith.select %broadcast_in_dim3A_594, %slice3A_591, %broadcast_in_dim3A_595 : vector<4x8x128xi1>, vector<4x8x128xf32>
      %add3A_597 = arith.addf %add3A_564, %select_n3A_596 : vector<4x8x128xf32>
      %slice3A_598 = vector.extract_strided_slice %add3A {offsets = [0, 64, 0], sizes = [4, 8, 128], strides = [1, 1, 1]} : vector<4x160x128xf32> to vector<4x8x128xf32>
      %jit3A_599 = arith.constant 0.000000e+00 : f32
      %broadcast_in_dim3A_600 = vector.shape_cast %eq3A_583 : vector<4x8x1xi1> to vector<4x8x1xi1>
      %broadcast_in_dim3A_601 = vector.broadcast %broadcast_in_dim3A_600 : vector<4x8x1xi1> to vector<4x8x128xi1>
      %broadcast_in_dim3A_602 = vector.broadcast %jit3A_599 : f32 to vector<4x8x128xf32>
      %select_n3A_603 = arith.select %broadcast_in_dim3A_601, %slice3A_598, %broadcast_in_dim3A_602 : vector<4x8x128xi1>, vector<4x8x128xf32>
      %add3A_604 = arith.addf %add3A_571, %select_n3A_603 : vector<4x8x128xf32>
      %slice3A_605 = vector.extract_strided_slice %add3A_21 {offsets = [0, 64, 0], sizes = [4, 8, 128], strides = [1, 1, 1]} : vector<4x160x128xf32> to vector<4x8x128xf32>
      %jit3A_606 = arith.constant 0.000000e+00 : f32
      %broadcast_in_dim3A_607 = vector.shape_cast %eq3A_583 : vector<4x8x1xi1> to vector<4x8x1xi1>
      %broadcast_in_dim3A_608 = vector.broadcast %broadcast_in_dim3A_607 : vector<4x8x1xi1> to vector<4x8x128xi1>
      %broadcast_in_dim3A_609 = vector.broadcast %jit3A_606 : f32 to vector<4x8x128xf32>
      %select_n3A_610 = arith.select %broadcast_in_dim3A_608, %slice3A_605, %broadcast_in_dim3A_609 : vector<4x8x128xi1>, vector<4x8x128xf32>
      %add3A_611 = arith.addf %add3A_578, %select_n3A_610 : vector<4x8x128xf32>
      %add3A_612 = arith.constant 72 : i32
      %add3A_613 = vector.broadcast %add3A_612 : i32 to vector<4x8x1xi32>
      %add3A_614 = arith.addi %iota3A_30, %add3A_613 : vector<4x8x1xi32>
      %eq3A_615 = vector.broadcast %shift_right_logical3A_302 : vector<4x1x1xi32> to vector<4x8x1xi32>
      %eq3A_616 = arith.cmpi eq, %add3A_614, %eq3A_615 : vector<4x8x1xi32>
      %slice3A_617 = vector.extract_strided_slice %sub3A {offsets = [0, 72, 0], sizes = [4, 8, 128], strides = [1, 1, 1]} : vector<4x160x128xf32> to vector<4x8x128xf32>
      %jit3A_618 = arith.constant 0.000000e+00 : f32
      %broadcast_in_dim3A_619 = vector.shape_cast %eq3A_616 : vector<4x8x1xi1> to vector<4x8x1xi1>
      %broadcast_in_dim3A_620 = vector.broadcast %broadcast_in_dim3A_619 : vector<4x8x1xi1> to vector<4x8x128xi1>
      %broadcast_in_dim3A_621 = vector.broadcast %jit3A_618 : f32 to vector<4x8x128xf32>
      %select_n3A_622 = arith.select %broadcast_in_dim3A_620, %slice3A_617, %broadcast_in_dim3A_621 : vector<4x8x128xi1>, vector<4x8x128xf32>
      %add3A_623 = arith.addf %add3A_590, %select_n3A_622 : vector<4x8x128xf32>
      %slice3A_624 = vector.extract_strided_slice %sub3A_20 {offsets = [0, 72, 0], sizes = [4, 8, 128], strides = [1, 1, 1]} : vector<4x160x128xf32> to vector<4x8x128xf32>
      %jit3A_625 = arith.constant 0.000000e+00 : f32
      %broadcast_in_dim3A_626 = vector.shape_cast %eq3A_616 : vector<4x8x1xi1> to vector<4x8x1xi1>
      %broadcast_in_dim3A_627 = vector.broadcast %broadcast_in_dim3A_626 : vector<4x8x1xi1> to vector<4x8x128xi1>
      %broadcast_in_dim3A_628 = vector.broadcast %jit3A_625 : f32 to vector<4x8x128xf32>
      %select_n3A_629 = arith.select %broadcast_in_dim3A_627, %slice3A_624, %broadcast_in_dim3A_628 : vector<4x8x128xi1>, vector<4x8x128xf32>
      %add3A_630 = arith.addf %add3A_597, %select_n3A_629 : vector<4x8x128xf32>
      %slice3A_631 = vector.extract_strided_slice %add3A {offsets = [0, 72, 0], sizes = [4, 8, 128], strides = [1, 1, 1]} : vector<4x160x128xf32> to vector<4x8x128xf32>
      %jit3A_632 = arith.constant 0.000000e+00 : f32
      %broadcast_in_dim3A_633 = vector.shape_cast %eq3A_616 : vector<4x8x1xi1> to vector<4x8x1xi1>
      %broadcast_in_dim3A_634 = vector.broadcast %broadcast_in_dim3A_633 : vector<4x8x1xi1> to vector<4x8x128xi1>
      %broadcast_in_dim3A_635 = vector.broadcast %jit3A_632 : f32 to vector<4x8x128xf32>
      %select_n3A_636 = arith.select %broadcast_in_dim3A_634, %slice3A_631, %broadcast_in_dim3A_635 : vector<4x8x128xi1>, vector<4x8x128xf32>
      %add3A_637 = arith.addf %add3A_604, %select_n3A_636 : vector<4x8x128xf32>
      %slice3A_638 = vector.extract_strided_slice %add3A_21 {offsets = [0, 72, 0], sizes = [4, 8, 128], strides = [1, 1, 1]} : vector<4x160x128xf32> to vector<4x8x128xf32>
      %jit3A_639 = arith.constant 0.000000e+00 : f32
      %broadcast_in_dim3A_640 = vector.shape_cast %eq3A_616 : vector<4x8x1xi1> to vector<4x8x1xi1>
      %broadcast_in_dim3A_641 = vector.broadcast %broadcast_in_dim3A_640 : vector<4x8x1xi1> to vector<4x8x128xi1>
      %broadcast_in_dim3A_642 = vector.broadcast %jit3A_639 : f32 to vector<4x8x128xf32>
      %select_n3A_643 = arith.select %broadcast_in_dim3A_641, %slice3A_638, %broadcast_in_dim3A_642 : vector<4x8x128xi1>, vector<4x8x128xf32>
      %add3A_644 = arith.addf %add3A_611, %select_n3A_643 : vector<4x8x128xf32>
      %add3A_645 = arith.constant 80 : i32
      %add3A_646 = vector.broadcast %add3A_645 : i32 to vector<4x8x1xi32>
      %add3A_647 = arith.addi %iota3A_30, %add3A_646 : vector<4x8x1xi32>
      %eq3A_648 = vector.broadcast %shift_right_logical3A_302 : vector<4x1x1xi32> to vector<4x8x1xi32>
      %eq3A_649 = arith.cmpi eq, %add3A_647, %eq3A_648 : vector<4x8x1xi32>
      %slice3A_650 = vector.extract_strided_slice %sub3A {offsets = [0, 80, 0], sizes = [4, 8, 128], strides = [1, 1, 1]} : vector<4x160x128xf32> to vector<4x8x128xf32>
      %jit3A_651 = arith.constant 0.000000e+00 : f32
      %broadcast_in_dim3A_652 = vector.shape_cast %eq3A_649 : vector<4x8x1xi1> to vector<4x8x1xi1>
      %broadcast_in_dim3A_653 = vector.broadcast %broadcast_in_dim3A_652 : vector<4x8x1xi1> to vector<4x8x128xi1>
      %broadcast_in_dim3A_654 = vector.broadcast %jit3A_651 : f32 to vector<4x8x128xf32>
      %select_n3A_655 = arith.select %broadcast_in_dim3A_653, %slice3A_650, %broadcast_in_dim3A_654 : vector<4x8x128xi1>, vector<4x8x128xf32>
      %add3A_656 = arith.addf %add3A_623, %select_n3A_655 : vector<4x8x128xf32>
      %slice3A_657 = vector.extract_strided_slice %sub3A_20 {offsets = [0, 80, 0], sizes = [4, 8, 128], strides = [1, 1, 1]} : vector<4x160x128xf32> to vector<4x8x128xf32>
      %jit3A_658 = arith.constant 0.000000e+00 : f32
      %broadcast_in_dim3A_659 = vector.shape_cast %eq3A_649 : vector<4x8x1xi1> to vector<4x8x1xi1>
      %broadcast_in_dim3A_660 = vector.broadcast %broadcast_in_dim3A_659 : vector<4x8x1xi1> to vector<4x8x128xi1>
      %broadcast_in_dim3A_661 = vector.broadcast %jit3A_658 : f32 to vector<4x8x128xf32>
      %select_n3A_662 = arith.select %broadcast_in_dim3A_660, %slice3A_657, %broadcast_in_dim3A_661 : vector<4x8x128xi1>, vector<4x8x128xf32>
      %add3A_663 = arith.addf %add3A_630, %select_n3A_662 : vector<4x8x128xf32>
      %slice3A_664 = vector.extract_strided_slice %add3A {offsets = [0, 80, 0], sizes = [4, 8, 128], strides = [1, 1, 1]} : vector<4x160x128xf32> to vector<4x8x128xf32>
      %jit3A_665 = arith.constant 0.000000e+00 : f32
      %broadcast_in_dim3A_666 = vector.shape_cast %eq3A_649 : vector<4x8x1xi1> to vector<4x8x1xi1>
      %broadcast_in_dim3A_667 = vector.broadcast %broadcast_in_dim3A_666 : vector<4x8x1xi1> to vector<4x8x128xi1>
      %broadcast_in_dim3A_668 = vector.broadcast %jit3A_665 : f32 to vector<4x8x128xf32>
      %select_n3A_669 = arith.select %broadcast_in_dim3A_667, %slice3A_664, %broadcast_in_dim3A_668 : vector<4x8x128xi1>, vector<4x8x128xf32>
      %add3A_670 = arith.addf %add3A_637, %select_n3A_669 : vector<4x8x128xf32>
      %slice3A_671 = vector.extract_strided_slice %add3A_21 {offsets = [0, 80, 0], sizes = [4, 8, 128], strides = [1, 1, 1]} : vector<4x160x128xf32> to vector<4x8x128xf32>
      %jit3A_672 = arith.constant 0.000000e+00 : f32
      %broadcast_in_dim3A_673 = vector.shape_cast %eq3A_649 : vector<4x8x1xi1> to vector<4x8x1xi1>
      %broadcast_in_dim3A_674 = vector.broadcast %broadcast_in_dim3A_673 : vector<4x8x1xi1> to vector<4x8x128xi1>
      %broadcast_in_dim3A_675 = vector.broadcast %jit3A_672 : f32 to vector<4x8x128xf32>
      %select_n3A_676 = arith.select %broadcast_in_dim3A_674, %slice3A_671, %broadcast_in_dim3A_675 : vector<4x8x128xi1>, vector<4x8x128xf32>
      %add3A_677 = arith.addf %add3A_644, %select_n3A_676 : vector<4x8x128xf32>
      %add3A_678 = arith.constant 88 : i32
      %add3A_679 = vector.broadcast %add3A_678 : i32 to vector<4x8x1xi32>
      %add3A_680 = arith.addi %iota3A_30, %add3A_679 : vector<4x8x1xi32>
      %eq3A_681 = vector.broadcast %shift_right_logical3A_302 : vector<4x1x1xi32> to vector<4x8x1xi32>
      %eq3A_682 = arith.cmpi eq, %add3A_680, %eq3A_681 : vector<4x8x1xi32>
      %slice3A_683 = vector.extract_strided_slice %sub3A {offsets = [0, 88, 0], sizes = [4, 8, 128], strides = [1, 1, 1]} : vector<4x160x128xf32> to vector<4x8x128xf32>
      %jit3A_684 = arith.constant 0.000000e+00 : f32
      %broadcast_in_dim3A_685 = vector.shape_cast %eq3A_682 : vector<4x8x1xi1> to vector<4x8x1xi1>
      %broadcast_in_dim3A_686 = vector.broadcast %broadcast_in_dim3A_685 : vector<4x8x1xi1> to vector<4x8x128xi1>
      %broadcast_in_dim3A_687 = vector.broadcast %jit3A_684 : f32 to vector<4x8x128xf32>
      %select_n3A_688 = arith.select %broadcast_in_dim3A_686, %slice3A_683, %broadcast_in_dim3A_687 : vector<4x8x128xi1>, vector<4x8x128xf32>
      %add3A_689 = arith.addf %add3A_656, %select_n3A_688 : vector<4x8x128xf32>
      %slice3A_690 = vector.extract_strided_slice %sub3A_20 {offsets = [0, 88, 0], sizes = [4, 8, 128], strides = [1, 1, 1]} : vector<4x160x128xf32> to vector<4x8x128xf32>
      %jit3A_691 = arith.constant 0.000000e+00 : f32
      %broadcast_in_dim3A_692 = vector.shape_cast %eq3A_682 : vector<4x8x1xi1> to vector<4x8x1xi1>
      %broadcast_in_dim3A_693 = vector.broadcast %broadcast_in_dim3A_692 : vector<4x8x1xi1> to vector<4x8x128xi1>
      %broadcast_in_dim3A_694 = vector.broadcast %jit3A_691 : f32 to vector<4x8x128xf32>
      %select_n3A_695 = arith.select %broadcast_in_dim3A_693, %slice3A_690, %broadcast_in_dim3A_694 : vector<4x8x128xi1>, vector<4x8x128xf32>
      %add3A_696 = arith.addf %add3A_663, %select_n3A_695 : vector<4x8x128xf32>
      %slice3A_697 = vector.extract_strided_slice %add3A {offsets = [0, 88, 0], sizes = [4, 8, 128], strides = [1, 1, 1]} : vector<4x160x128xf32> to vector<4x8x128xf32>
      %jit3A_698 = arith.constant 0.000000e+00 : f32
      %broadcast_in_dim3A_699 = vector.shape_cast %eq3A_682 : vector<4x8x1xi1> to vector<4x8x1xi1>
      %broadcast_in_dim3A_700 = vector.broadcast %broadcast_in_dim3A_699 : vector<4x8x1xi1> to vector<4x8x128xi1>
      %broadcast_in_dim3A_701 = vector.broadcast %jit3A_698 : f32 to vector<4x8x128xf32>
      %select_n3A_702 = arith.select %broadcast_in_dim3A_700, %slice3A_697, %broadcast_in_dim3A_701 : vector<4x8x128xi1>, vector<4x8x128xf32>
      %add3A_703 = arith.addf %add3A_670, %select_n3A_702 : vector<4x8x128xf32>
      %slice3A_704 = vector.extract_strided_slice %add3A_21 {offsets = [0, 88, 0], sizes = [4, 8, 128], strides = [1, 1, 1]} : vector<4x160x128xf32> to vector<4x8x128xf32>
      %jit3A_705 = arith.constant 0.000000e+00 : f32
      %broadcast_in_dim3A_706 = vector.shape_cast %eq3A_682 : vector<4x8x1xi1> to vector<4x8x1xi1>
      %broadcast_in_dim3A_707 = vector.broadcast %broadcast_in_dim3A_706 : vector<4x8x1xi1> to vector<4x8x128xi1>
      %broadcast_in_dim3A_708 = vector.broadcast %jit3A_705 : f32 to vector<4x8x128xf32>
      %select_n3A_709 = arith.select %broadcast_in_dim3A_707, %slice3A_704, %broadcast_in_dim3A_708 : vector<4x8x128xi1>, vector<4x8x128xf32>
      %add3A_710 = arith.addf %add3A_677, %select_n3A_709 : vector<4x8x128xf32>
      %add3A_711 = arith.constant 96 : i32
      %add3A_712 = vector.broadcast %add3A_711 : i32 to vector<4x8x1xi32>
      %add3A_713 = arith.addi %iota3A_30, %add3A_712 : vector<4x8x1xi32>
      %eq3A_714 = vector.broadcast %shift_right_logical3A_302 : vector<4x1x1xi32> to vector<4x8x1xi32>
      %eq3A_715 = arith.cmpi eq, %add3A_713, %eq3A_714 : vector<4x8x1xi32>
      %slice3A_716 = vector.extract_strided_slice %sub3A {offsets = [0, 96, 0], sizes = [4, 8, 128], strides = [1, 1, 1]} : vector<4x160x128xf32> to vector<4x8x128xf32>
      %jit3A_717 = arith.constant 0.000000e+00 : f32
      %broadcast_in_dim3A_718 = vector.shape_cast %eq3A_715 : vector<4x8x1xi1> to vector<4x8x1xi1>
      %broadcast_in_dim3A_719 = vector.broadcast %broadcast_in_dim3A_718 : vector<4x8x1xi1> to vector<4x8x128xi1>
      %broadcast_in_dim3A_720 = vector.broadcast %jit3A_717 : f32 to vector<4x8x128xf32>
      %select_n3A_721 = arith.select %broadcast_in_dim3A_719, %slice3A_716, %broadcast_in_dim3A_720 : vector<4x8x128xi1>, vector<4x8x128xf32>
      %add3A_722 = arith.addf %add3A_689, %select_n3A_721 : vector<4x8x128xf32>
      %slice3A_723 = vector.extract_strided_slice %sub3A_20 {offsets = [0, 96, 0], sizes = [4, 8, 128], strides = [1, 1, 1]} : vector<4x160x128xf32> to vector<4x8x128xf32>
      %jit3A_724 = arith.constant 0.000000e+00 : f32
      %broadcast_in_dim3A_725 = vector.shape_cast %eq3A_715 : vector<4x8x1xi1> to vector<4x8x1xi1>
      %broadcast_in_dim3A_726 = vector.broadcast %broadcast_in_dim3A_725 : vector<4x8x1xi1> to vector<4x8x128xi1>
      %broadcast_in_dim3A_727 = vector.broadcast %jit3A_724 : f32 to vector<4x8x128xf32>
      %select_n3A_728 = arith.select %broadcast_in_dim3A_726, %slice3A_723, %broadcast_in_dim3A_727 : vector<4x8x128xi1>, vector<4x8x128xf32>
      %add3A_729 = arith.addf %add3A_696, %select_n3A_728 : vector<4x8x128xf32>
      %slice3A_730 = vector.extract_strided_slice %add3A {offsets = [0, 96, 0], sizes = [4, 8, 128], strides = [1, 1, 1]} : vector<4x160x128xf32> to vector<4x8x128xf32>
      %jit3A_731 = arith.constant 0.000000e+00 : f32
      %broadcast_in_dim3A_732 = vector.shape_cast %eq3A_715 : vector<4x8x1xi1> to vector<4x8x1xi1>
      %broadcast_in_dim3A_733 = vector.broadcast %broadcast_in_dim3A_732 : vector<4x8x1xi1> to vector<4x8x128xi1>
      %broadcast_in_dim3A_734 = vector.broadcast %jit3A_731 : f32 to vector<4x8x128xf32>
      %select_n3A_735 = arith.select %broadcast_in_dim3A_733, %slice3A_730, %broadcast_in_dim3A_734 : vector<4x8x128xi1>, vector<4x8x128xf32>
      %add3A_736 = arith.addf %add3A_703, %select_n3A_735 : vector<4x8x128xf32>
      %slice3A_737 = vector.extract_strided_slice %add3A_21 {offsets = [0, 96, 0], sizes = [4, 8, 128], strides = [1, 1, 1]} : vector<4x160x128xf32> to vector<4x8x128xf32>
      %jit3A_738 = arith.constant 0.000000e+00 : f32
      %broadcast_in_dim3A_739 = vector.shape_cast %eq3A_715 : vector<4x8x1xi1> to vector<4x8x1xi1>
      %broadcast_in_dim3A_740 = vector.broadcast %broadcast_in_dim3A_739 : vector<4x8x1xi1> to vector<4x8x128xi1>
      %broadcast_in_dim3A_741 = vector.broadcast %jit3A_738 : f32 to vector<4x8x128xf32>
      %select_n3A_742 = arith.select %broadcast_in_dim3A_740, %slice3A_737, %broadcast_in_dim3A_741 : vector<4x8x128xi1>, vector<4x8x128xf32>
      %add3A_743 = arith.addf %add3A_710, %select_n3A_742 : vector<4x8x128xf32>
      %add3A_744 = arith.constant 104 : i32
      %add3A_745 = vector.broadcast %add3A_744 : i32 to vector<4x8x1xi32>
      %add3A_746 = arith.addi %iota3A_30, %add3A_745 : vector<4x8x1xi32>
      %eq3A_747 = vector.broadcast %shift_right_logical3A_302 : vector<4x1x1xi32> to vector<4x8x1xi32>
      %eq3A_748 = arith.cmpi eq, %add3A_746, %eq3A_747 : vector<4x8x1xi32>
      %slice3A_749 = vector.extract_strided_slice %sub3A {offsets = [0, 104, 0], sizes = [4, 8, 128], strides = [1, 1, 1]} : vector<4x160x128xf32> to vector<4x8x128xf32>
      %jit3A_750 = arith.constant 0.000000e+00 : f32
      %broadcast_in_dim3A_751 = vector.shape_cast %eq3A_748 : vector<4x8x1xi1> to vector<4x8x1xi1>
      %broadcast_in_dim3A_752 = vector.broadcast %broadcast_in_dim3A_751 : vector<4x8x1xi1> to vector<4x8x128xi1>
      %broadcast_in_dim3A_753 = vector.broadcast %jit3A_750 : f32 to vector<4x8x128xf32>
      %select_n3A_754 = arith.select %broadcast_in_dim3A_752, %slice3A_749, %broadcast_in_dim3A_753 : vector<4x8x128xi1>, vector<4x8x128xf32>
      %add3A_755 = arith.addf %add3A_722, %select_n3A_754 : vector<4x8x128xf32>
      %slice3A_756 = vector.extract_strided_slice %sub3A_20 {offsets = [0, 104, 0], sizes = [4, 8, 128], strides = [1, 1, 1]} : vector<4x160x128xf32> to vector<4x8x128xf32>
      %jit3A_757 = arith.constant 0.000000e+00 : f32
      %broadcast_in_dim3A_758 = vector.shape_cast %eq3A_748 : vector<4x8x1xi1> to vector<4x8x1xi1>
      %broadcast_in_dim3A_759 = vector.broadcast %broadcast_in_dim3A_758 : vector<4x8x1xi1> to vector<4x8x128xi1>
      %broadcast_in_dim3A_760 = vector.broadcast %jit3A_757 : f32 to vector<4x8x128xf32>
      %select_n3A_761 = arith.select %broadcast_in_dim3A_759, %slice3A_756, %broadcast_in_dim3A_760 : vector<4x8x128xi1>, vector<4x8x128xf32>
      %add3A_762 = arith.addf %add3A_729, %select_n3A_761 : vector<4x8x128xf32>
      %slice3A_763 = vector.extract_strided_slice %add3A {offsets = [0, 104, 0], sizes = [4, 8, 128], strides = [1, 1, 1]} : vector<4x160x128xf32> to vector<4x8x128xf32>
      %jit3A_764 = arith.constant 0.000000e+00 : f32
      %broadcast_in_dim3A_765 = vector.shape_cast %eq3A_748 : vector<4x8x1xi1> to vector<4x8x1xi1>
      %broadcast_in_dim3A_766 = vector.broadcast %broadcast_in_dim3A_765 : vector<4x8x1xi1> to vector<4x8x128xi1>
      %broadcast_in_dim3A_767 = vector.broadcast %jit3A_764 : f32 to vector<4x8x128xf32>
      %select_n3A_768 = arith.select %broadcast_in_dim3A_766, %slice3A_763, %broadcast_in_dim3A_767 : vector<4x8x128xi1>, vector<4x8x128xf32>
      %add3A_769 = arith.addf %add3A_736, %select_n3A_768 : vector<4x8x128xf32>
      %slice3A_770 = vector.extract_strided_slice %add3A_21 {offsets = [0, 104, 0], sizes = [4, 8, 128], strides = [1, 1, 1]} : vector<4x160x128xf32> to vector<4x8x128xf32>
      %jit3A_771 = arith.constant 0.000000e+00 : f32
      %broadcast_in_dim3A_772 = vector.shape_cast %eq3A_748 : vector<4x8x1xi1> to vector<4x8x1xi1>
      %broadcast_in_dim3A_773 = vector.broadcast %broadcast_in_dim3A_772 : vector<4x8x1xi1> to vector<4x8x128xi1>
      %broadcast_in_dim3A_774 = vector.broadcast %jit3A_771 : f32 to vector<4x8x128xf32>
      %select_n3A_775 = arith.select %broadcast_in_dim3A_773, %slice3A_770, %broadcast_in_dim3A_774 : vector<4x8x128xi1>, vector<4x8x128xf32>
      %add3A_776 = arith.addf %add3A_743, %select_n3A_775 : vector<4x8x128xf32>
      %add3A_777 = arith.constant 112 : i32
      %add3A_778 = vector.broadcast %add3A_777 : i32 to vector<4x8x1xi32>
      %add3A_779 = arith.addi %iota3A_30, %add3A_778 : vector<4x8x1xi32>
      %eq3A_780 = vector.broadcast %shift_right_logical3A_302 : vector<4x1x1xi32> to vector<4x8x1xi32>
      %eq3A_781 = arith.cmpi eq, %add3A_779, %eq3A_780 : vector<4x8x1xi32>
      %slice3A_782 = vector.extract_strided_slice %sub3A {offsets = [0, 112, 0], sizes = [4, 8, 128], strides = [1, 1, 1]} : vector<4x160x128xf32> to vector<4x8x128xf32>
      %jit3A_783 = arith.constant 0.000000e+00 : f32
      %broadcast_in_dim3A_784 = vector.shape_cast %eq3A_781 : vector<4x8x1xi1> to vector<4x8x1xi1>
      %broadcast_in_dim3A_785 = vector.broadcast %broadcast_in_dim3A_784 : vector<4x8x1xi1> to vector<4x8x128xi1>
      %broadcast_in_dim3A_786 = vector.broadcast %jit3A_783 : f32 to vector<4x8x128xf32>
      %select_n3A_787 = arith.select %broadcast_in_dim3A_785, %slice3A_782, %broadcast_in_dim3A_786 : vector<4x8x128xi1>, vector<4x8x128xf32>
      %add3A_788 = arith.addf %add3A_755, %select_n3A_787 : vector<4x8x128xf32>
      %slice3A_789 = vector.extract_strided_slice %sub3A_20 {offsets = [0, 112, 0], sizes = [4, 8, 128], strides = [1, 1, 1]} : vector<4x160x128xf32> to vector<4x8x128xf32>
      %jit3A_790 = arith.constant 0.000000e+00 : f32
      %broadcast_in_dim3A_791 = vector.shape_cast %eq3A_781 : vector<4x8x1xi1> to vector<4x8x1xi1>
      %broadcast_in_dim3A_792 = vector.broadcast %broadcast_in_dim3A_791 : vector<4x8x1xi1> to vector<4x8x128xi1>
      %broadcast_in_dim3A_793 = vector.broadcast %jit3A_790 : f32 to vector<4x8x128xf32>
      %select_n3A_794 = arith.select %broadcast_in_dim3A_792, %slice3A_789, %broadcast_in_dim3A_793 : vector<4x8x128xi1>, vector<4x8x128xf32>
      %add3A_795 = arith.addf %add3A_762, %select_n3A_794 : vector<4x8x128xf32>
      %slice3A_796 = vector.extract_strided_slice %add3A {offsets = [0, 112, 0], sizes = [4, 8, 128], strides = [1, 1, 1]} : vector<4x160x128xf32> to vector<4x8x128xf32>
      %jit3A_797 = arith.constant 0.000000e+00 : f32
      %broadcast_in_dim3A_798 = vector.shape_cast %eq3A_781 : vector<4x8x1xi1> to vector<4x8x1xi1>
      %broadcast_in_dim3A_799 = vector.broadcast %broadcast_in_dim3A_798 : vector<4x8x1xi1> to vector<4x8x128xi1>
      %broadcast_in_dim3A_800 = vector.broadcast %jit3A_797 : f32 to vector<4x8x128xf32>
      %select_n3A_801 = arith.select %broadcast_in_dim3A_799, %slice3A_796, %broadcast_in_dim3A_800 : vector<4x8x128xi1>, vector<4x8x128xf32>
      %add3A_802 = arith.addf %add3A_769, %select_n3A_801 : vector<4x8x128xf32>
      %slice3A_803 = vector.extract_strided_slice %add3A_21 {offsets = [0, 112, 0], sizes = [4, 8, 128], strides = [1, 1, 1]} : vector<4x160x128xf32> to vector<4x8x128xf32>
      %jit3A_804 = arith.constant 0.000000e+00 : f32
      %broadcast_in_dim3A_805 = vector.shape_cast %eq3A_781 : vector<4x8x1xi1> to vector<4x8x1xi1>
      %broadcast_in_dim3A_806 = vector.broadcast %broadcast_in_dim3A_805 : vector<4x8x1xi1> to vector<4x8x128xi1>
      %broadcast_in_dim3A_807 = vector.broadcast %jit3A_804 : f32 to vector<4x8x128xf32>
      %select_n3A_808 = arith.select %broadcast_in_dim3A_806, %slice3A_803, %broadcast_in_dim3A_807 : vector<4x8x128xi1>, vector<4x8x128xf32>
      %add3A_809 = arith.addf %add3A_776, %select_n3A_808 : vector<4x8x128xf32>
      %add3A_810 = arith.constant 120 : i32
      %add3A_811 = vector.broadcast %add3A_810 : i32 to vector<4x8x1xi32>
      %add3A_812 = arith.addi %iota3A_30, %add3A_811 : vector<4x8x1xi32>
      %eq3A_813 = vector.broadcast %shift_right_logical3A_302 : vector<4x1x1xi32> to vector<4x8x1xi32>
      %eq3A_814 = arith.cmpi eq, %add3A_812, %eq3A_813 : vector<4x8x1xi32>
      %slice3A_815 = vector.extract_strided_slice %sub3A {offsets = [0, 120, 0], sizes = [4, 8, 128], strides = [1, 1, 1]} : vector<4x160x128xf32> to vector<4x8x128xf32>
      %jit3A_816 = arith.constant 0.000000e+00 : f32
      %broadcast_in_dim3A_817 = vector.shape_cast %eq3A_814 : vector<4x8x1xi1> to vector<4x8x1xi1>
      %broadcast_in_dim3A_818 = vector.broadcast %broadcast_in_dim3A_817 : vector<4x8x1xi1> to vector<4x8x128xi1>
      %broadcast_in_dim3A_819 = vector.broadcast %jit3A_816 : f32 to vector<4x8x128xf32>
      %select_n3A_820 = arith.select %broadcast_in_dim3A_818, %slice3A_815, %broadcast_in_dim3A_819 : vector<4x8x128xi1>, vector<4x8x128xf32>
      %add3A_821 = arith.addf %add3A_788, %select_n3A_820 : vector<4x8x128xf32>
      %slice3A_822 = vector.extract_strided_slice %sub3A_20 {offsets = [0, 120, 0], sizes = [4, 8, 128], strides = [1, 1, 1]} : vector<4x160x128xf32> to vector<4x8x128xf32>
      %jit3A_823 = arith.constant 0.000000e+00 : f32
      %broadcast_in_dim3A_824 = vector.shape_cast %eq3A_814 : vector<4x8x1xi1> to vector<4x8x1xi1>
      %broadcast_in_dim3A_825 = vector.broadcast %broadcast_in_dim3A_824 : vector<4x8x1xi1> to vector<4x8x128xi1>
      %broadcast_in_dim3A_826 = vector.broadcast %jit3A_823 : f32 to vector<4x8x128xf32>
      %select_n3A_827 = arith.select %broadcast_in_dim3A_825, %slice3A_822, %broadcast_in_dim3A_826 : vector<4x8x128xi1>, vector<4x8x128xf32>
      %add3A_828 = arith.addf %add3A_795, %select_n3A_827 : vector<4x8x128xf32>
      %slice3A_829 = vector.extract_strided_slice %add3A {offsets = [0, 120, 0], sizes = [4, 8, 128], strides = [1, 1, 1]} : vector<4x160x128xf32> to vector<4x8x128xf32>
      %jit3A_830 = arith.constant 0.000000e+00 : f32
      %broadcast_in_dim3A_831 = vector.shape_cast %eq3A_814 : vector<4x8x1xi1> to vector<4x8x1xi1>
      %broadcast_in_dim3A_832 = vector.broadcast %broadcast_in_dim3A_831 : vector<4x8x1xi1> to vector<4x8x128xi1>
      %broadcast_in_dim3A_833 = vector.broadcast %jit3A_830 : f32 to vector<4x8x128xf32>
      %select_n3A_834 = arith.select %broadcast_in_dim3A_832, %slice3A_829, %broadcast_in_dim3A_833 : vector<4x8x128xi1>, vector<4x8x128xf32>
      %add3A_835 = arith.addf %add3A_802, %select_n3A_834 : vector<4x8x128xf32>
      %slice3A_836 = vector.extract_strided_slice %add3A_21 {offsets = [0, 120, 0], sizes = [4, 8, 128], strides = [1, 1, 1]} : vector<4x160x128xf32> to vector<4x8x128xf32>
      %jit3A_837 = arith.constant 0.000000e+00 : f32
      %broadcast_in_dim3A_838 = vector.shape_cast %eq3A_814 : vector<4x8x1xi1> to vector<4x8x1xi1>
      %broadcast_in_dim3A_839 = vector.broadcast %broadcast_in_dim3A_838 : vector<4x8x1xi1> to vector<4x8x128xi1>
      %broadcast_in_dim3A_840 = vector.broadcast %jit3A_837 : f32 to vector<4x8x128xf32>
      %select_n3A_841 = arith.select %broadcast_in_dim3A_839, %slice3A_836, %broadcast_in_dim3A_840 : vector<4x8x128xi1>, vector<4x8x128xf32>
      %add3A_842 = arith.addf %add3A_809, %select_n3A_841 : vector<4x8x128xf32>
      %add3A_843 = arith.constant 128 : i32
      %add3A_844 = vector.broadcast %add3A_843 : i32 to vector<4x8x1xi32>
      %add3A_845 = arith.addi %iota3A_30, %add3A_844 : vector<4x8x1xi32>
      %eq3A_846 = vector.broadcast %shift_right_logical3A_302 : vector<4x1x1xi32> to vector<4x8x1xi32>
      %eq3A_847 = arith.cmpi eq, %add3A_845, %eq3A_846 : vector<4x8x1xi32>
      %slice3A_848 = vector.extract_strided_slice %sub3A {offsets = [0, 128, 0], sizes = [4, 8, 128], strides = [1, 1, 1]} : vector<4x160x128xf32> to vector<4x8x128xf32>
      %jit3A_849 = arith.constant 0.000000e+00 : f32
      %broadcast_in_dim3A_850 = vector.shape_cast %eq3A_847 : vector<4x8x1xi1> to vector<4x8x1xi1>
      %broadcast_in_dim3A_851 = vector.broadcast %broadcast_in_dim3A_850 : vector<4x8x1xi1> to vector<4x8x128xi1>
      %broadcast_in_dim3A_852 = vector.broadcast %jit3A_849 : f32 to vector<4x8x128xf32>
      %select_n3A_853 = arith.select %broadcast_in_dim3A_851, %slice3A_848, %broadcast_in_dim3A_852 : vector<4x8x128xi1>, vector<4x8x128xf32>
      %add3A_854 = arith.addf %add3A_821, %select_n3A_853 : vector<4x8x128xf32>
      %slice3A_855 = vector.extract_strided_slice %sub3A_20 {offsets = [0, 128, 0], sizes = [4, 8, 128], strides = [1, 1, 1]} : vector<4x160x128xf32> to vector<4x8x128xf32>
      %jit3A_856 = arith.constant 0.000000e+00 : f32
      %broadcast_in_dim3A_857 = vector.shape_cast %eq3A_847 : vector<4x8x1xi1> to vector<4x8x1xi1>
      %broadcast_in_dim3A_858 = vector.broadcast %broadcast_in_dim3A_857 : vector<4x8x1xi1> to vector<4x8x128xi1>
      %broadcast_in_dim3A_859 = vector.broadcast %jit3A_856 : f32 to vector<4x8x128xf32>
      %select_n3A_860 = arith.select %broadcast_in_dim3A_858, %slice3A_855, %broadcast_in_dim3A_859 : vector<4x8x128xi1>, vector<4x8x128xf32>
      %add3A_861 = arith.addf %add3A_828, %select_n3A_860 : vector<4x8x128xf32>
      %slice3A_862 = vector.extract_strided_slice %add3A {offsets = [0, 128, 0], sizes = [4, 8, 128], strides = [1, 1, 1]} : vector<4x160x128xf32> to vector<4x8x128xf32>
      %jit3A_863 = arith.constant 0.000000e+00 : f32
      %broadcast_in_dim3A_864 = vector.shape_cast %eq3A_847 : vector<4x8x1xi1> to vector<4x8x1xi1>
      %broadcast_in_dim3A_865 = vector.broadcast %broadcast_in_dim3A_864 : vector<4x8x1xi1> to vector<4x8x128xi1>
      %broadcast_in_dim3A_866 = vector.broadcast %jit3A_863 : f32 to vector<4x8x128xf32>
      %select_n3A_867 = arith.select %broadcast_in_dim3A_865, %slice3A_862, %broadcast_in_dim3A_866 : vector<4x8x128xi1>, vector<4x8x128xf32>
      %add3A_868 = arith.addf %add3A_835, %select_n3A_867 : vector<4x8x128xf32>
      %slice3A_869 = vector.extract_strided_slice %add3A_21 {offsets = [0, 128, 0], sizes = [4, 8, 128], strides = [1, 1, 1]} : vector<4x160x128xf32> to vector<4x8x128xf32>
      %jit3A_870 = arith.constant 0.000000e+00 : f32
      %broadcast_in_dim3A_871 = vector.shape_cast %eq3A_847 : vector<4x8x1xi1> to vector<4x8x1xi1>
      %broadcast_in_dim3A_872 = vector.broadcast %broadcast_in_dim3A_871 : vector<4x8x1xi1> to vector<4x8x128xi1>
      %broadcast_in_dim3A_873 = vector.broadcast %jit3A_870 : f32 to vector<4x8x128xf32>
      %select_n3A_874 = arith.select %broadcast_in_dim3A_872, %slice3A_869, %broadcast_in_dim3A_873 : vector<4x8x128xi1>, vector<4x8x128xf32>
      %add3A_875 = arith.addf %add3A_842, %select_n3A_874 : vector<4x8x128xf32>
      %add3A_876 = arith.constant 136 : i32
      %add3A_877 = vector.broadcast %add3A_876 : i32 to vector<4x8x1xi32>
      %add3A_878 = arith.addi %iota3A_30, %add3A_877 : vector<4x8x1xi32>
      %eq3A_879 = vector.broadcast %shift_right_logical3A_302 : vector<4x1x1xi32> to vector<4x8x1xi32>
      %eq3A_880 = arith.cmpi eq, %add3A_878, %eq3A_879 : vector<4x8x1xi32>
      %slice3A_881 = vector.extract_strided_slice %sub3A {offsets = [0, 136, 0], sizes = [4, 8, 128], strides = [1, 1, 1]} : vector<4x160x128xf32> to vector<4x8x128xf32>
      %jit3A_882 = arith.constant 0.000000e+00 : f32
      %broadcast_in_dim3A_883 = vector.shape_cast %eq3A_880 : vector<4x8x1xi1> to vector<4x8x1xi1>
      %broadcast_in_dim3A_884 = vector.broadcast %broadcast_in_dim3A_883 : vector<4x8x1xi1> to vector<4x8x128xi1>
      %broadcast_in_dim3A_885 = vector.broadcast %jit3A_882 : f32 to vector<4x8x128xf32>
      %select_n3A_886 = arith.select %broadcast_in_dim3A_884, %slice3A_881, %broadcast_in_dim3A_885 : vector<4x8x128xi1>, vector<4x8x128xf32>
      %add3A_887 = arith.addf %add3A_854, %select_n3A_886 : vector<4x8x128xf32>
      %slice3A_888 = vector.extract_strided_slice %sub3A_20 {offsets = [0, 136, 0], sizes = [4, 8, 128], strides = [1, 1, 1]} : vector<4x160x128xf32> to vector<4x8x128xf32>
      %jit3A_889 = arith.constant 0.000000e+00 : f32
      %broadcast_in_dim3A_890 = vector.shape_cast %eq3A_880 : vector<4x8x1xi1> to vector<4x8x1xi1>
      %broadcast_in_dim3A_891 = vector.broadcast %broadcast_in_dim3A_890 : vector<4x8x1xi1> to vector<4x8x128xi1>
      %broadcast_in_dim3A_892 = vector.broadcast %jit3A_889 : f32 to vector<4x8x128xf32>
      %select_n3A_893 = arith.select %broadcast_in_dim3A_891, %slice3A_888, %broadcast_in_dim3A_892 : vector<4x8x128xi1>, vector<4x8x128xf32>
      %add3A_894 = arith.addf %add3A_861, %select_n3A_893 : vector<4x8x128xf32>
      %slice3A_895 = vector.extract_strided_slice %add3A {offsets = [0, 136, 0], sizes = [4, 8, 128], strides = [1, 1, 1]} : vector<4x160x128xf32> to vector<4x8x128xf32>
      %jit3A_896 = arith.constant 0.000000e+00 : f32
      %broadcast_in_dim3A_897 = vector.shape_cast %eq3A_880 : vector<4x8x1xi1> to vector<4x8x1xi1>
      %broadcast_in_dim3A_898 = vector.broadcast %broadcast_in_dim3A_897 : vector<4x8x1xi1> to vector<4x8x128xi1>
      %broadcast_in_dim3A_899 = vector.broadcast %jit3A_896 : f32 to vector<4x8x128xf32>
      %select_n3A_900 = arith.select %broadcast_in_dim3A_898, %slice3A_895, %broadcast_in_dim3A_899 : vector<4x8x128xi1>, vector<4x8x128xf32>
      %add3A_901 = arith.addf %add3A_868, %select_n3A_900 : vector<4x8x128xf32>
      %slice3A_902 = vector.extract_strided_slice %add3A_21 {offsets = [0, 136, 0], sizes = [4, 8, 128], strides = [1, 1, 1]} : vector<4x160x128xf32> to vector<4x8x128xf32>
      %jit3A_903 = arith.constant 0.000000e+00 : f32
      %broadcast_in_dim3A_904 = vector.shape_cast %eq3A_880 : vector<4x8x1xi1> to vector<4x8x1xi1>
      %broadcast_in_dim3A_905 = vector.broadcast %broadcast_in_dim3A_904 : vector<4x8x1xi1> to vector<4x8x128xi1>
      %broadcast_in_dim3A_906 = vector.broadcast %jit3A_903 : f32 to vector<4x8x128xf32>
      %select_n3A_907 = arith.select %broadcast_in_dim3A_905, %slice3A_902, %broadcast_in_dim3A_906 : vector<4x8x128xi1>, vector<4x8x128xf32>
      %add3A_908 = arith.addf %add3A_875, %select_n3A_907 : vector<4x8x128xf32>
      %add3A_909 = arith.constant 144 : i32
      %add3A_910 = vector.broadcast %add3A_909 : i32 to vector<4x8x1xi32>
      %add3A_911 = arith.addi %iota3A_30, %add3A_910 : vector<4x8x1xi32>
      %eq3A_912 = vector.broadcast %shift_right_logical3A_302 : vector<4x1x1xi32> to vector<4x8x1xi32>
      %eq3A_913 = arith.cmpi eq, %add3A_911, %eq3A_912 : vector<4x8x1xi32>
      %slice3A_914 = vector.extract_strided_slice %sub3A {offsets = [0, 144, 0], sizes = [4, 8, 128], strides = [1, 1, 1]} : vector<4x160x128xf32> to vector<4x8x128xf32>
      %jit3A_915 = arith.constant 0.000000e+00 : f32
      %broadcast_in_dim3A_916 = vector.shape_cast %eq3A_913 : vector<4x8x1xi1> to vector<4x8x1xi1>
      %broadcast_in_dim3A_917 = vector.broadcast %broadcast_in_dim3A_916 : vector<4x8x1xi1> to vector<4x8x128xi1>
      %broadcast_in_dim3A_918 = vector.broadcast %jit3A_915 : f32 to vector<4x8x128xf32>
      %select_n3A_919 = arith.select %broadcast_in_dim3A_917, %slice3A_914, %broadcast_in_dim3A_918 : vector<4x8x128xi1>, vector<4x8x128xf32>
      %add3A_920 = arith.addf %add3A_887, %select_n3A_919 : vector<4x8x128xf32>
      %slice3A_921 = vector.extract_strided_slice %sub3A_20 {offsets = [0, 144, 0], sizes = [4, 8, 128], strides = [1, 1, 1]} : vector<4x160x128xf32> to vector<4x8x128xf32>
      %jit3A_922 = arith.constant 0.000000e+00 : f32
      %broadcast_in_dim3A_923 = vector.shape_cast %eq3A_913 : vector<4x8x1xi1> to vector<4x8x1xi1>
      %broadcast_in_dim3A_924 = vector.broadcast %broadcast_in_dim3A_923 : vector<4x8x1xi1> to vector<4x8x128xi1>
      %broadcast_in_dim3A_925 = vector.broadcast %jit3A_922 : f32 to vector<4x8x128xf32>
      %select_n3A_926 = arith.select %broadcast_in_dim3A_924, %slice3A_921, %broadcast_in_dim3A_925 : vector<4x8x128xi1>, vector<4x8x128xf32>
      %add3A_927 = arith.addf %add3A_894, %select_n3A_926 : vector<4x8x128xf32>
      %slice3A_928 = vector.extract_strided_slice %add3A {offsets = [0, 144, 0], sizes = [4, 8, 128], strides = [1, 1, 1]} : vector<4x160x128xf32> to vector<4x8x128xf32>
      %jit3A_929 = arith.constant 0.000000e+00 : f32
      %broadcast_in_dim3A_930 = vector.shape_cast %eq3A_913 : vector<4x8x1xi1> to vector<4x8x1xi1>
      %broadcast_in_dim3A_931 = vector.broadcast %broadcast_in_dim3A_930 : vector<4x8x1xi1> to vector<4x8x128xi1>
      %broadcast_in_dim3A_932 = vector.broadcast %jit3A_929 : f32 to vector<4x8x128xf32>
      %select_n3A_933 = arith.select %broadcast_in_dim3A_931, %slice3A_928, %broadcast_in_dim3A_932 : vector<4x8x128xi1>, vector<4x8x128xf32>
      %add3A_934 = arith.addf %add3A_901, %select_n3A_933 : vector<4x8x128xf32>
      %slice3A_935 = vector.extract_strided_slice %add3A_21 {offsets = [0, 144, 0], sizes = [4, 8, 128], strides = [1, 1, 1]} : vector<4x160x128xf32> to vector<4x8x128xf32>
      %jit3A_936 = arith.constant 0.000000e+00 : f32
      %broadcast_in_dim3A_937 = vector.shape_cast %eq3A_913 : vector<4x8x1xi1> to vector<4x8x1xi1>
      %broadcast_in_dim3A_938 = vector.broadcast %broadcast_in_dim3A_937 : vector<4x8x1xi1> to vector<4x8x128xi1>
      %broadcast_in_dim3A_939 = vector.broadcast %jit3A_936 : f32 to vector<4x8x128xf32>
      %select_n3A_940 = arith.select %broadcast_in_dim3A_938, %slice3A_935, %broadcast_in_dim3A_939 : vector<4x8x128xi1>, vector<4x8x128xf32>
      %add3A_941 = arith.addf %add3A_908, %select_n3A_940 : vector<4x8x128xf32>
      %add3A_942 = arith.constant 152 : i32
      %add3A_943 = vector.broadcast %add3A_942 : i32 to vector<4x8x1xi32>
      %add3A_944 = arith.addi %iota3A_30, %add3A_943 : vector<4x8x1xi32>
      %eq3A_945 = vector.broadcast %shift_right_logical3A_302 : vector<4x1x1xi32> to vector<4x8x1xi32>
      %eq3A_946 = arith.cmpi eq, %add3A_944, %eq3A_945 : vector<4x8x1xi32>
      %slice3A_947 = vector.extract_strided_slice %sub3A {offsets = [0, 152, 0], sizes = [4, 8, 128], strides = [1, 1, 1]} : vector<4x160x128xf32> to vector<4x8x128xf32>
      %jit3A_948 = arith.constant 0.000000e+00 : f32
      %broadcast_in_dim3A_949 = vector.shape_cast %eq3A_946 : vector<4x8x1xi1> to vector<4x8x1xi1>
      %broadcast_in_dim3A_950 = vector.broadcast %broadcast_in_dim3A_949 : vector<4x8x1xi1> to vector<4x8x128xi1>
      %broadcast_in_dim3A_951 = vector.broadcast %jit3A_948 : f32 to vector<4x8x128xf32>
      %select_n3A_952 = arith.select %broadcast_in_dim3A_950, %slice3A_947, %broadcast_in_dim3A_951 : vector<4x8x128xi1>, vector<4x8x128xf32>
      %add3A_953 = arith.addf %add3A_920, %select_n3A_952 : vector<4x8x128xf32>
      %slice3A_954 = vector.extract_strided_slice %sub3A_20 {offsets = [0, 152, 0], sizes = [4, 8, 128], strides = [1, 1, 1]} : vector<4x160x128xf32> to vector<4x8x128xf32>
      %jit3A_955 = arith.constant 0.000000e+00 : f32
      %broadcast_in_dim3A_956 = vector.shape_cast %eq3A_946 : vector<4x8x1xi1> to vector<4x8x1xi1>
      %broadcast_in_dim3A_957 = vector.broadcast %broadcast_in_dim3A_956 : vector<4x8x1xi1> to vector<4x8x128xi1>
      %broadcast_in_dim3A_958 = vector.broadcast %jit3A_955 : f32 to vector<4x8x128xf32>
      %select_n3A_959 = arith.select %broadcast_in_dim3A_957, %slice3A_954, %broadcast_in_dim3A_958 : vector<4x8x128xi1>, vector<4x8x128xf32>
      %add3A_960 = arith.addf %add3A_927, %select_n3A_959 : vector<4x8x128xf32>
      %slice3A_961 = vector.extract_strided_slice %add3A {offsets = [0, 152, 0], sizes = [4, 8, 128], strides = [1, 1, 1]} : vector<4x160x128xf32> to vector<4x8x128xf32>
      %jit3A_962 = arith.constant 0.000000e+00 : f32
      %broadcast_in_dim3A_963 = vector.shape_cast %eq3A_946 : vector<4x8x1xi1> to vector<4x8x1xi1>
      %broadcast_in_dim3A_964 = vector.broadcast %broadcast_in_dim3A_963 : vector<4x8x1xi1> to vector<4x8x128xi1>
      %broadcast_in_dim3A_965 = vector.broadcast %jit3A_962 : f32 to vector<4x8x128xf32>
      %select_n3A_966 = arith.select %broadcast_in_dim3A_964, %slice3A_961, %broadcast_in_dim3A_965 : vector<4x8x128xi1>, vector<4x8x128xf32>
      %add3A_967 = arith.addf %add3A_934, %select_n3A_966 : vector<4x8x128xf32>
      %slice3A_968 = vector.extract_strided_slice %add3A_21 {offsets = [0, 152, 0], sizes = [4, 8, 128], strides = [1, 1, 1]} : vector<4x160x128xf32> to vector<4x8x128xf32>
      %jit3A_969 = arith.constant 0.000000e+00 : f32
      %broadcast_in_dim3A_970 = vector.shape_cast %eq3A_946 : vector<4x8x1xi1> to vector<4x8x1xi1>
      %broadcast_in_dim3A_971 = vector.broadcast %broadcast_in_dim3A_970 : vector<4x8x1xi1> to vector<4x8x128xi1>
      %broadcast_in_dim3A_972 = vector.broadcast %jit3A_969 : f32 to vector<4x8x128xf32>
      %select_n3A_973 = arith.select %broadcast_in_dim3A_971, %slice3A_968, %broadcast_in_dim3A_972 : vector<4x8x128xi1>, vector<4x8x128xf32>
      %add3A_974 = arith.addf %add3A_941, %select_n3A_973 : vector<4x8x128xf32>
      %reduce_sum3A = arith.constant dense<0.000000e+00> : vector<4x128xf32>
      %reduce_sum3A_975 = vector.multi_reduction <add>, %add3A_953, %reduce_sum3A [1] : vector<4x8x128xf32> to vector<4x128xf32>
      %broadcast_in_dim3A_976 = vector.shape_cast %reduce_sum3A_975 : vector<4x128xf32> to vector<4x1x128xf32>
      %reduce_sum3A_977 = arith.constant dense<0.000000e+00> : vector<4x128xf32>
      %reduce_sum3A_978 = vector.multi_reduction <add>, %add3A_960, %reduce_sum3A_977 [1] : vector<4x8x128xf32> to vector<4x128xf32>
      %broadcast_in_dim3A_979 = vector.shape_cast %reduce_sum3A_978 : vector<4x128xf32> to vector<4x1x128xf32>
      %reduce_sum3A_980 = arith.constant dense<0.000000e+00> : vector<4x128xf32>
      %reduce_sum3A_981 = vector.multi_reduction <add>, %add3A_967, %reduce_sum3A_980 [1] : vector<4x8x128xf32> to vector<4x128xf32>
      %broadcast_in_dim3A_982 = vector.shape_cast %reduce_sum3A_981 : vector<4x128xf32> to vector<4x1x128xf32>
      %reduce_sum3A_983 = arith.constant dense<0.000000e+00> : vector<4x128xf32>
      %reduce_sum3A_984 = vector.multi_reduction <add>, %add3A_974, %reduce_sum3A_983 [1] : vector<4x8x128xf32> to vector<4x128xf32>
      %broadcast_in_dim3A_985 = vector.shape_cast %reduce_sum3A_984 : vector<4x128xf32> to vector<4x1x128xf32>
      %jit3A_986 = arith.constant 0.000000e+00 : f32
      %broadcast_in_dim3A_987 = vector.broadcast %jit3A_986 : f32 to vector<4x1x128xf32>
      %select_n3A_988 = arith.select %eq3A_306, %broadcast_in_dim3A_976, %broadcast_in_dim3A_987 : vector<4x1x128xi1>, vector<4x1x128xf32>
      %reduce_sum3A_989 = arith.constant dense<0.000000e+00> : vector<4x1xf32>
      %reduce_sum3A_990 = vector.multi_reduction <add>, %select_n3A_988, %reduce_sum3A_989 [2] : vector<4x1x128xf32> to vector<4x1xf32>
      %broadcast_in_dim3A_991 = vector.shape_cast %reduce_sum3A_990 : vector<4x1xf32> to vector<4x1x1xf32>
      %jit3A_992 = arith.constant 0.000000e+00 : f32
      %broadcast_in_dim3A_993 = vector.broadcast %jit3A_992 : f32 to vector<4x1x128xf32>
      %select_n3A_994 = arith.select %eq3A_306, %broadcast_in_dim3A_979, %broadcast_in_dim3A_993 : vector<4x1x128xi1>, vector<4x1x128xf32>
      %reduce_sum3A_995 = arith.constant dense<0.000000e+00> : vector<4x1xf32>
      %reduce_sum3A_996 = vector.multi_reduction <add>, %select_n3A_994, %reduce_sum3A_995 [2] : vector<4x1x128xf32> to vector<4x1xf32>
      %broadcast_in_dim3A_997 = vector.shape_cast %reduce_sum3A_996 : vector<4x1xf32> to vector<4x1x1xf32>
      %jit3A_998 = arith.constant 0.000000e+00 : f32
      %broadcast_in_dim3A_999 = vector.broadcast %jit3A_998 : f32 to vector<4x1x128xf32>
      %select_n3A_1000 = arith.select %eq3A_306, %broadcast_in_dim3A_982, %broadcast_in_dim3A_999 : vector<4x1x128xi1>, vector<4x1x128xf32>
      %reduce_sum3A_1001 = arith.constant dense<0.000000e+00> : vector<4x1xf32>
      %reduce_sum3A_1002 = vector.multi_reduction <add>, %select_n3A_1000, %reduce_sum3A_1001 [2] : vector<4x1x128xf32> to vector<4x1xf32>
      %broadcast_in_dim3A_1003 = vector.shape_cast %reduce_sum3A_1002 : vector<4x1xf32> to vector<4x1x1xf32>
      %jit3A_1004 = arith.constant 0.000000e+00 : f32
      %broadcast_in_dim3A_1005 = vector.broadcast %jit3A_1004 : f32 to vector<4x1x128xf32>
      %select_n3A_1006 = arith.select %eq3A_306, %broadcast_in_dim3A_985, %broadcast_in_dim3A_1005 : vector<4x1x128xi1>, vector<4x1x128xf32>
      %reduce_sum3A_1007 = arith.constant dense<0.000000e+00> : vector<4x1xf32>
      %reduce_sum3A_1008 = vector.multi_reduction <add>, %select_n3A_1006, %reduce_sum3A_1007 [2] : vector<4x1x128xf32> to vector<4x1xf32>
      %broadcast_in_dim3A_1009 = vector.shape_cast %reduce_sum3A_1008 : vector<4x1xf32> to vector<4x1x1xf32>
      %sub3A_1010 = arith.subf %broadcast_in_dim3A_1003, %broadcast_in_dim3A_991 : vector<4x1x1xf32>
      %sub3A_1011 = arith.subf %broadcast_in_dim3A_1009, %broadcast_in_dim3A_997 : vector<4x1x1xf32>
      %mul3A_1012 = arith.mulf %sub3A_1010, %sub3A_1011 : vector<4x1x1xf32>
      %broadcast_in_dim3A_1013 = vector.broadcast %scan3A : f32 to vector<4x8x128xf32>
      %slice3A_1014 = vector.extract_strided_slice %sub3A {offsets = [0, 0, 0], sizes = [4, 8, 128], strides = [1, 1, 1]} : vector<4x160x128xf32> to vector<4x8x128xf32>
      %slice3A_1015 = vector.extract_strided_slice %sub3A_20 {offsets = [0, 0, 0], sizes = [4, 8, 128], strides = [1, 1, 1]} : vector<4x160x128xf32> to vector<4x8x128xf32>
      %slice3A_1016 = vector.extract_strided_slice %add3A {offsets = [0, 0, 0], sizes = [4, 8, 128], strides = [1, 1, 1]} : vector<4x160x128xf32> to vector<4x8x128xf32>
      %slice3A_1017 = vector.extract_strided_slice %add3A_21 {offsets = [0, 0, 0], sizes = [4, 8, 128], strides = [1, 1, 1]} : vector<4x160x128xf32> to vector<4x8x128xf32>
      %max3A = vector.broadcast %broadcast_in_dim3A_991 : vector<4x1x1xf32> to vector<4x8x128xf32>
      %max3A_1018 = arith.maximumf %max3A, %slice3A_1014 : vector<4x8x128xf32>
      %max3A_1019 = vector.broadcast %broadcast_in_dim3A_997 : vector<4x1x1xf32> to vector<4x8x128xf32>
      %max3A_1020 = arith.maximumf %max3A_1019, %slice3A_1015 : vector<4x8x128xf32>
      %min3A_1021 = vector.broadcast %broadcast_in_dim3A_1003 : vector<4x1x1xf32> to vector<4x8x128xf32>
      %min3A_1022 = arith.minimumf %min3A_1021, %slice3A_1016 : vector<4x8x128xf32>
      %min3A_1023 = vector.broadcast %broadcast_in_dim3A_1009 : vector<4x1x1xf32> to vector<4x8x128xf32>
      %min3A_1024 = arith.minimumf %min3A_1023, %slice3A_1017 : vector<4x8x128xf32>
      %sub3A_1025 = arith.subf %min3A_1022, %max3A_1018 : vector<4x8x128xf32>
      %max3A_1026 = arith.constant 0.000000e+00 : f32
      %max3A_1027 = vector.broadcast %max3A_1026 : f32 to vector<4x8x128xf32>
      %max3A_1028 = arith.maximumf %sub3A_1025, %max3A_1027 : vector<4x8x128xf32>
      %sub3A_1029 = arith.subf %min3A_1024, %max3A_1020 : vector<4x8x128xf32>
      %max3A_1030 = arith.constant 0.000000e+00 : f32
      %max3A_1031 = vector.broadcast %max3A_1030 : f32 to vector<4x8x128xf32>
      %max3A_1032 = arith.maximumf %sub3A_1029, %max3A_1031 : vector<4x8x128xf32>
      %mul3A_1033 = arith.mulf %max3A_1028, %max3A_1032 : vector<4x8x128xf32>
      %slice3A_1034 = vector.extract_strided_slice %mul3A {offsets = [0, 0, 0], sizes = [4, 8, 128], strides = [1, 1, 1]} : vector<4x160x128xf32> to vector<4x8x128xf32>
      %add3A_1035 = vector.broadcast %mul3A_1012 : vector<4x1x1xf32> to vector<4x8x128xf32>
      %add3A_1036 = arith.addf %add3A_1035, %slice3A_1034 : vector<4x8x128xf32>
      %sub3A_1037 = arith.subf %add3A_1036, %mul3A_1033 : vector<4x8x128xf32>
      %add3A_1038 = arith.constant 9.99999971E-10 : f32
      %add3A_1039 = vector.broadcast %add3A_1038 : f32 to vector<4x8x128xf32>
      %add3A_1040 = arith.addf %sub3A_1037, %add3A_1039 : vector<4x8x128xf32>
      %div3A_1041 = arith.divf %mul3A_1033, %add3A_1040 : vector<4x8x128xf32>
      %add3A_1042 = arith.constant 0 : i32
      %add3A_1043 = vector.broadcast %add3A_1042 : i32 to vector<4x8x1xi32>
      %add3A_1044 = arith.addi %iota3A_30, %add3A_1043 : vector<4x8x1xi32>
      %eq3A_1045 = vector.broadcast %shift_right_logical3A_302 : vector<4x1x1xi32> to vector<4x8x1xi32>
      %eq3A_1046 = arith.cmpi eq, %add3A_1044, %eq3A_1045 : vector<4x8x1xi32>
      %and3A_1047 = vector.broadcast %eq3A_1046 : vector<4x8x1xi1> to vector<4x8x128xi1>
      %and3A_1048 = vector.broadcast %eq3A_306 : vector<4x1x128xi1> to vector<4x8x128xi1>
      %and3A_1049 = arith.andi %and3A_1047, %and3A_1048 : vector<4x8x128xi1>
      %gt3A = arith.constant 5.000000e-01 : f32
      %gt3A_1050 = vector.broadcast %gt3A : f32 to vector<4x8x128xf32>
      %gt3A_1051 = arith.cmpf ogt, %div3A_1041, %gt3A_1050 : vector<4x8x128xf32>
      %or3A = arith.ori %gt3A_1051, %and3A_1049 : vector<4x8x128xi1>
      %slice3A_1052 = vector.extract_strided_slice %scan3A_47 {offsets = [0, 0, 0], sizes = [4, 8, 128], strides = [1, 1, 1]} : vector<4x160x128xf32> to vector<4x8x128xf32>
      %broadcast_in_dim3A_1053 = vector.broadcast %scan3A : f32 to vector<4x8x128xf32>
      %select_n3A_1054 = arith.select %or3A, %broadcast_in_dim3A_1053, %slice3A_1052 : vector<4x8x128xi1>, vector<4x8x128xf32>
      %max3A_1055 = arith.maximumf %broadcast_in_dim3A_1013, %select_n3A_1054 : vector<4x8x128xf32>
      %slice3A_1056 = vector.extract_strided_slice %sub3A {offsets = [0, 8, 0], sizes = [4, 8, 128], strides = [1, 1, 1]} : vector<4x160x128xf32> to vector<4x8x128xf32>
      %slice3A_1057 = vector.extract_strided_slice %sub3A_20 {offsets = [0, 8, 0], sizes = [4, 8, 128], strides = [1, 1, 1]} : vector<4x160x128xf32> to vector<4x8x128xf32>
      %slice3A_1058 = vector.extract_strided_slice %add3A {offsets = [0, 8, 0], sizes = [4, 8, 128], strides = [1, 1, 1]} : vector<4x160x128xf32> to vector<4x8x128xf32>
      %slice3A_1059 = vector.extract_strided_slice %add3A_21 {offsets = [0, 8, 0], sizes = [4, 8, 128], strides = [1, 1, 1]} : vector<4x160x128xf32> to vector<4x8x128xf32>
      %max3A_1060 = vector.broadcast %broadcast_in_dim3A_991 : vector<4x1x1xf32> to vector<4x8x128xf32>
      %max3A_1061 = arith.maximumf %max3A_1060, %slice3A_1056 : vector<4x8x128xf32>
      %max3A_1062 = vector.broadcast %broadcast_in_dim3A_997 : vector<4x1x1xf32> to vector<4x8x128xf32>
      %max3A_1063 = arith.maximumf %max3A_1062, %slice3A_1057 : vector<4x8x128xf32>
      %min3A_1064 = vector.broadcast %broadcast_in_dim3A_1003 : vector<4x1x1xf32> to vector<4x8x128xf32>
      %min3A_1065 = arith.minimumf %min3A_1064, %slice3A_1058 : vector<4x8x128xf32>
      %min3A_1066 = vector.broadcast %broadcast_in_dim3A_1009 : vector<4x1x1xf32> to vector<4x8x128xf32>
      %min3A_1067 = arith.minimumf %min3A_1066, %slice3A_1059 : vector<4x8x128xf32>
      %sub3A_1068 = arith.subf %min3A_1065, %max3A_1061 : vector<4x8x128xf32>
      %max3A_1069 = arith.constant 0.000000e+00 : f32
      %max3A_1070 = vector.broadcast %max3A_1069 : f32 to vector<4x8x128xf32>
      %max3A_1071 = arith.maximumf %sub3A_1068, %max3A_1070 : vector<4x8x128xf32>
      %sub3A_1072 = arith.subf %min3A_1067, %max3A_1063 : vector<4x8x128xf32>
      %max3A_1073 = arith.constant 0.000000e+00 : f32
      %max3A_1074 = vector.broadcast %max3A_1073 : f32 to vector<4x8x128xf32>
      %max3A_1075 = arith.maximumf %sub3A_1072, %max3A_1074 : vector<4x8x128xf32>
      %mul3A_1076 = arith.mulf %max3A_1071, %max3A_1075 : vector<4x8x128xf32>
      %slice3A_1077 = vector.extract_strided_slice %mul3A {offsets = [0, 8, 0], sizes = [4, 8, 128], strides = [1, 1, 1]} : vector<4x160x128xf32> to vector<4x8x128xf32>
      %add3A_1078 = vector.broadcast %mul3A_1012 : vector<4x1x1xf32> to vector<4x8x128xf32>
      %add3A_1079 = arith.addf %add3A_1078, %slice3A_1077 : vector<4x8x128xf32>
      %sub3A_1080 = arith.subf %add3A_1079, %mul3A_1076 : vector<4x8x128xf32>
      %add3A_1081 = arith.constant 9.99999971E-10 : f32
      %add3A_1082 = vector.broadcast %add3A_1081 : f32 to vector<4x8x128xf32>
      %add3A_1083 = arith.addf %sub3A_1080, %add3A_1082 : vector<4x8x128xf32>
      %div3A_1084 = arith.divf %mul3A_1076, %add3A_1083 : vector<4x8x128xf32>
      %add3A_1085 = arith.constant 8 : i32
      %add3A_1086 = vector.broadcast %add3A_1085 : i32 to vector<4x8x1xi32>
      %add3A_1087 = arith.addi %iota3A_30, %add3A_1086 : vector<4x8x1xi32>
      %eq3A_1088 = vector.broadcast %shift_right_logical3A_302 : vector<4x1x1xi32> to vector<4x8x1xi32>
      %eq3A_1089 = arith.cmpi eq, %add3A_1087, %eq3A_1088 : vector<4x8x1xi32>
      %and3A_1090 = vector.broadcast %eq3A_1089 : vector<4x8x1xi1> to vector<4x8x128xi1>
      %and3A_1091 = vector.broadcast %eq3A_306 : vector<4x1x128xi1> to vector<4x8x128xi1>
      %and3A_1092 = arith.andi %and3A_1090, %and3A_1091 : vector<4x8x128xi1>
      %gt3A_1093 = arith.constant 5.000000e-01 : f32
      %gt3A_1094 = vector.broadcast %gt3A_1093 : f32 to vector<4x8x128xf32>
      %gt3A_1095 = arith.cmpf ogt, %div3A_1084, %gt3A_1094 : vector<4x8x128xf32>
      %or3A_1096 = arith.ori %gt3A_1095, %and3A_1092 : vector<4x8x128xi1>
      %slice3A_1097 = vector.extract_strided_slice %scan3A_47 {offsets = [0, 8, 0], sizes = [4, 8, 128], strides = [1, 1, 1]} : vector<4x160x128xf32> to vector<4x8x128xf32>
      %broadcast_in_dim3A_1098 = vector.broadcast %scan3A : f32 to vector<4x8x128xf32>
      %select_n3A_1099 = arith.select %or3A_1096, %broadcast_in_dim3A_1098, %slice3A_1097 : vector<4x8x128xi1>, vector<4x8x128xf32>
      %max3A_1100 = arith.maximumf %max3A_1055, %select_n3A_1099 : vector<4x8x128xf32>
      %slice3A_1101 = vector.extract_strided_slice %sub3A {offsets = [0, 16, 0], sizes = [4, 8, 128], strides = [1, 1, 1]} : vector<4x160x128xf32> to vector<4x8x128xf32>
      %slice3A_1102 = vector.extract_strided_slice %sub3A_20 {offsets = [0, 16, 0], sizes = [4, 8, 128], strides = [1, 1, 1]} : vector<4x160x128xf32> to vector<4x8x128xf32>
      %slice3A_1103 = vector.extract_strided_slice %add3A {offsets = [0, 16, 0], sizes = [4, 8, 128], strides = [1, 1, 1]} : vector<4x160x128xf32> to vector<4x8x128xf32>
      %slice3A_1104 = vector.extract_strided_slice %add3A_21 {offsets = [0, 16, 0], sizes = [4, 8, 128], strides = [1, 1, 1]} : vector<4x160x128xf32> to vector<4x8x128xf32>
      %max3A_1105 = vector.broadcast %broadcast_in_dim3A_991 : vector<4x1x1xf32> to vector<4x8x128xf32>
      %max3A_1106 = arith.maximumf %max3A_1105, %slice3A_1101 : vector<4x8x128xf32>
      %max3A_1107 = vector.broadcast %broadcast_in_dim3A_997 : vector<4x1x1xf32> to vector<4x8x128xf32>
      %max3A_1108 = arith.maximumf %max3A_1107, %slice3A_1102 : vector<4x8x128xf32>
      %min3A_1109 = vector.broadcast %broadcast_in_dim3A_1003 : vector<4x1x1xf32> to vector<4x8x128xf32>
      %min3A_1110 = arith.minimumf %min3A_1109, %slice3A_1103 : vector<4x8x128xf32>
      %min3A_1111 = vector.broadcast %broadcast_in_dim3A_1009 : vector<4x1x1xf32> to vector<4x8x128xf32>
      %min3A_1112 = arith.minimumf %min3A_1111, %slice3A_1104 : vector<4x8x128xf32>
      %sub3A_1113 = arith.subf %min3A_1110, %max3A_1106 : vector<4x8x128xf32>
      %max3A_1114 = arith.constant 0.000000e+00 : f32
      %max3A_1115 = vector.broadcast %max3A_1114 : f32 to vector<4x8x128xf32>
      %max3A_1116 = arith.maximumf %sub3A_1113, %max3A_1115 : vector<4x8x128xf32>
      %sub3A_1117 = arith.subf %min3A_1112, %max3A_1108 : vector<4x8x128xf32>
      %max3A_1118 = arith.constant 0.000000e+00 : f32
      %max3A_1119 = vector.broadcast %max3A_1118 : f32 to vector<4x8x128xf32>
      %max3A_1120 = arith.maximumf %sub3A_1117, %max3A_1119 : vector<4x8x128xf32>
      %mul3A_1121 = arith.mulf %max3A_1116, %max3A_1120 : vector<4x8x128xf32>
      %slice3A_1122 = vector.extract_strided_slice %mul3A {offsets = [0, 16, 0], sizes = [4, 8, 128], strides = [1, 1, 1]} : vector<4x160x128xf32> to vector<4x8x128xf32>
      %add3A_1123 = vector.broadcast %mul3A_1012 : vector<4x1x1xf32> to vector<4x8x128xf32>
      %add3A_1124 = arith.addf %add3A_1123, %slice3A_1122 : vector<4x8x128xf32>
      %sub3A_1125 = arith.subf %add3A_1124, %mul3A_1121 : vector<4x8x128xf32>
      %add3A_1126 = arith.constant 9.99999971E-10 : f32
      %add3A_1127 = vector.broadcast %add3A_1126 : f32 to vector<4x8x128xf32>
      %add3A_1128 = arith.addf %sub3A_1125, %add3A_1127 : vector<4x8x128xf32>
      %div3A_1129 = arith.divf %mul3A_1121, %add3A_1128 : vector<4x8x128xf32>
      %add3A_1130 = arith.constant 16 : i32
      %add3A_1131 = vector.broadcast %add3A_1130 : i32 to vector<4x8x1xi32>
      %add3A_1132 = arith.addi %iota3A_30, %add3A_1131 : vector<4x8x1xi32>
      %eq3A_1133 = vector.broadcast %shift_right_logical3A_302 : vector<4x1x1xi32> to vector<4x8x1xi32>
      %eq3A_1134 = arith.cmpi eq, %add3A_1132, %eq3A_1133 : vector<4x8x1xi32>
      %and3A_1135 = vector.broadcast %eq3A_1134 : vector<4x8x1xi1> to vector<4x8x128xi1>
      %and3A_1136 = vector.broadcast %eq3A_306 : vector<4x1x128xi1> to vector<4x8x128xi1>
      %and3A_1137 = arith.andi %and3A_1135, %and3A_1136 : vector<4x8x128xi1>
      %gt3A_1138 = arith.constant 5.000000e-01 : f32
      %gt3A_1139 = vector.broadcast %gt3A_1138 : f32 to vector<4x8x128xf32>
      %gt3A_1140 = arith.cmpf ogt, %div3A_1129, %gt3A_1139 : vector<4x8x128xf32>
      %or3A_1141 = arith.ori %gt3A_1140, %and3A_1137 : vector<4x8x128xi1>
      %slice3A_1142 = vector.extract_strided_slice %scan3A_47 {offsets = [0, 16, 0], sizes = [4, 8, 128], strides = [1, 1, 1]} : vector<4x160x128xf32> to vector<4x8x128xf32>
      %broadcast_in_dim3A_1143 = vector.broadcast %scan3A : f32 to vector<4x8x128xf32>
      %select_n3A_1144 = arith.select %or3A_1141, %broadcast_in_dim3A_1143, %slice3A_1142 : vector<4x8x128xi1>, vector<4x8x128xf32>
      %max3A_1145 = arith.maximumf %max3A_1100, %select_n3A_1144 : vector<4x8x128xf32>
      %slice3A_1146 = vector.extract_strided_slice %sub3A {offsets = [0, 24, 0], sizes = [4, 8, 128], strides = [1, 1, 1]} : vector<4x160x128xf32> to vector<4x8x128xf32>
      %slice3A_1147 = vector.extract_strided_slice %sub3A_20 {offsets = [0, 24, 0], sizes = [4, 8, 128], strides = [1, 1, 1]} : vector<4x160x128xf32> to vector<4x8x128xf32>
      %slice3A_1148 = vector.extract_strided_slice %add3A {offsets = [0, 24, 0], sizes = [4, 8, 128], strides = [1, 1, 1]} : vector<4x160x128xf32> to vector<4x8x128xf32>
      %slice3A_1149 = vector.extract_strided_slice %add3A_21 {offsets = [0, 24, 0], sizes = [4, 8, 128], strides = [1, 1, 1]} : vector<4x160x128xf32> to vector<4x8x128xf32>
      %max3A_1150 = vector.broadcast %broadcast_in_dim3A_991 : vector<4x1x1xf32> to vector<4x8x128xf32>
      %max3A_1151 = arith.maximumf %max3A_1150, %slice3A_1146 : vector<4x8x128xf32>
      %max3A_1152 = vector.broadcast %broadcast_in_dim3A_997 : vector<4x1x1xf32> to vector<4x8x128xf32>
      %max3A_1153 = arith.maximumf %max3A_1152, %slice3A_1147 : vector<4x8x128xf32>
      %min3A_1154 = vector.broadcast %broadcast_in_dim3A_1003 : vector<4x1x1xf32> to vector<4x8x128xf32>
      %min3A_1155 = arith.minimumf %min3A_1154, %slice3A_1148 : vector<4x8x128xf32>
      %min3A_1156 = vector.broadcast %broadcast_in_dim3A_1009 : vector<4x1x1xf32> to vector<4x8x128xf32>
      %min3A_1157 = arith.minimumf %min3A_1156, %slice3A_1149 : vector<4x8x128xf32>
      %sub3A_1158 = arith.subf %min3A_1155, %max3A_1151 : vector<4x8x128xf32>
      %max3A_1159 = arith.constant 0.000000e+00 : f32
      %max3A_1160 = vector.broadcast %max3A_1159 : f32 to vector<4x8x128xf32>
      %max3A_1161 = arith.maximumf %sub3A_1158, %max3A_1160 : vector<4x8x128xf32>
      %sub3A_1162 = arith.subf %min3A_1157, %max3A_1153 : vector<4x8x128xf32>
      %max3A_1163 = arith.constant 0.000000e+00 : f32
      %max3A_1164 = vector.broadcast %max3A_1163 : f32 to vector<4x8x128xf32>
      %max3A_1165 = arith.maximumf %sub3A_1162, %max3A_1164 : vector<4x8x128xf32>
      %mul3A_1166 = arith.mulf %max3A_1161, %max3A_1165 : vector<4x8x128xf32>
      %slice3A_1167 = vector.extract_strided_slice %mul3A {offsets = [0, 24, 0], sizes = [4, 8, 128], strides = [1, 1, 1]} : vector<4x160x128xf32> to vector<4x8x128xf32>
      %add3A_1168 = vector.broadcast %mul3A_1012 : vector<4x1x1xf32> to vector<4x8x128xf32>
      %add3A_1169 = arith.addf %add3A_1168, %slice3A_1167 : vector<4x8x128xf32>
      %sub3A_1170 = arith.subf %add3A_1169, %mul3A_1166 : vector<4x8x128xf32>
      %add3A_1171 = arith.constant 9.99999971E-10 : f32
      %add3A_1172 = vector.broadcast %add3A_1171 : f32 to vector<4x8x128xf32>
      %add3A_1173 = arith.addf %sub3A_1170, %add3A_1172 : vector<4x8x128xf32>
      %div3A_1174 = arith.divf %mul3A_1166, %add3A_1173 : vector<4x8x128xf32>
      %add3A_1175 = arith.constant 24 : i32
      %add3A_1176 = vector.broadcast %add3A_1175 : i32 to vector<4x8x1xi32>
      %add3A_1177 = arith.addi %iota3A_30, %add3A_1176 : vector<4x8x1xi32>
      %eq3A_1178 = vector.broadcast %shift_right_logical3A_302 : vector<4x1x1xi32> to vector<4x8x1xi32>
      %eq3A_1179 = arith.cmpi eq, %add3A_1177, %eq3A_1178 : vector<4x8x1xi32>
      %and3A_1180 = vector.broadcast %eq3A_1179 : vector<4x8x1xi1> to vector<4x8x128xi1>
      %and3A_1181 = vector.broadcast %eq3A_306 : vector<4x1x128xi1> to vector<4x8x128xi1>
      %and3A_1182 = arith.andi %and3A_1180, %and3A_1181 : vector<4x8x128xi1>
      %gt3A_1183 = arith.constant 5.000000e-01 : f32
      %gt3A_1184 = vector.broadcast %gt3A_1183 : f32 to vector<4x8x128xf32>
      %gt3A_1185 = arith.cmpf ogt, %div3A_1174, %gt3A_1184 : vector<4x8x128xf32>
      %or3A_1186 = arith.ori %gt3A_1185, %and3A_1182 : vector<4x8x128xi1>
      %slice3A_1187 = vector.extract_strided_slice %scan3A_47 {offsets = [0, 24, 0], sizes = [4, 8, 128], strides = [1, 1, 1]} : vector<4x160x128xf32> to vector<4x8x128xf32>
      %broadcast_in_dim3A_1188 = vector.broadcast %scan3A : f32 to vector<4x8x128xf32>
      %select_n3A_1189 = arith.select %or3A_1186, %broadcast_in_dim3A_1188, %slice3A_1187 : vector<4x8x128xi1>, vector<4x8x128xf32>
      %max3A_1190 = arith.maximumf %max3A_1145, %select_n3A_1189 : vector<4x8x128xf32>
      %slice3A_1191 = vector.extract_strided_slice %sub3A {offsets = [0, 32, 0], sizes = [4, 8, 128], strides = [1, 1, 1]} : vector<4x160x128xf32> to vector<4x8x128xf32>
      %slice3A_1192 = vector.extract_strided_slice %sub3A_20 {offsets = [0, 32, 0], sizes = [4, 8, 128], strides = [1, 1, 1]} : vector<4x160x128xf32> to vector<4x8x128xf32>
      %slice3A_1193 = vector.extract_strided_slice %add3A {offsets = [0, 32, 0], sizes = [4, 8, 128], strides = [1, 1, 1]} : vector<4x160x128xf32> to vector<4x8x128xf32>
      %slice3A_1194 = vector.extract_strided_slice %add3A_21 {offsets = [0, 32, 0], sizes = [4, 8, 128], strides = [1, 1, 1]} : vector<4x160x128xf32> to vector<4x8x128xf32>
      %max3A_1195 = vector.broadcast %broadcast_in_dim3A_991 : vector<4x1x1xf32> to vector<4x8x128xf32>
      %max3A_1196 = arith.maximumf %max3A_1195, %slice3A_1191 : vector<4x8x128xf32>
      %max3A_1197 = vector.broadcast %broadcast_in_dim3A_997 : vector<4x1x1xf32> to vector<4x8x128xf32>
      %max3A_1198 = arith.maximumf %max3A_1197, %slice3A_1192 : vector<4x8x128xf32>
      %min3A_1199 = vector.broadcast %broadcast_in_dim3A_1003 : vector<4x1x1xf32> to vector<4x8x128xf32>
      %min3A_1200 = arith.minimumf %min3A_1199, %slice3A_1193 : vector<4x8x128xf32>
      %min3A_1201 = vector.broadcast %broadcast_in_dim3A_1009 : vector<4x1x1xf32> to vector<4x8x128xf32>
      %min3A_1202 = arith.minimumf %min3A_1201, %slice3A_1194 : vector<4x8x128xf32>
      %sub3A_1203 = arith.subf %min3A_1200, %max3A_1196 : vector<4x8x128xf32>
      %max3A_1204 = arith.constant 0.000000e+00 : f32
      %max3A_1205 = vector.broadcast %max3A_1204 : f32 to vector<4x8x128xf32>
      %max3A_1206 = arith.maximumf %sub3A_1203, %max3A_1205 : vector<4x8x128xf32>
      %sub3A_1207 = arith.subf %min3A_1202, %max3A_1198 : vector<4x8x128xf32>
      %max3A_1208 = arith.constant 0.000000e+00 : f32
      %max3A_1209 = vector.broadcast %max3A_1208 : f32 to vector<4x8x128xf32>
      %max3A_1210 = arith.maximumf %sub3A_1207, %max3A_1209 : vector<4x8x128xf32>
      %mul3A_1211 = arith.mulf %max3A_1206, %max3A_1210 : vector<4x8x128xf32>
      %slice3A_1212 = vector.extract_strided_slice %mul3A {offsets = [0, 32, 0], sizes = [4, 8, 128], strides = [1, 1, 1]} : vector<4x160x128xf32> to vector<4x8x128xf32>
      %add3A_1213 = vector.broadcast %mul3A_1012 : vector<4x1x1xf32> to vector<4x8x128xf32>
      %add3A_1214 = arith.addf %add3A_1213, %slice3A_1212 : vector<4x8x128xf32>
      %sub3A_1215 = arith.subf %add3A_1214, %mul3A_1211 : vector<4x8x128xf32>
      %add3A_1216 = arith.constant 9.99999971E-10 : f32
      %add3A_1217 = vector.broadcast %add3A_1216 : f32 to vector<4x8x128xf32>
      %add3A_1218 = arith.addf %sub3A_1215, %add3A_1217 : vector<4x8x128xf32>
      %div3A_1219 = arith.divf %mul3A_1211, %add3A_1218 : vector<4x8x128xf32>
      %add3A_1220 = arith.constant 32 : i32
      %add3A_1221 = vector.broadcast %add3A_1220 : i32 to vector<4x8x1xi32>
      %add3A_1222 = arith.addi %iota3A_30, %add3A_1221 : vector<4x8x1xi32>
      %eq3A_1223 = vector.broadcast %shift_right_logical3A_302 : vector<4x1x1xi32> to vector<4x8x1xi32>
      %eq3A_1224 = arith.cmpi eq, %add3A_1222, %eq3A_1223 : vector<4x8x1xi32>
      %and3A_1225 = vector.broadcast %eq3A_1224 : vector<4x8x1xi1> to vector<4x8x128xi1>
      %and3A_1226 = vector.broadcast %eq3A_306 : vector<4x1x128xi1> to vector<4x8x128xi1>
      %and3A_1227 = arith.andi %and3A_1225, %and3A_1226 : vector<4x8x128xi1>
      %gt3A_1228 = arith.constant 5.000000e-01 : f32
      %gt3A_1229 = vector.broadcast %gt3A_1228 : f32 to vector<4x8x128xf32>
      %gt3A_1230 = arith.cmpf ogt, %div3A_1219, %gt3A_1229 : vector<4x8x128xf32>
      %or3A_1231 = arith.ori %gt3A_1230, %and3A_1227 : vector<4x8x128xi1>
      %slice3A_1232 = vector.extract_strided_slice %scan3A_47 {offsets = [0, 32, 0], sizes = [4, 8, 128], strides = [1, 1, 1]} : vector<4x160x128xf32> to vector<4x8x128xf32>
      %broadcast_in_dim3A_1233 = vector.broadcast %scan3A : f32 to vector<4x8x128xf32>
      %select_n3A_1234 = arith.select %or3A_1231, %broadcast_in_dim3A_1233, %slice3A_1232 : vector<4x8x128xi1>, vector<4x8x128xf32>
      %max3A_1235 = arith.maximumf %max3A_1190, %select_n3A_1234 : vector<4x8x128xf32>
      %slice3A_1236 = vector.extract_strided_slice %sub3A {offsets = [0, 40, 0], sizes = [4, 8, 128], strides = [1, 1, 1]} : vector<4x160x128xf32> to vector<4x8x128xf32>
      %slice3A_1237 = vector.extract_strided_slice %sub3A_20 {offsets = [0, 40, 0], sizes = [4, 8, 128], strides = [1, 1, 1]} : vector<4x160x128xf32> to vector<4x8x128xf32>
      %slice3A_1238 = vector.extract_strided_slice %add3A {offsets = [0, 40, 0], sizes = [4, 8, 128], strides = [1, 1, 1]} : vector<4x160x128xf32> to vector<4x8x128xf32>
      %slice3A_1239 = vector.extract_strided_slice %add3A_21 {offsets = [0, 40, 0], sizes = [4, 8, 128], strides = [1, 1, 1]} : vector<4x160x128xf32> to vector<4x8x128xf32>
      %max3A_1240 = vector.broadcast %broadcast_in_dim3A_991 : vector<4x1x1xf32> to vector<4x8x128xf32>
      %max3A_1241 = arith.maximumf %max3A_1240, %slice3A_1236 : vector<4x8x128xf32>
      %max3A_1242 = vector.broadcast %broadcast_in_dim3A_997 : vector<4x1x1xf32> to vector<4x8x128xf32>
      %max3A_1243 = arith.maximumf %max3A_1242, %slice3A_1237 : vector<4x8x128xf32>
      %min3A_1244 = vector.broadcast %broadcast_in_dim3A_1003 : vector<4x1x1xf32> to vector<4x8x128xf32>
      %min3A_1245 = arith.minimumf %min3A_1244, %slice3A_1238 : vector<4x8x128xf32>
      %min3A_1246 = vector.broadcast %broadcast_in_dim3A_1009 : vector<4x1x1xf32> to vector<4x8x128xf32>
      %min3A_1247 = arith.minimumf %min3A_1246, %slice3A_1239 : vector<4x8x128xf32>
      %sub3A_1248 = arith.subf %min3A_1245, %max3A_1241 : vector<4x8x128xf32>
      %max3A_1249 = arith.constant 0.000000e+00 : f32
      %max3A_1250 = vector.broadcast %max3A_1249 : f32 to vector<4x8x128xf32>
      %max3A_1251 = arith.maximumf %sub3A_1248, %max3A_1250 : vector<4x8x128xf32>
      %sub3A_1252 = arith.subf %min3A_1247, %max3A_1243 : vector<4x8x128xf32>
      %max3A_1253 = arith.constant 0.000000e+00 : f32
      %max3A_1254 = vector.broadcast %max3A_1253 : f32 to vector<4x8x128xf32>
      %max3A_1255 = arith.maximumf %sub3A_1252, %max3A_1254 : vector<4x8x128xf32>
      %mul3A_1256 = arith.mulf %max3A_1251, %max3A_1255 : vector<4x8x128xf32>
      %slice3A_1257 = vector.extract_strided_slice %mul3A {offsets = [0, 40, 0], sizes = [4, 8, 128], strides = [1, 1, 1]} : vector<4x160x128xf32> to vector<4x8x128xf32>
      %add3A_1258 = vector.broadcast %mul3A_1012 : vector<4x1x1xf32> to vector<4x8x128xf32>
      %add3A_1259 = arith.addf %add3A_1258, %slice3A_1257 : vector<4x8x128xf32>
      %sub3A_1260 = arith.subf %add3A_1259, %mul3A_1256 : vector<4x8x128xf32>
      %add3A_1261 = arith.constant 9.99999971E-10 : f32
      %add3A_1262 = vector.broadcast %add3A_1261 : f32 to vector<4x8x128xf32>
      %add3A_1263 = arith.addf %sub3A_1260, %add3A_1262 : vector<4x8x128xf32>
      %div3A_1264 = arith.divf %mul3A_1256, %add3A_1263 : vector<4x8x128xf32>
      %add3A_1265 = arith.constant 40 : i32
      %add3A_1266 = vector.broadcast %add3A_1265 : i32 to vector<4x8x1xi32>
      %add3A_1267 = arith.addi %iota3A_30, %add3A_1266 : vector<4x8x1xi32>
      %eq3A_1268 = vector.broadcast %shift_right_logical3A_302 : vector<4x1x1xi32> to vector<4x8x1xi32>
      %eq3A_1269 = arith.cmpi eq, %add3A_1267, %eq3A_1268 : vector<4x8x1xi32>
      %and3A_1270 = vector.broadcast %eq3A_1269 : vector<4x8x1xi1> to vector<4x8x128xi1>
      %and3A_1271 = vector.broadcast %eq3A_306 : vector<4x1x128xi1> to vector<4x8x128xi1>
      %and3A_1272 = arith.andi %and3A_1270, %and3A_1271 : vector<4x8x128xi1>
      %gt3A_1273 = arith.constant 5.000000e-01 : f32
      %gt3A_1274 = vector.broadcast %gt3A_1273 : f32 to vector<4x8x128xf32>
      %gt3A_1275 = arith.cmpf ogt, %div3A_1264, %gt3A_1274 : vector<4x8x128xf32>
      %or3A_1276 = arith.ori %gt3A_1275, %and3A_1272 : vector<4x8x128xi1>
      %slice3A_1277 = vector.extract_strided_slice %scan3A_47 {offsets = [0, 40, 0], sizes = [4, 8, 128], strides = [1, 1, 1]} : vector<4x160x128xf32> to vector<4x8x128xf32>
      %broadcast_in_dim3A_1278 = vector.broadcast %scan3A : f32 to vector<4x8x128xf32>
      %select_n3A_1279 = arith.select %or3A_1276, %broadcast_in_dim3A_1278, %slice3A_1277 : vector<4x8x128xi1>, vector<4x8x128xf32>
      %max3A_1280 = arith.maximumf %max3A_1235, %select_n3A_1279 : vector<4x8x128xf32>
      %slice3A_1281 = vector.extract_strided_slice %sub3A {offsets = [0, 48, 0], sizes = [4, 8, 128], strides = [1, 1, 1]} : vector<4x160x128xf32> to vector<4x8x128xf32>
      %slice3A_1282 = vector.extract_strided_slice %sub3A_20 {offsets = [0, 48, 0], sizes = [4, 8, 128], strides = [1, 1, 1]} : vector<4x160x128xf32> to vector<4x8x128xf32>
      %slice3A_1283 = vector.extract_strided_slice %add3A {offsets = [0, 48, 0], sizes = [4, 8, 128], strides = [1, 1, 1]} : vector<4x160x128xf32> to vector<4x8x128xf32>
      %slice3A_1284 = vector.extract_strided_slice %add3A_21 {offsets = [0, 48, 0], sizes = [4, 8, 128], strides = [1, 1, 1]} : vector<4x160x128xf32> to vector<4x8x128xf32>
      %max3A_1285 = vector.broadcast %broadcast_in_dim3A_991 : vector<4x1x1xf32> to vector<4x8x128xf32>
      %max3A_1286 = arith.maximumf %max3A_1285, %slice3A_1281 : vector<4x8x128xf32>
      %max3A_1287 = vector.broadcast %broadcast_in_dim3A_997 : vector<4x1x1xf32> to vector<4x8x128xf32>
      %max3A_1288 = arith.maximumf %max3A_1287, %slice3A_1282 : vector<4x8x128xf32>
      %min3A_1289 = vector.broadcast %broadcast_in_dim3A_1003 : vector<4x1x1xf32> to vector<4x8x128xf32>
      %min3A_1290 = arith.minimumf %min3A_1289, %slice3A_1283 : vector<4x8x128xf32>
      %min3A_1291 = vector.broadcast %broadcast_in_dim3A_1009 : vector<4x1x1xf32> to vector<4x8x128xf32>
      %min3A_1292 = arith.minimumf %min3A_1291, %slice3A_1284 : vector<4x8x128xf32>
      %sub3A_1293 = arith.subf %min3A_1290, %max3A_1286 : vector<4x8x128xf32>
      %max3A_1294 = arith.constant 0.000000e+00 : f32
      %max3A_1295 = vector.broadcast %max3A_1294 : f32 to vector<4x8x128xf32>
      %max3A_1296 = arith.maximumf %sub3A_1293, %max3A_1295 : vector<4x8x128xf32>
      %sub3A_1297 = arith.subf %min3A_1292, %max3A_1288 : vector<4x8x128xf32>
      %max3A_1298 = arith.constant 0.000000e+00 : f32
      %max3A_1299 = vector.broadcast %max3A_1298 : f32 to vector<4x8x128xf32>
      %max3A_1300 = arith.maximumf %sub3A_1297, %max3A_1299 : vector<4x8x128xf32>
      %mul3A_1301 = arith.mulf %max3A_1296, %max3A_1300 : vector<4x8x128xf32>
      %slice3A_1302 = vector.extract_strided_slice %mul3A {offsets = [0, 48, 0], sizes = [4, 8, 128], strides = [1, 1, 1]} : vector<4x160x128xf32> to vector<4x8x128xf32>
      %add3A_1303 = vector.broadcast %mul3A_1012 : vector<4x1x1xf32> to vector<4x8x128xf32>
      %add3A_1304 = arith.addf %add3A_1303, %slice3A_1302 : vector<4x8x128xf32>
      %sub3A_1305 = arith.subf %add3A_1304, %mul3A_1301 : vector<4x8x128xf32>
      %add3A_1306 = arith.constant 9.99999971E-10 : f32
      %add3A_1307 = vector.broadcast %add3A_1306 : f32 to vector<4x8x128xf32>
      %add3A_1308 = arith.addf %sub3A_1305, %add3A_1307 : vector<4x8x128xf32>
      %div3A_1309 = arith.divf %mul3A_1301, %add3A_1308 : vector<4x8x128xf32>
      %add3A_1310 = arith.constant 48 : i32
      %add3A_1311 = vector.broadcast %add3A_1310 : i32 to vector<4x8x1xi32>
      %add3A_1312 = arith.addi %iota3A_30, %add3A_1311 : vector<4x8x1xi32>
      %eq3A_1313 = vector.broadcast %shift_right_logical3A_302 : vector<4x1x1xi32> to vector<4x8x1xi32>
      %eq3A_1314 = arith.cmpi eq, %add3A_1312, %eq3A_1313 : vector<4x8x1xi32>
      %and3A_1315 = vector.broadcast %eq3A_1314 : vector<4x8x1xi1> to vector<4x8x128xi1>
      %and3A_1316 = vector.broadcast %eq3A_306 : vector<4x1x128xi1> to vector<4x8x128xi1>
      %and3A_1317 = arith.andi %and3A_1315, %and3A_1316 : vector<4x8x128xi1>
      %gt3A_1318 = arith.constant 5.000000e-01 : f32
      %gt3A_1319 = vector.broadcast %gt3A_1318 : f32 to vector<4x8x128xf32>
      %gt3A_1320 = arith.cmpf ogt, %div3A_1309, %gt3A_1319 : vector<4x8x128xf32>
      %or3A_1321 = arith.ori %gt3A_1320, %and3A_1317 : vector<4x8x128xi1>
      %slice3A_1322 = vector.extract_strided_slice %scan3A_47 {offsets = [0, 48, 0], sizes = [4, 8, 128], strides = [1, 1, 1]} : vector<4x160x128xf32> to vector<4x8x128xf32>
      %broadcast_in_dim3A_1323 = vector.broadcast %scan3A : f32 to vector<4x8x128xf32>
      %select_n3A_1324 = arith.select %or3A_1321, %broadcast_in_dim3A_1323, %slice3A_1322 : vector<4x8x128xi1>, vector<4x8x128xf32>
      %max3A_1325 = arith.maximumf %max3A_1280, %select_n3A_1324 : vector<4x8x128xf32>
      %slice3A_1326 = vector.extract_strided_slice %sub3A {offsets = [0, 56, 0], sizes = [4, 8, 128], strides = [1, 1, 1]} : vector<4x160x128xf32> to vector<4x8x128xf32>
      %slice3A_1327 = vector.extract_strided_slice %sub3A_20 {offsets = [0, 56, 0], sizes = [4, 8, 128], strides = [1, 1, 1]} : vector<4x160x128xf32> to vector<4x8x128xf32>
      %slice3A_1328 = vector.extract_strided_slice %add3A {offsets = [0, 56, 0], sizes = [4, 8, 128], strides = [1, 1, 1]} : vector<4x160x128xf32> to vector<4x8x128xf32>
      %slice3A_1329 = vector.extract_strided_slice %add3A_21 {offsets = [0, 56, 0], sizes = [4, 8, 128], strides = [1, 1, 1]} : vector<4x160x128xf32> to vector<4x8x128xf32>
      %max3A_1330 = vector.broadcast %broadcast_in_dim3A_991 : vector<4x1x1xf32> to vector<4x8x128xf32>
      %max3A_1331 = arith.maximumf %max3A_1330, %slice3A_1326 : vector<4x8x128xf32>
      %max3A_1332 = vector.broadcast %broadcast_in_dim3A_997 : vector<4x1x1xf32> to vector<4x8x128xf32>
      %max3A_1333 = arith.maximumf %max3A_1332, %slice3A_1327 : vector<4x8x128xf32>
      %min3A_1334 = vector.broadcast %broadcast_in_dim3A_1003 : vector<4x1x1xf32> to vector<4x8x128xf32>
      %min3A_1335 = arith.minimumf %min3A_1334, %slice3A_1328 : vector<4x8x128xf32>
      %min3A_1336 = vector.broadcast %broadcast_in_dim3A_1009 : vector<4x1x1xf32> to vector<4x8x128xf32>
      %min3A_1337 = arith.minimumf %min3A_1336, %slice3A_1329 : vector<4x8x128xf32>
      %sub3A_1338 = arith.subf %min3A_1335, %max3A_1331 : vector<4x8x128xf32>
      %max3A_1339 = arith.constant 0.000000e+00 : f32
      %max3A_1340 = vector.broadcast %max3A_1339 : f32 to vector<4x8x128xf32>
      %max3A_1341 = arith.maximumf %sub3A_1338, %max3A_1340 : vector<4x8x128xf32>
      %sub3A_1342 = arith.subf %min3A_1337, %max3A_1333 : vector<4x8x128xf32>
      %max3A_1343 = arith.constant 0.000000e+00 : f32
      %max3A_1344 = vector.broadcast %max3A_1343 : f32 to vector<4x8x128xf32>
      %max3A_1345 = arith.maximumf %sub3A_1342, %max3A_1344 : vector<4x8x128xf32>
      %mul3A_1346 = arith.mulf %max3A_1341, %max3A_1345 : vector<4x8x128xf32>
      %slice3A_1347 = vector.extract_strided_slice %mul3A {offsets = [0, 56, 0], sizes = [4, 8, 128], strides = [1, 1, 1]} : vector<4x160x128xf32> to vector<4x8x128xf32>
      %add3A_1348 = vector.broadcast %mul3A_1012 : vector<4x1x1xf32> to vector<4x8x128xf32>
      %add3A_1349 = arith.addf %add3A_1348, %slice3A_1347 : vector<4x8x128xf32>
      %sub3A_1350 = arith.subf %add3A_1349, %mul3A_1346 : vector<4x8x128xf32>
      %add3A_1351 = arith.constant 9.99999971E-10 : f32
      %add3A_1352 = vector.broadcast %add3A_1351 : f32 to vector<4x8x128xf32>
      %add3A_1353 = arith.addf %sub3A_1350, %add3A_1352 : vector<4x8x128xf32>
      %div3A_1354 = arith.divf %mul3A_1346, %add3A_1353 : vector<4x8x128xf32>
      %add3A_1355 = arith.constant 56 : i32
      %add3A_1356 = vector.broadcast %add3A_1355 : i32 to vector<4x8x1xi32>
      %add3A_1357 = arith.addi %iota3A_30, %add3A_1356 : vector<4x8x1xi32>
      %eq3A_1358 = vector.broadcast %shift_right_logical3A_302 : vector<4x1x1xi32> to vector<4x8x1xi32>
      %eq3A_1359 = arith.cmpi eq, %add3A_1357, %eq3A_1358 : vector<4x8x1xi32>
      %and3A_1360 = vector.broadcast %eq3A_1359 : vector<4x8x1xi1> to vector<4x8x128xi1>
      %and3A_1361 = vector.broadcast %eq3A_306 : vector<4x1x128xi1> to vector<4x8x128xi1>
      %and3A_1362 = arith.andi %and3A_1360, %and3A_1361 : vector<4x8x128xi1>
      %gt3A_1363 = arith.constant 5.000000e-01 : f32
      %gt3A_1364 = vector.broadcast %gt3A_1363 : f32 to vector<4x8x128xf32>
      %gt3A_1365 = arith.cmpf ogt, %div3A_1354, %gt3A_1364 : vector<4x8x128xf32>
      %or3A_1366 = arith.ori %gt3A_1365, %and3A_1362 : vector<4x8x128xi1>
      %slice3A_1367 = vector.extract_strided_slice %scan3A_47 {offsets = [0, 56, 0], sizes = [4, 8, 128], strides = [1, 1, 1]} : vector<4x160x128xf32> to vector<4x8x128xf32>
      %broadcast_in_dim3A_1368 = vector.broadcast %scan3A : f32 to vector<4x8x128xf32>
      %select_n3A_1369 = arith.select %or3A_1366, %broadcast_in_dim3A_1368, %slice3A_1367 : vector<4x8x128xi1>, vector<4x8x128xf32>
      %max3A_1370 = arith.maximumf %max3A_1325, %select_n3A_1369 : vector<4x8x128xf32>
      %slice3A_1371 = vector.extract_strided_slice %sub3A {offsets = [0, 64, 0], sizes = [4, 8, 128], strides = [1, 1, 1]} : vector<4x160x128xf32> to vector<4x8x128xf32>
      %slice3A_1372 = vector.extract_strided_slice %sub3A_20 {offsets = [0, 64, 0], sizes = [4, 8, 128], strides = [1, 1, 1]} : vector<4x160x128xf32> to vector<4x8x128xf32>
      %slice3A_1373 = vector.extract_strided_slice %add3A {offsets = [0, 64, 0], sizes = [4, 8, 128], strides = [1, 1, 1]} : vector<4x160x128xf32> to vector<4x8x128xf32>
      %slice3A_1374 = vector.extract_strided_slice %add3A_21 {offsets = [0, 64, 0], sizes = [4, 8, 128], strides = [1, 1, 1]} : vector<4x160x128xf32> to vector<4x8x128xf32>
      %max3A_1375 = vector.broadcast %broadcast_in_dim3A_991 : vector<4x1x1xf32> to vector<4x8x128xf32>
      %max3A_1376 = arith.maximumf %max3A_1375, %slice3A_1371 : vector<4x8x128xf32>
      %max3A_1377 = vector.broadcast %broadcast_in_dim3A_997 : vector<4x1x1xf32> to vector<4x8x128xf32>
      %max3A_1378 = arith.maximumf %max3A_1377, %slice3A_1372 : vector<4x8x128xf32>
      %min3A_1379 = vector.broadcast %broadcast_in_dim3A_1003 : vector<4x1x1xf32> to vector<4x8x128xf32>
      %min3A_1380 = arith.minimumf %min3A_1379, %slice3A_1373 : vector<4x8x128xf32>
      %min3A_1381 = vector.broadcast %broadcast_in_dim3A_1009 : vector<4x1x1xf32> to vector<4x8x128xf32>
      %min3A_1382 = arith.minimumf %min3A_1381, %slice3A_1374 : vector<4x8x128xf32>
      %sub3A_1383 = arith.subf %min3A_1380, %max3A_1376 : vector<4x8x128xf32>
      %max3A_1384 = arith.constant 0.000000e+00 : f32
      %max3A_1385 = vector.broadcast %max3A_1384 : f32 to vector<4x8x128xf32>
      %max3A_1386 = arith.maximumf %sub3A_1383, %max3A_1385 : vector<4x8x128xf32>
      %sub3A_1387 = arith.subf %min3A_1382, %max3A_1378 : vector<4x8x128xf32>
      %max3A_1388 = arith.constant 0.000000e+00 : f32
      %max3A_1389 = vector.broadcast %max3A_1388 : f32 to vector<4x8x128xf32>
      %max3A_1390 = arith.maximumf %sub3A_1387, %max3A_1389 : vector<4x8x128xf32>
      %mul3A_1391 = arith.mulf %max3A_1386, %max3A_1390 : vector<4x8x128xf32>
      %slice3A_1392 = vector.extract_strided_slice %mul3A {offsets = [0, 64, 0], sizes = [4, 8, 128], strides = [1, 1, 1]} : vector<4x160x128xf32> to vector<4x8x128xf32>
      %add3A_1393 = vector.broadcast %mul3A_1012 : vector<4x1x1xf32> to vector<4x8x128xf32>
      %add3A_1394 = arith.addf %add3A_1393, %slice3A_1392 : vector<4x8x128xf32>
      %sub3A_1395 = arith.subf %add3A_1394, %mul3A_1391 : vector<4x8x128xf32>
      %add3A_1396 = arith.constant 9.99999971E-10 : f32
      %add3A_1397 = vector.broadcast %add3A_1396 : f32 to vector<4x8x128xf32>
      %add3A_1398 = arith.addf %sub3A_1395, %add3A_1397 : vector<4x8x128xf32>
      %div3A_1399 = arith.divf %mul3A_1391, %add3A_1398 : vector<4x8x128xf32>
      %add3A_1400 = arith.constant 64 : i32
      %add3A_1401 = vector.broadcast %add3A_1400 : i32 to vector<4x8x1xi32>
      %add3A_1402 = arith.addi %iota3A_30, %add3A_1401 : vector<4x8x1xi32>
      %eq3A_1403 = vector.broadcast %shift_right_logical3A_302 : vector<4x1x1xi32> to vector<4x8x1xi32>
      %eq3A_1404 = arith.cmpi eq, %add3A_1402, %eq3A_1403 : vector<4x8x1xi32>
      %and3A_1405 = vector.broadcast %eq3A_1404 : vector<4x8x1xi1> to vector<4x8x128xi1>
      %and3A_1406 = vector.broadcast %eq3A_306 : vector<4x1x128xi1> to vector<4x8x128xi1>
      %and3A_1407 = arith.andi %and3A_1405, %and3A_1406 : vector<4x8x128xi1>
      %gt3A_1408 = arith.constant 5.000000e-01 : f32
      %gt3A_1409 = vector.broadcast %gt3A_1408 : f32 to vector<4x8x128xf32>
      %gt3A_1410 = arith.cmpf ogt, %div3A_1399, %gt3A_1409 : vector<4x8x128xf32>
      %or3A_1411 = arith.ori %gt3A_1410, %and3A_1407 : vector<4x8x128xi1>
      %slice3A_1412 = vector.extract_strided_slice %scan3A_47 {offsets = [0, 64, 0], sizes = [4, 8, 128], strides = [1, 1, 1]} : vector<4x160x128xf32> to vector<4x8x128xf32>
      %broadcast_in_dim3A_1413 = vector.broadcast %scan3A : f32 to vector<4x8x128xf32>
      %select_n3A_1414 = arith.select %or3A_1411, %broadcast_in_dim3A_1413, %slice3A_1412 : vector<4x8x128xi1>, vector<4x8x128xf32>
      %max3A_1415 = arith.maximumf %max3A_1370, %select_n3A_1414 : vector<4x8x128xf32>
      %slice3A_1416 = vector.extract_strided_slice %sub3A {offsets = [0, 72, 0], sizes = [4, 8, 128], strides = [1, 1, 1]} : vector<4x160x128xf32> to vector<4x8x128xf32>
      %slice3A_1417 = vector.extract_strided_slice %sub3A_20 {offsets = [0, 72, 0], sizes = [4, 8, 128], strides = [1, 1, 1]} : vector<4x160x128xf32> to vector<4x8x128xf32>
      %slice3A_1418 = vector.extract_strided_slice %add3A {offsets = [0, 72, 0], sizes = [4, 8, 128], strides = [1, 1, 1]} : vector<4x160x128xf32> to vector<4x8x128xf32>
      %slice3A_1419 = vector.extract_strided_slice %add3A_21 {offsets = [0, 72, 0], sizes = [4, 8, 128], strides = [1, 1, 1]} : vector<4x160x128xf32> to vector<4x8x128xf32>
      %max3A_1420 = vector.broadcast %broadcast_in_dim3A_991 : vector<4x1x1xf32> to vector<4x8x128xf32>
      %max3A_1421 = arith.maximumf %max3A_1420, %slice3A_1416 : vector<4x8x128xf32>
      %max3A_1422 = vector.broadcast %broadcast_in_dim3A_997 : vector<4x1x1xf32> to vector<4x8x128xf32>
      %max3A_1423 = arith.maximumf %max3A_1422, %slice3A_1417 : vector<4x8x128xf32>
      %min3A_1424 = vector.broadcast %broadcast_in_dim3A_1003 : vector<4x1x1xf32> to vector<4x8x128xf32>
      %min3A_1425 = arith.minimumf %min3A_1424, %slice3A_1418 : vector<4x8x128xf32>
      %min3A_1426 = vector.broadcast %broadcast_in_dim3A_1009 : vector<4x1x1xf32> to vector<4x8x128xf32>
      %min3A_1427 = arith.minimumf %min3A_1426, %slice3A_1419 : vector<4x8x128xf32>
      %sub3A_1428 = arith.subf %min3A_1425, %max3A_1421 : vector<4x8x128xf32>
      %max3A_1429 = arith.constant 0.000000e+00 : f32
      %max3A_1430 = vector.broadcast %max3A_1429 : f32 to vector<4x8x128xf32>
      %max3A_1431 = arith.maximumf %sub3A_1428, %max3A_1430 : vector<4x8x128xf32>
      %sub3A_1432 = arith.subf %min3A_1427, %max3A_1423 : vector<4x8x128xf32>
      %max3A_1433 = arith.constant 0.000000e+00 : f32
      %max3A_1434 = vector.broadcast %max3A_1433 : f32 to vector<4x8x128xf32>
      %max3A_1435 = arith.maximumf %sub3A_1432, %max3A_1434 : vector<4x8x128xf32>
      %mul3A_1436 = arith.mulf %max3A_1431, %max3A_1435 : vector<4x8x128xf32>
      %slice3A_1437 = vector.extract_strided_slice %mul3A {offsets = [0, 72, 0], sizes = [4, 8, 128], strides = [1, 1, 1]} : vector<4x160x128xf32> to vector<4x8x128xf32>
      %add3A_1438 = vector.broadcast %mul3A_1012 : vector<4x1x1xf32> to vector<4x8x128xf32>
      %add3A_1439 = arith.addf %add3A_1438, %slice3A_1437 : vector<4x8x128xf32>
      %sub3A_1440 = arith.subf %add3A_1439, %mul3A_1436 : vector<4x8x128xf32>
      %add3A_1441 = arith.constant 9.99999971E-10 : f32
      %add3A_1442 = vector.broadcast %add3A_1441 : f32 to vector<4x8x128xf32>
      %add3A_1443 = arith.addf %sub3A_1440, %add3A_1442 : vector<4x8x128xf32>
      %div3A_1444 = arith.divf %mul3A_1436, %add3A_1443 : vector<4x8x128xf32>
      %add3A_1445 = arith.constant 72 : i32
      %add3A_1446 = vector.broadcast %add3A_1445 : i32 to vector<4x8x1xi32>
      %add3A_1447 = arith.addi %iota3A_30, %add3A_1446 : vector<4x8x1xi32>
      %eq3A_1448 = vector.broadcast %shift_right_logical3A_302 : vector<4x1x1xi32> to vector<4x8x1xi32>
      %eq3A_1449 = arith.cmpi eq, %add3A_1447, %eq3A_1448 : vector<4x8x1xi32>
      %and3A_1450 = vector.broadcast %eq3A_1449 : vector<4x8x1xi1> to vector<4x8x128xi1>
      %and3A_1451 = vector.broadcast %eq3A_306 : vector<4x1x128xi1> to vector<4x8x128xi1>
      %and3A_1452 = arith.andi %and3A_1450, %and3A_1451 : vector<4x8x128xi1>
      %gt3A_1453 = arith.constant 5.000000e-01 : f32
      %gt3A_1454 = vector.broadcast %gt3A_1453 : f32 to vector<4x8x128xf32>
      %gt3A_1455 = arith.cmpf ogt, %div3A_1444, %gt3A_1454 : vector<4x8x128xf32>
      %or3A_1456 = arith.ori %gt3A_1455, %and3A_1452 : vector<4x8x128xi1>
      %slice3A_1457 = vector.extract_strided_slice %scan3A_47 {offsets = [0, 72, 0], sizes = [4, 8, 128], strides = [1, 1, 1]} : vector<4x160x128xf32> to vector<4x8x128xf32>
      %broadcast_in_dim3A_1458 = vector.broadcast %scan3A : f32 to vector<4x8x128xf32>
      %select_n3A_1459 = arith.select %or3A_1456, %broadcast_in_dim3A_1458, %slice3A_1457 : vector<4x8x128xi1>, vector<4x8x128xf32>
      %max3A_1460 = arith.maximumf %max3A_1415, %select_n3A_1459 : vector<4x8x128xf32>
      %slice3A_1461 = vector.extract_strided_slice %sub3A {offsets = [0, 80, 0], sizes = [4, 8, 128], strides = [1, 1, 1]} : vector<4x160x128xf32> to vector<4x8x128xf32>
      %slice3A_1462 = vector.extract_strided_slice %sub3A_20 {offsets = [0, 80, 0], sizes = [4, 8, 128], strides = [1, 1, 1]} : vector<4x160x128xf32> to vector<4x8x128xf32>
      %slice3A_1463 = vector.extract_strided_slice %add3A {offsets = [0, 80, 0], sizes = [4, 8, 128], strides = [1, 1, 1]} : vector<4x160x128xf32> to vector<4x8x128xf32>
      %slice3A_1464 = vector.extract_strided_slice %add3A_21 {offsets = [0, 80, 0], sizes = [4, 8, 128], strides = [1, 1, 1]} : vector<4x160x128xf32> to vector<4x8x128xf32>
      %max3A_1465 = vector.broadcast %broadcast_in_dim3A_991 : vector<4x1x1xf32> to vector<4x8x128xf32>
      %max3A_1466 = arith.maximumf %max3A_1465, %slice3A_1461 : vector<4x8x128xf32>
      %max3A_1467 = vector.broadcast %broadcast_in_dim3A_997 : vector<4x1x1xf32> to vector<4x8x128xf32>
      %max3A_1468 = arith.maximumf %max3A_1467, %slice3A_1462 : vector<4x8x128xf32>
      %min3A_1469 = vector.broadcast %broadcast_in_dim3A_1003 : vector<4x1x1xf32> to vector<4x8x128xf32>
      %min3A_1470 = arith.minimumf %min3A_1469, %slice3A_1463 : vector<4x8x128xf32>
      %min3A_1471 = vector.broadcast %broadcast_in_dim3A_1009 : vector<4x1x1xf32> to vector<4x8x128xf32>
      %min3A_1472 = arith.minimumf %min3A_1471, %slice3A_1464 : vector<4x8x128xf32>
      %sub3A_1473 = arith.subf %min3A_1470, %max3A_1466 : vector<4x8x128xf32>
      %max3A_1474 = arith.constant 0.000000e+00 : f32
      %max3A_1475 = vector.broadcast %max3A_1474 : f32 to vector<4x8x128xf32>
      %max3A_1476 = arith.maximumf %sub3A_1473, %max3A_1475 : vector<4x8x128xf32>
      %sub3A_1477 = arith.subf %min3A_1472, %max3A_1468 : vector<4x8x128xf32>
      %max3A_1478 = arith.constant 0.000000e+00 : f32
      %max3A_1479 = vector.broadcast %max3A_1478 : f32 to vector<4x8x128xf32>
      %max3A_1480 = arith.maximumf %sub3A_1477, %max3A_1479 : vector<4x8x128xf32>
      %mul3A_1481 = arith.mulf %max3A_1476, %max3A_1480 : vector<4x8x128xf32>
      %slice3A_1482 = vector.extract_strided_slice %mul3A {offsets = [0, 80, 0], sizes = [4, 8, 128], strides = [1, 1, 1]} : vector<4x160x128xf32> to vector<4x8x128xf32>
      %add3A_1483 = vector.broadcast %mul3A_1012 : vector<4x1x1xf32> to vector<4x8x128xf32>
      %add3A_1484 = arith.addf %add3A_1483, %slice3A_1482 : vector<4x8x128xf32>
      %sub3A_1485 = arith.subf %add3A_1484, %mul3A_1481 : vector<4x8x128xf32>
      %add3A_1486 = arith.constant 9.99999971E-10 : f32
      %add3A_1487 = vector.broadcast %add3A_1486 : f32 to vector<4x8x128xf32>
      %add3A_1488 = arith.addf %sub3A_1485, %add3A_1487 : vector<4x8x128xf32>
      %div3A_1489 = arith.divf %mul3A_1481, %add3A_1488 : vector<4x8x128xf32>
      %add3A_1490 = arith.constant 80 : i32
      %add3A_1491 = vector.broadcast %add3A_1490 : i32 to vector<4x8x1xi32>
      %add3A_1492 = arith.addi %iota3A_30, %add3A_1491 : vector<4x8x1xi32>
      %eq3A_1493 = vector.broadcast %shift_right_logical3A_302 : vector<4x1x1xi32> to vector<4x8x1xi32>
      %eq3A_1494 = arith.cmpi eq, %add3A_1492, %eq3A_1493 : vector<4x8x1xi32>
      %and3A_1495 = vector.broadcast %eq3A_1494 : vector<4x8x1xi1> to vector<4x8x128xi1>
      %and3A_1496 = vector.broadcast %eq3A_306 : vector<4x1x128xi1> to vector<4x8x128xi1>
      %and3A_1497 = arith.andi %and3A_1495, %and3A_1496 : vector<4x8x128xi1>
      %gt3A_1498 = arith.constant 5.000000e-01 : f32
      %gt3A_1499 = vector.broadcast %gt3A_1498 : f32 to vector<4x8x128xf32>
      %gt3A_1500 = arith.cmpf ogt, %div3A_1489, %gt3A_1499 : vector<4x8x128xf32>
      %or3A_1501 = arith.ori %gt3A_1500, %and3A_1497 : vector<4x8x128xi1>
      %slice3A_1502 = vector.extract_strided_slice %scan3A_47 {offsets = [0, 80, 0], sizes = [4, 8, 128], strides = [1, 1, 1]} : vector<4x160x128xf32> to vector<4x8x128xf32>
      %broadcast_in_dim3A_1503 = vector.broadcast %scan3A : f32 to vector<4x8x128xf32>
      %select_n3A_1504 = arith.select %or3A_1501, %broadcast_in_dim3A_1503, %slice3A_1502 : vector<4x8x128xi1>, vector<4x8x128xf32>
      %max3A_1505 = arith.maximumf %max3A_1460, %select_n3A_1504 : vector<4x8x128xf32>
      %slice3A_1506 = vector.extract_strided_slice %sub3A {offsets = [0, 88, 0], sizes = [4, 8, 128], strides = [1, 1, 1]} : vector<4x160x128xf32> to vector<4x8x128xf32>
      %slice3A_1507 = vector.extract_strided_slice %sub3A_20 {offsets = [0, 88, 0], sizes = [4, 8, 128], strides = [1, 1, 1]} : vector<4x160x128xf32> to vector<4x8x128xf32>
      %slice3A_1508 = vector.extract_strided_slice %add3A {offsets = [0, 88, 0], sizes = [4, 8, 128], strides = [1, 1, 1]} : vector<4x160x128xf32> to vector<4x8x128xf32>
      %slice3A_1509 = vector.extract_strided_slice %add3A_21 {offsets = [0, 88, 0], sizes = [4, 8, 128], strides = [1, 1, 1]} : vector<4x160x128xf32> to vector<4x8x128xf32>
      %max3A_1510 = vector.broadcast %broadcast_in_dim3A_991 : vector<4x1x1xf32> to vector<4x8x128xf32>
      %max3A_1511 = arith.maximumf %max3A_1510, %slice3A_1506 : vector<4x8x128xf32>
      %max3A_1512 = vector.broadcast %broadcast_in_dim3A_997 : vector<4x1x1xf32> to vector<4x8x128xf32>
      %max3A_1513 = arith.maximumf %max3A_1512, %slice3A_1507 : vector<4x8x128xf32>
      %min3A_1514 = vector.broadcast %broadcast_in_dim3A_1003 : vector<4x1x1xf32> to vector<4x8x128xf32>
      %min3A_1515 = arith.minimumf %min3A_1514, %slice3A_1508 : vector<4x8x128xf32>
      %min3A_1516 = vector.broadcast %broadcast_in_dim3A_1009 : vector<4x1x1xf32> to vector<4x8x128xf32>
      %min3A_1517 = arith.minimumf %min3A_1516, %slice3A_1509 : vector<4x8x128xf32>
      %sub3A_1518 = arith.subf %min3A_1515, %max3A_1511 : vector<4x8x128xf32>
      %max3A_1519 = arith.constant 0.000000e+00 : f32
      %max3A_1520 = vector.broadcast %max3A_1519 : f32 to vector<4x8x128xf32>
      %max3A_1521 = arith.maximumf %sub3A_1518, %max3A_1520 : vector<4x8x128xf32>
      %sub3A_1522 = arith.subf %min3A_1517, %max3A_1513 : vector<4x8x128xf32>
      %max3A_1523 = arith.constant 0.000000e+00 : f32
      %max3A_1524 = vector.broadcast %max3A_1523 : f32 to vector<4x8x128xf32>
      %max3A_1525 = arith.maximumf %sub3A_1522, %max3A_1524 : vector<4x8x128xf32>
      %mul3A_1526 = arith.mulf %max3A_1521, %max3A_1525 : vector<4x8x128xf32>
      %slice3A_1527 = vector.extract_strided_slice %mul3A {offsets = [0, 88, 0], sizes = [4, 8, 128], strides = [1, 1, 1]} : vector<4x160x128xf32> to vector<4x8x128xf32>
      %add3A_1528 = vector.broadcast %mul3A_1012 : vector<4x1x1xf32> to vector<4x8x128xf32>
      %add3A_1529 = arith.addf %add3A_1528, %slice3A_1527 : vector<4x8x128xf32>
      %sub3A_1530 = arith.subf %add3A_1529, %mul3A_1526 : vector<4x8x128xf32>
      %add3A_1531 = arith.constant 9.99999971E-10 : f32
      %add3A_1532 = vector.broadcast %add3A_1531 : f32 to vector<4x8x128xf32>
      %add3A_1533 = arith.addf %sub3A_1530, %add3A_1532 : vector<4x8x128xf32>
      %div3A_1534 = arith.divf %mul3A_1526, %add3A_1533 : vector<4x8x128xf32>
      %add3A_1535 = arith.constant 88 : i32
      %add3A_1536 = vector.broadcast %add3A_1535 : i32 to vector<4x8x1xi32>
      %add3A_1537 = arith.addi %iota3A_30, %add3A_1536 : vector<4x8x1xi32>
      %eq3A_1538 = vector.broadcast %shift_right_logical3A_302 : vector<4x1x1xi32> to vector<4x8x1xi32>
      %eq3A_1539 = arith.cmpi eq, %add3A_1537, %eq3A_1538 : vector<4x8x1xi32>
      %and3A_1540 = vector.broadcast %eq3A_1539 : vector<4x8x1xi1> to vector<4x8x128xi1>
      %and3A_1541 = vector.broadcast %eq3A_306 : vector<4x1x128xi1> to vector<4x8x128xi1>
      %and3A_1542 = arith.andi %and3A_1540, %and3A_1541 : vector<4x8x128xi1>
      %gt3A_1543 = arith.constant 5.000000e-01 : f32
      %gt3A_1544 = vector.broadcast %gt3A_1543 : f32 to vector<4x8x128xf32>
      %gt3A_1545 = arith.cmpf ogt, %div3A_1534, %gt3A_1544 : vector<4x8x128xf32>
      %or3A_1546 = arith.ori %gt3A_1545, %and3A_1542 : vector<4x8x128xi1>
      %slice3A_1547 = vector.extract_strided_slice %scan3A_47 {offsets = [0, 88, 0], sizes = [4, 8, 128], strides = [1, 1, 1]} : vector<4x160x128xf32> to vector<4x8x128xf32>
      %broadcast_in_dim3A_1548 = vector.broadcast %scan3A : f32 to vector<4x8x128xf32>
      %select_n3A_1549 = arith.select %or3A_1546, %broadcast_in_dim3A_1548, %slice3A_1547 : vector<4x8x128xi1>, vector<4x8x128xf32>
      %max3A_1550 = arith.maximumf %max3A_1505, %select_n3A_1549 : vector<4x8x128xf32>
      %slice3A_1551 = vector.extract_strided_slice %sub3A {offsets = [0, 96, 0], sizes = [4, 8, 128], strides = [1, 1, 1]} : vector<4x160x128xf32> to vector<4x8x128xf32>
      %slice3A_1552 = vector.extract_strided_slice %sub3A_20 {offsets = [0, 96, 0], sizes = [4, 8, 128], strides = [1, 1, 1]} : vector<4x160x128xf32> to vector<4x8x128xf32>
      %slice3A_1553 = vector.extract_strided_slice %add3A {offsets = [0, 96, 0], sizes = [4, 8, 128], strides = [1, 1, 1]} : vector<4x160x128xf32> to vector<4x8x128xf32>
      %slice3A_1554 = vector.extract_strided_slice %add3A_21 {offsets = [0, 96, 0], sizes = [4, 8, 128], strides = [1, 1, 1]} : vector<4x160x128xf32> to vector<4x8x128xf32>
      %max3A_1555 = vector.broadcast %broadcast_in_dim3A_991 : vector<4x1x1xf32> to vector<4x8x128xf32>
      %max3A_1556 = arith.maximumf %max3A_1555, %slice3A_1551 : vector<4x8x128xf32>
      %max3A_1557 = vector.broadcast %broadcast_in_dim3A_997 : vector<4x1x1xf32> to vector<4x8x128xf32>
      %max3A_1558 = arith.maximumf %max3A_1557, %slice3A_1552 : vector<4x8x128xf32>
      %min3A_1559 = vector.broadcast %broadcast_in_dim3A_1003 : vector<4x1x1xf32> to vector<4x8x128xf32>
      %min3A_1560 = arith.minimumf %min3A_1559, %slice3A_1553 : vector<4x8x128xf32>
      %min3A_1561 = vector.broadcast %broadcast_in_dim3A_1009 : vector<4x1x1xf32> to vector<4x8x128xf32>
      %min3A_1562 = arith.minimumf %min3A_1561, %slice3A_1554 : vector<4x8x128xf32>
      %sub3A_1563 = arith.subf %min3A_1560, %max3A_1556 : vector<4x8x128xf32>
      %max3A_1564 = arith.constant 0.000000e+00 : f32
      %max3A_1565 = vector.broadcast %max3A_1564 : f32 to vector<4x8x128xf32>
      %max3A_1566 = arith.maximumf %sub3A_1563, %max3A_1565 : vector<4x8x128xf32>
      %sub3A_1567 = arith.subf %min3A_1562, %max3A_1558 : vector<4x8x128xf32>
      %max3A_1568 = arith.constant 0.000000e+00 : f32
      %max3A_1569 = vector.broadcast %max3A_1568 : f32 to vector<4x8x128xf32>
      %max3A_1570 = arith.maximumf %sub3A_1567, %max3A_1569 : vector<4x8x128xf32>
      %mul3A_1571 = arith.mulf %max3A_1566, %max3A_1570 : vector<4x8x128xf32>
      %slice3A_1572 = vector.extract_strided_slice %mul3A {offsets = [0, 96, 0], sizes = [4, 8, 128], strides = [1, 1, 1]} : vector<4x160x128xf32> to vector<4x8x128xf32>
      %add3A_1573 = vector.broadcast %mul3A_1012 : vector<4x1x1xf32> to vector<4x8x128xf32>
      %add3A_1574 = arith.addf %add3A_1573, %slice3A_1572 : vector<4x8x128xf32>
      %sub3A_1575 = arith.subf %add3A_1574, %mul3A_1571 : vector<4x8x128xf32>
      %add3A_1576 = arith.constant 9.99999971E-10 : f32
      %add3A_1577 = vector.broadcast %add3A_1576 : f32 to vector<4x8x128xf32>
      %add3A_1578 = arith.addf %sub3A_1575, %add3A_1577 : vector<4x8x128xf32>
      %div3A_1579 = arith.divf %mul3A_1571, %add3A_1578 : vector<4x8x128xf32>
      %add3A_1580 = arith.constant 96 : i32
      %add3A_1581 = vector.broadcast %add3A_1580 : i32 to vector<4x8x1xi32>
      %add3A_1582 = arith.addi %iota3A_30, %add3A_1581 : vector<4x8x1xi32>
      %eq3A_1583 = vector.broadcast %shift_right_logical3A_302 : vector<4x1x1xi32> to vector<4x8x1xi32>
      %eq3A_1584 = arith.cmpi eq, %add3A_1582, %eq3A_1583 : vector<4x8x1xi32>
      %and3A_1585 = vector.broadcast %eq3A_1584 : vector<4x8x1xi1> to vector<4x8x128xi1>
      %and3A_1586 = vector.broadcast %eq3A_306 : vector<4x1x128xi1> to vector<4x8x128xi1>
      %and3A_1587 = arith.andi %and3A_1585, %and3A_1586 : vector<4x8x128xi1>
      %gt3A_1588 = arith.constant 5.000000e-01 : f32
      %gt3A_1589 = vector.broadcast %gt3A_1588 : f32 to vector<4x8x128xf32>
      %gt3A_1590 = arith.cmpf ogt, %div3A_1579, %gt3A_1589 : vector<4x8x128xf32>
      %or3A_1591 = arith.ori %gt3A_1590, %and3A_1587 : vector<4x8x128xi1>
      %slice3A_1592 = vector.extract_strided_slice %scan3A_47 {offsets = [0, 96, 0], sizes = [4, 8, 128], strides = [1, 1, 1]} : vector<4x160x128xf32> to vector<4x8x128xf32>
      %broadcast_in_dim3A_1593 = vector.broadcast %scan3A : f32 to vector<4x8x128xf32>
      %select_n3A_1594 = arith.select %or3A_1591, %broadcast_in_dim3A_1593, %slice3A_1592 : vector<4x8x128xi1>, vector<4x8x128xf32>
      %max3A_1595 = arith.maximumf %max3A_1550, %select_n3A_1594 : vector<4x8x128xf32>
      %slice3A_1596 = vector.extract_strided_slice %sub3A {offsets = [0, 104, 0], sizes = [4, 8, 128], strides = [1, 1, 1]} : vector<4x160x128xf32> to vector<4x8x128xf32>
      %slice3A_1597 = vector.extract_strided_slice %sub3A_20 {offsets = [0, 104, 0], sizes = [4, 8, 128], strides = [1, 1, 1]} : vector<4x160x128xf32> to vector<4x8x128xf32>
      %slice3A_1598 = vector.extract_strided_slice %add3A {offsets = [0, 104, 0], sizes = [4, 8, 128], strides = [1, 1, 1]} : vector<4x160x128xf32> to vector<4x8x128xf32>
      %slice3A_1599 = vector.extract_strided_slice %add3A_21 {offsets = [0, 104, 0], sizes = [4, 8, 128], strides = [1, 1, 1]} : vector<4x160x128xf32> to vector<4x8x128xf32>
      %max3A_1600 = vector.broadcast %broadcast_in_dim3A_991 : vector<4x1x1xf32> to vector<4x8x128xf32>
      %max3A_1601 = arith.maximumf %max3A_1600, %slice3A_1596 : vector<4x8x128xf32>
      %max3A_1602 = vector.broadcast %broadcast_in_dim3A_997 : vector<4x1x1xf32> to vector<4x8x128xf32>
      %max3A_1603 = arith.maximumf %max3A_1602, %slice3A_1597 : vector<4x8x128xf32>
      %min3A_1604 = vector.broadcast %broadcast_in_dim3A_1003 : vector<4x1x1xf32> to vector<4x8x128xf32>
      %min3A_1605 = arith.minimumf %min3A_1604, %slice3A_1598 : vector<4x8x128xf32>
      %min3A_1606 = vector.broadcast %broadcast_in_dim3A_1009 : vector<4x1x1xf32> to vector<4x8x128xf32>
      %min3A_1607 = arith.minimumf %min3A_1606, %slice3A_1599 : vector<4x8x128xf32>
      %sub3A_1608 = arith.subf %min3A_1605, %max3A_1601 : vector<4x8x128xf32>
      %max3A_1609 = arith.constant 0.000000e+00 : f32
      %max3A_1610 = vector.broadcast %max3A_1609 : f32 to vector<4x8x128xf32>
      %max3A_1611 = arith.maximumf %sub3A_1608, %max3A_1610 : vector<4x8x128xf32>
      %sub3A_1612 = arith.subf %min3A_1607, %max3A_1603 : vector<4x8x128xf32>
      %max3A_1613 = arith.constant 0.000000e+00 : f32
      %max3A_1614 = vector.broadcast %max3A_1613 : f32 to vector<4x8x128xf32>
      %max3A_1615 = arith.maximumf %sub3A_1612, %max3A_1614 : vector<4x8x128xf32>
      %mul3A_1616 = arith.mulf %max3A_1611, %max3A_1615 : vector<4x8x128xf32>
      %slice3A_1617 = vector.extract_strided_slice %mul3A {offsets = [0, 104, 0], sizes = [4, 8, 128], strides = [1, 1, 1]} : vector<4x160x128xf32> to vector<4x8x128xf32>
      %add3A_1618 = vector.broadcast %mul3A_1012 : vector<4x1x1xf32> to vector<4x8x128xf32>
      %add3A_1619 = arith.addf %add3A_1618, %slice3A_1617 : vector<4x8x128xf32>
      %sub3A_1620 = arith.subf %add3A_1619, %mul3A_1616 : vector<4x8x128xf32>
      %add3A_1621 = arith.constant 9.99999971E-10 : f32
      %add3A_1622 = vector.broadcast %add3A_1621 : f32 to vector<4x8x128xf32>
      %add3A_1623 = arith.addf %sub3A_1620, %add3A_1622 : vector<4x8x128xf32>
      %div3A_1624 = arith.divf %mul3A_1616, %add3A_1623 : vector<4x8x128xf32>
      %add3A_1625 = arith.constant 104 : i32
      %add3A_1626 = vector.broadcast %add3A_1625 : i32 to vector<4x8x1xi32>
      %add3A_1627 = arith.addi %iota3A_30, %add3A_1626 : vector<4x8x1xi32>
      %eq3A_1628 = vector.broadcast %shift_right_logical3A_302 : vector<4x1x1xi32> to vector<4x8x1xi32>
      %eq3A_1629 = arith.cmpi eq, %add3A_1627, %eq3A_1628 : vector<4x8x1xi32>
      %and3A_1630 = vector.broadcast %eq3A_1629 : vector<4x8x1xi1> to vector<4x8x128xi1>
      %and3A_1631 = vector.broadcast %eq3A_306 : vector<4x1x128xi1> to vector<4x8x128xi1>
      %and3A_1632 = arith.andi %and3A_1630, %and3A_1631 : vector<4x8x128xi1>
      %gt3A_1633 = arith.constant 5.000000e-01 : f32
      %gt3A_1634 = vector.broadcast %gt3A_1633 : f32 to vector<4x8x128xf32>
      %gt3A_1635 = arith.cmpf ogt, %div3A_1624, %gt3A_1634 : vector<4x8x128xf32>
      %or3A_1636 = arith.ori %gt3A_1635, %and3A_1632 : vector<4x8x128xi1>
      %slice3A_1637 = vector.extract_strided_slice %scan3A_47 {offsets = [0, 104, 0], sizes = [4, 8, 128], strides = [1, 1, 1]} : vector<4x160x128xf32> to vector<4x8x128xf32>
      %broadcast_in_dim3A_1638 = vector.broadcast %scan3A : f32 to vector<4x8x128xf32>
      %select_n3A_1639 = arith.select %or3A_1636, %broadcast_in_dim3A_1638, %slice3A_1637 : vector<4x8x128xi1>, vector<4x8x128xf32>
      %max3A_1640 = arith.maximumf %max3A_1595, %select_n3A_1639 : vector<4x8x128xf32>
      %slice3A_1641 = vector.extract_strided_slice %sub3A {offsets = [0, 112, 0], sizes = [4, 8, 128], strides = [1, 1, 1]} : vector<4x160x128xf32> to vector<4x8x128xf32>
      %slice3A_1642 = vector.extract_strided_slice %sub3A_20 {offsets = [0, 112, 0], sizes = [4, 8, 128], strides = [1, 1, 1]} : vector<4x160x128xf32> to vector<4x8x128xf32>
      %slice3A_1643 = vector.extract_strided_slice %add3A {offsets = [0, 112, 0], sizes = [4, 8, 128], strides = [1, 1, 1]} : vector<4x160x128xf32> to vector<4x8x128xf32>
      %slice3A_1644 = vector.extract_strided_slice %add3A_21 {offsets = [0, 112, 0], sizes = [4, 8, 128], strides = [1, 1, 1]} : vector<4x160x128xf32> to vector<4x8x128xf32>
      %max3A_1645 = vector.broadcast %broadcast_in_dim3A_991 : vector<4x1x1xf32> to vector<4x8x128xf32>
      %max3A_1646 = arith.maximumf %max3A_1645, %slice3A_1641 : vector<4x8x128xf32>
      %max3A_1647 = vector.broadcast %broadcast_in_dim3A_997 : vector<4x1x1xf32> to vector<4x8x128xf32>
      %max3A_1648 = arith.maximumf %max3A_1647, %slice3A_1642 : vector<4x8x128xf32>
      %min3A_1649 = vector.broadcast %broadcast_in_dim3A_1003 : vector<4x1x1xf32> to vector<4x8x128xf32>
      %min3A_1650 = arith.minimumf %min3A_1649, %slice3A_1643 : vector<4x8x128xf32>
      %min3A_1651 = vector.broadcast %broadcast_in_dim3A_1009 : vector<4x1x1xf32> to vector<4x8x128xf32>
      %min3A_1652 = arith.minimumf %min3A_1651, %slice3A_1644 : vector<4x8x128xf32>
      %sub3A_1653 = arith.subf %min3A_1650, %max3A_1646 : vector<4x8x128xf32>
      %max3A_1654 = arith.constant 0.000000e+00 : f32
      %max3A_1655 = vector.broadcast %max3A_1654 : f32 to vector<4x8x128xf32>
      %max3A_1656 = arith.maximumf %sub3A_1653, %max3A_1655 : vector<4x8x128xf32>
      %sub3A_1657 = arith.subf %min3A_1652, %max3A_1648 : vector<4x8x128xf32>
      %max3A_1658 = arith.constant 0.000000e+00 : f32
      %max3A_1659 = vector.broadcast %max3A_1658 : f32 to vector<4x8x128xf32>
      %max3A_1660 = arith.maximumf %sub3A_1657, %max3A_1659 : vector<4x8x128xf32>
      %mul3A_1661 = arith.mulf %max3A_1656, %max3A_1660 : vector<4x8x128xf32>
      %slice3A_1662 = vector.extract_strided_slice %mul3A {offsets = [0, 112, 0], sizes = [4, 8, 128], strides = [1, 1, 1]} : vector<4x160x128xf32> to vector<4x8x128xf32>
      %add3A_1663 = vector.broadcast %mul3A_1012 : vector<4x1x1xf32> to vector<4x8x128xf32>
      %add3A_1664 = arith.addf %add3A_1663, %slice3A_1662 : vector<4x8x128xf32>
      %sub3A_1665 = arith.subf %add3A_1664, %mul3A_1661 : vector<4x8x128xf32>
      %add3A_1666 = arith.constant 9.99999971E-10 : f32
      %add3A_1667 = vector.broadcast %add3A_1666 : f32 to vector<4x8x128xf32>
      %add3A_1668 = arith.addf %sub3A_1665, %add3A_1667 : vector<4x8x128xf32>
      %div3A_1669 = arith.divf %mul3A_1661, %add3A_1668 : vector<4x8x128xf32>
      %add3A_1670 = arith.constant 112 : i32
      %add3A_1671 = vector.broadcast %add3A_1670 : i32 to vector<4x8x1xi32>
      %add3A_1672 = arith.addi %iota3A_30, %add3A_1671 : vector<4x8x1xi32>
      %eq3A_1673 = vector.broadcast %shift_right_logical3A_302 : vector<4x1x1xi32> to vector<4x8x1xi32>
      %eq3A_1674 = arith.cmpi eq, %add3A_1672, %eq3A_1673 : vector<4x8x1xi32>
      %and3A_1675 = vector.broadcast %eq3A_1674 : vector<4x8x1xi1> to vector<4x8x128xi1>
      %and3A_1676 = vector.broadcast %eq3A_306 : vector<4x1x128xi1> to vector<4x8x128xi1>
      %and3A_1677 = arith.andi %and3A_1675, %and3A_1676 : vector<4x8x128xi1>
      %gt3A_1678 = arith.constant 5.000000e-01 : f32
      %gt3A_1679 = vector.broadcast %gt3A_1678 : f32 to vector<4x8x128xf32>
      %gt3A_1680 = arith.cmpf ogt, %div3A_1669, %gt3A_1679 : vector<4x8x128xf32>
      %or3A_1681 = arith.ori %gt3A_1680, %and3A_1677 : vector<4x8x128xi1>
      %slice3A_1682 = vector.extract_strided_slice %scan3A_47 {offsets = [0, 112, 0], sizes = [4, 8, 128], strides = [1, 1, 1]} : vector<4x160x128xf32> to vector<4x8x128xf32>
      %broadcast_in_dim3A_1683 = vector.broadcast %scan3A : f32 to vector<4x8x128xf32>
      %select_n3A_1684 = arith.select %or3A_1681, %broadcast_in_dim3A_1683, %slice3A_1682 : vector<4x8x128xi1>, vector<4x8x128xf32>
      %max3A_1685 = arith.maximumf %max3A_1640, %select_n3A_1684 : vector<4x8x128xf32>
      %slice3A_1686 = vector.extract_strided_slice %sub3A {offsets = [0, 120, 0], sizes = [4, 8, 128], strides = [1, 1, 1]} : vector<4x160x128xf32> to vector<4x8x128xf32>
      %slice3A_1687 = vector.extract_strided_slice %sub3A_20 {offsets = [0, 120, 0], sizes = [4, 8, 128], strides = [1, 1, 1]} : vector<4x160x128xf32> to vector<4x8x128xf32>
      %slice3A_1688 = vector.extract_strided_slice %add3A {offsets = [0, 120, 0], sizes = [4, 8, 128], strides = [1, 1, 1]} : vector<4x160x128xf32> to vector<4x8x128xf32>
      %slice3A_1689 = vector.extract_strided_slice %add3A_21 {offsets = [0, 120, 0], sizes = [4, 8, 128], strides = [1, 1, 1]} : vector<4x160x128xf32> to vector<4x8x128xf32>
      %max3A_1690 = vector.broadcast %broadcast_in_dim3A_991 : vector<4x1x1xf32> to vector<4x8x128xf32>
      %max3A_1691 = arith.maximumf %max3A_1690, %slice3A_1686 : vector<4x8x128xf32>
      %max3A_1692 = vector.broadcast %broadcast_in_dim3A_997 : vector<4x1x1xf32> to vector<4x8x128xf32>
      %max3A_1693 = arith.maximumf %max3A_1692, %slice3A_1687 : vector<4x8x128xf32>
      %min3A_1694 = vector.broadcast %broadcast_in_dim3A_1003 : vector<4x1x1xf32> to vector<4x8x128xf32>
      %min3A_1695 = arith.minimumf %min3A_1694, %slice3A_1688 : vector<4x8x128xf32>
      %min3A_1696 = vector.broadcast %broadcast_in_dim3A_1009 : vector<4x1x1xf32> to vector<4x8x128xf32>
      %min3A_1697 = arith.minimumf %min3A_1696, %slice3A_1689 : vector<4x8x128xf32>
      %sub3A_1698 = arith.subf %min3A_1695, %max3A_1691 : vector<4x8x128xf32>
      %max3A_1699 = arith.constant 0.000000e+00 : f32
      %max3A_1700 = vector.broadcast %max3A_1699 : f32 to vector<4x8x128xf32>
      %max3A_1701 = arith.maximumf %sub3A_1698, %max3A_1700 : vector<4x8x128xf32>
      %sub3A_1702 = arith.subf %min3A_1697, %max3A_1693 : vector<4x8x128xf32>
      %max3A_1703 = arith.constant 0.000000e+00 : f32
      %max3A_1704 = vector.broadcast %max3A_1703 : f32 to vector<4x8x128xf32>
      %max3A_1705 = arith.maximumf %sub3A_1702, %max3A_1704 : vector<4x8x128xf32>
      %mul3A_1706 = arith.mulf %max3A_1701, %max3A_1705 : vector<4x8x128xf32>
      %slice3A_1707 = vector.extract_strided_slice %mul3A {offsets = [0, 120, 0], sizes = [4, 8, 128], strides = [1, 1, 1]} : vector<4x160x128xf32> to vector<4x8x128xf32>
      %add3A_1708 = vector.broadcast %mul3A_1012 : vector<4x1x1xf32> to vector<4x8x128xf32>
      %add3A_1709 = arith.addf %add3A_1708, %slice3A_1707 : vector<4x8x128xf32>
      %sub3A_1710 = arith.subf %add3A_1709, %mul3A_1706 : vector<4x8x128xf32>
      %add3A_1711 = arith.constant 9.99999971E-10 : f32
      %add3A_1712 = vector.broadcast %add3A_1711 : f32 to vector<4x8x128xf32>
      %add3A_1713 = arith.addf %sub3A_1710, %add3A_1712 : vector<4x8x128xf32>
      %div3A_1714 = arith.divf %mul3A_1706, %add3A_1713 : vector<4x8x128xf32>
      %add3A_1715 = arith.constant 120 : i32
      %add3A_1716 = vector.broadcast %add3A_1715 : i32 to vector<4x8x1xi32>
      %add3A_1717 = arith.addi %iota3A_30, %add3A_1716 : vector<4x8x1xi32>
      %eq3A_1718 = vector.broadcast %shift_right_logical3A_302 : vector<4x1x1xi32> to vector<4x8x1xi32>
      %eq3A_1719 = arith.cmpi eq, %add3A_1717, %eq3A_1718 : vector<4x8x1xi32>
      %and3A_1720 = vector.broadcast %eq3A_1719 : vector<4x8x1xi1> to vector<4x8x128xi1>
      %and3A_1721 = vector.broadcast %eq3A_306 : vector<4x1x128xi1> to vector<4x8x128xi1>
      %and3A_1722 = arith.andi %and3A_1720, %and3A_1721 : vector<4x8x128xi1>
      %gt3A_1723 = arith.constant 5.000000e-01 : f32
      %gt3A_1724 = vector.broadcast %gt3A_1723 : f32 to vector<4x8x128xf32>
      %gt3A_1725 = arith.cmpf ogt, %div3A_1714, %gt3A_1724 : vector<4x8x128xf32>
      %or3A_1726 = arith.ori %gt3A_1725, %and3A_1722 : vector<4x8x128xi1>
      %slice3A_1727 = vector.extract_strided_slice %scan3A_47 {offsets = [0, 120, 0], sizes = [4, 8, 128], strides = [1, 1, 1]} : vector<4x160x128xf32> to vector<4x8x128xf32>
      %broadcast_in_dim3A_1728 = vector.broadcast %scan3A : f32 to vector<4x8x128xf32>
      %select_n3A_1729 = arith.select %or3A_1726, %broadcast_in_dim3A_1728, %slice3A_1727 : vector<4x8x128xi1>, vector<4x8x128xf32>
      %max3A_1730 = arith.maximumf %max3A_1685, %select_n3A_1729 : vector<4x8x128xf32>
      %slice3A_1731 = vector.extract_strided_slice %sub3A {offsets = [0, 128, 0], sizes = [4, 8, 128], strides = [1, 1, 1]} : vector<4x160x128xf32> to vector<4x8x128xf32>
      %slice3A_1732 = vector.extract_strided_slice %sub3A_20 {offsets = [0, 128, 0], sizes = [4, 8, 128], strides = [1, 1, 1]} : vector<4x160x128xf32> to vector<4x8x128xf32>
      %slice3A_1733 = vector.extract_strided_slice %add3A {offsets = [0, 128, 0], sizes = [4, 8, 128], strides = [1, 1, 1]} : vector<4x160x128xf32> to vector<4x8x128xf32>
      %slice3A_1734 = vector.extract_strided_slice %add3A_21 {offsets = [0, 128, 0], sizes = [4, 8, 128], strides = [1, 1, 1]} : vector<4x160x128xf32> to vector<4x8x128xf32>
      %max3A_1735 = vector.broadcast %broadcast_in_dim3A_991 : vector<4x1x1xf32> to vector<4x8x128xf32>
      %max3A_1736 = arith.maximumf %max3A_1735, %slice3A_1731 : vector<4x8x128xf32>
      %max3A_1737 = vector.broadcast %broadcast_in_dim3A_997 : vector<4x1x1xf32> to vector<4x8x128xf32>
      %max3A_1738 = arith.maximumf %max3A_1737, %slice3A_1732 : vector<4x8x128xf32>
      %min3A_1739 = vector.broadcast %broadcast_in_dim3A_1003 : vector<4x1x1xf32> to vector<4x8x128xf32>
      %min3A_1740 = arith.minimumf %min3A_1739, %slice3A_1733 : vector<4x8x128xf32>
      %min3A_1741 = vector.broadcast %broadcast_in_dim3A_1009 : vector<4x1x1xf32> to vector<4x8x128xf32>
      %min3A_1742 = arith.minimumf %min3A_1741, %slice3A_1734 : vector<4x8x128xf32>
      %sub3A_1743 = arith.subf %min3A_1740, %max3A_1736 : vector<4x8x128xf32>
      %max3A_1744 = arith.constant 0.000000e+00 : f32
      %max3A_1745 = vector.broadcast %max3A_1744 : f32 to vector<4x8x128xf32>
      %max3A_1746 = arith.maximumf %sub3A_1743, %max3A_1745 : vector<4x8x128xf32>
      %sub3A_1747 = arith.subf %min3A_1742, %max3A_1738 : vector<4x8x128xf32>
      %max3A_1748 = arith.constant 0.000000e+00 : f32
      %max3A_1749 = vector.broadcast %max3A_1748 : f32 to vector<4x8x128xf32>
      %max3A_1750 = arith.maximumf %sub3A_1747, %max3A_1749 : vector<4x8x128xf32>
      %mul3A_1751 = arith.mulf %max3A_1746, %max3A_1750 : vector<4x8x128xf32>
      %slice3A_1752 = vector.extract_strided_slice %mul3A {offsets = [0, 128, 0], sizes = [4, 8, 128], strides = [1, 1, 1]} : vector<4x160x128xf32> to vector<4x8x128xf32>
      %add3A_1753 = vector.broadcast %mul3A_1012 : vector<4x1x1xf32> to vector<4x8x128xf32>
      %add3A_1754 = arith.addf %add3A_1753, %slice3A_1752 : vector<4x8x128xf32>
      %sub3A_1755 = arith.subf %add3A_1754, %mul3A_1751 : vector<4x8x128xf32>
      %add3A_1756 = arith.constant 9.99999971E-10 : f32
      %add3A_1757 = vector.broadcast %add3A_1756 : f32 to vector<4x8x128xf32>
      %add3A_1758 = arith.addf %sub3A_1755, %add3A_1757 : vector<4x8x128xf32>
      %div3A_1759 = arith.divf %mul3A_1751, %add3A_1758 : vector<4x8x128xf32>
      %add3A_1760 = arith.constant 128 : i32
      %add3A_1761 = vector.broadcast %add3A_1760 : i32 to vector<4x8x1xi32>
      %add3A_1762 = arith.addi %iota3A_30, %add3A_1761 : vector<4x8x1xi32>
      %eq3A_1763 = vector.broadcast %shift_right_logical3A_302 : vector<4x1x1xi32> to vector<4x8x1xi32>
      %eq3A_1764 = arith.cmpi eq, %add3A_1762, %eq3A_1763 : vector<4x8x1xi32>
      %and3A_1765 = vector.broadcast %eq3A_1764 : vector<4x8x1xi1> to vector<4x8x128xi1>
      %and3A_1766 = vector.broadcast %eq3A_306 : vector<4x1x128xi1> to vector<4x8x128xi1>
      %and3A_1767 = arith.andi %and3A_1765, %and3A_1766 : vector<4x8x128xi1>
      %gt3A_1768 = arith.constant 5.000000e-01 : f32
      %gt3A_1769 = vector.broadcast %gt3A_1768 : f32 to vector<4x8x128xf32>
      %gt3A_1770 = arith.cmpf ogt, %div3A_1759, %gt3A_1769 : vector<4x8x128xf32>
      %or3A_1771 = arith.ori %gt3A_1770, %and3A_1767 : vector<4x8x128xi1>
      %slice3A_1772 = vector.extract_strided_slice %scan3A_47 {offsets = [0, 128, 0], sizes = [4, 8, 128], strides = [1, 1, 1]} : vector<4x160x128xf32> to vector<4x8x128xf32>
      %broadcast_in_dim3A_1773 = vector.broadcast %scan3A : f32 to vector<4x8x128xf32>
      %select_n3A_1774 = arith.select %or3A_1771, %broadcast_in_dim3A_1773, %slice3A_1772 : vector<4x8x128xi1>, vector<4x8x128xf32>
      %max3A_1775 = arith.maximumf %max3A_1730, %select_n3A_1774 : vector<4x8x128xf32>
      %slice3A_1776 = vector.extract_strided_slice %sub3A {offsets = [0, 136, 0], sizes = [4, 8, 128], strides = [1, 1, 1]} : vector<4x160x128xf32> to vector<4x8x128xf32>
      %slice3A_1777 = vector.extract_strided_slice %sub3A_20 {offsets = [0, 136, 0], sizes = [4, 8, 128], strides = [1, 1, 1]} : vector<4x160x128xf32> to vector<4x8x128xf32>
      %slice3A_1778 = vector.extract_strided_slice %add3A {offsets = [0, 136, 0], sizes = [4, 8, 128], strides = [1, 1, 1]} : vector<4x160x128xf32> to vector<4x8x128xf32>
      %slice3A_1779 = vector.extract_strided_slice %add3A_21 {offsets = [0, 136, 0], sizes = [4, 8, 128], strides = [1, 1, 1]} : vector<4x160x128xf32> to vector<4x8x128xf32>
      %max3A_1780 = vector.broadcast %broadcast_in_dim3A_991 : vector<4x1x1xf32> to vector<4x8x128xf32>
      %max3A_1781 = arith.maximumf %max3A_1780, %slice3A_1776 : vector<4x8x128xf32>
      %max3A_1782 = vector.broadcast %broadcast_in_dim3A_997 : vector<4x1x1xf32> to vector<4x8x128xf32>
      %max3A_1783 = arith.maximumf %max3A_1782, %slice3A_1777 : vector<4x8x128xf32>
      %min3A_1784 = vector.broadcast %broadcast_in_dim3A_1003 : vector<4x1x1xf32> to vector<4x8x128xf32>
      %min3A_1785 = arith.minimumf %min3A_1784, %slice3A_1778 : vector<4x8x128xf32>
      %min3A_1786 = vector.broadcast %broadcast_in_dim3A_1009 : vector<4x1x1xf32> to vector<4x8x128xf32>
      %min3A_1787 = arith.minimumf %min3A_1786, %slice3A_1779 : vector<4x8x128xf32>
      %sub3A_1788 = arith.subf %min3A_1785, %max3A_1781 : vector<4x8x128xf32>
      %max3A_1789 = arith.constant 0.000000e+00 : f32
      %max3A_1790 = vector.broadcast %max3A_1789 : f32 to vector<4x8x128xf32>
      %max3A_1791 = arith.maximumf %sub3A_1788, %max3A_1790 : vector<4x8x128xf32>
      %sub3A_1792 = arith.subf %min3A_1787, %max3A_1783 : vector<4x8x128xf32>
      %max3A_1793 = arith.constant 0.000000e+00 : f32
      %max3A_1794 = vector.broadcast %max3A_1793 : f32 to vector<4x8x128xf32>
      %max3A_1795 = arith.maximumf %sub3A_1792, %max3A_1794 : vector<4x8x128xf32>
      %mul3A_1796 = arith.mulf %max3A_1791, %max3A_1795 : vector<4x8x128xf32>
      %slice3A_1797 = vector.extract_strided_slice %mul3A {offsets = [0, 136, 0], sizes = [4, 8, 128], strides = [1, 1, 1]} : vector<4x160x128xf32> to vector<4x8x128xf32>
      %add3A_1798 = vector.broadcast %mul3A_1012 : vector<4x1x1xf32> to vector<4x8x128xf32>
      %add3A_1799 = arith.addf %add3A_1798, %slice3A_1797 : vector<4x8x128xf32>
      %sub3A_1800 = arith.subf %add3A_1799, %mul3A_1796 : vector<4x8x128xf32>
      %add3A_1801 = arith.constant 9.99999971E-10 : f32
      %add3A_1802 = vector.broadcast %add3A_1801 : f32 to vector<4x8x128xf32>
      %add3A_1803 = arith.addf %sub3A_1800, %add3A_1802 : vector<4x8x128xf32>
      %div3A_1804 = arith.divf %mul3A_1796, %add3A_1803 : vector<4x8x128xf32>
      %add3A_1805 = arith.constant 136 : i32
      %add3A_1806 = vector.broadcast %add3A_1805 : i32 to vector<4x8x1xi32>
      %add3A_1807 = arith.addi %iota3A_30, %add3A_1806 : vector<4x8x1xi32>
      %eq3A_1808 = vector.broadcast %shift_right_logical3A_302 : vector<4x1x1xi32> to vector<4x8x1xi32>
      %eq3A_1809 = arith.cmpi eq, %add3A_1807, %eq3A_1808 : vector<4x8x1xi32>
      %and3A_1810 = vector.broadcast %eq3A_1809 : vector<4x8x1xi1> to vector<4x8x128xi1>
      %and3A_1811 = vector.broadcast %eq3A_306 : vector<4x1x128xi1> to vector<4x8x128xi1>
      %and3A_1812 = arith.andi %and3A_1810, %and3A_1811 : vector<4x8x128xi1>
      %gt3A_1813 = arith.constant 5.000000e-01 : f32
      %gt3A_1814 = vector.broadcast %gt3A_1813 : f32 to vector<4x8x128xf32>
      %gt3A_1815 = arith.cmpf ogt, %div3A_1804, %gt3A_1814 : vector<4x8x128xf32>
      %or3A_1816 = arith.ori %gt3A_1815, %and3A_1812 : vector<4x8x128xi1>
      %slice3A_1817 = vector.extract_strided_slice %scan3A_47 {offsets = [0, 136, 0], sizes = [4, 8, 128], strides = [1, 1, 1]} : vector<4x160x128xf32> to vector<4x8x128xf32>
      %broadcast_in_dim3A_1818 = vector.broadcast %scan3A : f32 to vector<4x8x128xf32>
      %select_n3A_1819 = arith.select %or3A_1816, %broadcast_in_dim3A_1818, %slice3A_1817 : vector<4x8x128xi1>, vector<4x8x128xf32>
      %max3A_1820 = arith.maximumf %max3A_1775, %select_n3A_1819 : vector<4x8x128xf32>
      %slice3A_1821 = vector.extract_strided_slice %sub3A {offsets = [0, 144, 0], sizes = [4, 8, 128], strides = [1, 1, 1]} : vector<4x160x128xf32> to vector<4x8x128xf32>
      %slice3A_1822 = vector.extract_strided_slice %sub3A_20 {offsets = [0, 144, 0], sizes = [4, 8, 128], strides = [1, 1, 1]} : vector<4x160x128xf32> to vector<4x8x128xf32>
      %slice3A_1823 = vector.extract_strided_slice %add3A {offsets = [0, 144, 0], sizes = [4, 8, 128], strides = [1, 1, 1]} : vector<4x160x128xf32> to vector<4x8x128xf32>
      %slice3A_1824 = vector.extract_strided_slice %add3A_21 {offsets = [0, 144, 0], sizes = [4, 8, 128], strides = [1, 1, 1]} : vector<4x160x128xf32> to vector<4x8x128xf32>
      %max3A_1825 = vector.broadcast %broadcast_in_dim3A_991 : vector<4x1x1xf32> to vector<4x8x128xf32>
      %max3A_1826 = arith.maximumf %max3A_1825, %slice3A_1821 : vector<4x8x128xf32>
      %max3A_1827 = vector.broadcast %broadcast_in_dim3A_997 : vector<4x1x1xf32> to vector<4x8x128xf32>
      %max3A_1828 = arith.maximumf %max3A_1827, %slice3A_1822 : vector<4x8x128xf32>
      %min3A_1829 = vector.broadcast %broadcast_in_dim3A_1003 : vector<4x1x1xf32> to vector<4x8x128xf32>
      %min3A_1830 = arith.minimumf %min3A_1829, %slice3A_1823 : vector<4x8x128xf32>
      %min3A_1831 = vector.broadcast %broadcast_in_dim3A_1009 : vector<4x1x1xf32> to vector<4x8x128xf32>
      %min3A_1832 = arith.minimumf %min3A_1831, %slice3A_1824 : vector<4x8x128xf32>
      %sub3A_1833 = arith.subf %min3A_1830, %max3A_1826 : vector<4x8x128xf32>
      %max3A_1834 = arith.constant 0.000000e+00 : f32
      %max3A_1835 = vector.broadcast %max3A_1834 : f32 to vector<4x8x128xf32>
      %max3A_1836 = arith.maximumf %sub3A_1833, %max3A_1835 : vector<4x8x128xf32>
      %sub3A_1837 = arith.subf %min3A_1832, %max3A_1828 : vector<4x8x128xf32>
      %max3A_1838 = arith.constant 0.000000e+00 : f32
      %max3A_1839 = vector.broadcast %max3A_1838 : f32 to vector<4x8x128xf32>
      %max3A_1840 = arith.maximumf %sub3A_1837, %max3A_1839 : vector<4x8x128xf32>
      %mul3A_1841 = arith.mulf %max3A_1836, %max3A_1840 : vector<4x8x128xf32>
      %slice3A_1842 = vector.extract_strided_slice %mul3A {offsets = [0, 144, 0], sizes = [4, 8, 128], strides = [1, 1, 1]} : vector<4x160x128xf32> to vector<4x8x128xf32>
      %add3A_1843 = vector.broadcast %mul3A_1012 : vector<4x1x1xf32> to vector<4x8x128xf32>
      %add3A_1844 = arith.addf %add3A_1843, %slice3A_1842 : vector<4x8x128xf32>
      %sub3A_1845 = arith.subf %add3A_1844, %mul3A_1841 : vector<4x8x128xf32>
      %add3A_1846 = arith.constant 9.99999971E-10 : f32
      %add3A_1847 = vector.broadcast %add3A_1846 : f32 to vector<4x8x128xf32>
      %add3A_1848 = arith.addf %sub3A_1845, %add3A_1847 : vector<4x8x128xf32>
      %div3A_1849 = arith.divf %mul3A_1841, %add3A_1848 : vector<4x8x128xf32>
      %add3A_1850 = arith.constant 144 : i32
      %add3A_1851 = vector.broadcast %add3A_1850 : i32 to vector<4x8x1xi32>
      %add3A_1852 = arith.addi %iota3A_30, %add3A_1851 : vector<4x8x1xi32>
      %eq3A_1853 = vector.broadcast %shift_right_logical3A_302 : vector<4x1x1xi32> to vector<4x8x1xi32>
      %eq3A_1854 = arith.cmpi eq, %add3A_1852, %eq3A_1853 : vector<4x8x1xi32>
      %and3A_1855 = vector.broadcast %eq3A_1854 : vector<4x8x1xi1> to vector<4x8x128xi1>
      %and3A_1856 = vector.broadcast %eq3A_306 : vector<4x1x128xi1> to vector<4x8x128xi1>
      %and3A_1857 = arith.andi %and3A_1855, %and3A_1856 : vector<4x8x128xi1>
      %gt3A_1858 = arith.constant 5.000000e-01 : f32
      %gt3A_1859 = vector.broadcast %gt3A_1858 : f32 to vector<4x8x128xf32>
      %gt3A_1860 = arith.cmpf ogt, %div3A_1849, %gt3A_1859 : vector<4x8x128xf32>
      %or3A_1861 = arith.ori %gt3A_1860, %and3A_1857 : vector<4x8x128xi1>
      %slice3A_1862 = vector.extract_strided_slice %scan3A_47 {offsets = [0, 144, 0], sizes = [4, 8, 128], strides = [1, 1, 1]} : vector<4x160x128xf32> to vector<4x8x128xf32>
      %broadcast_in_dim3A_1863 = vector.broadcast %scan3A : f32 to vector<4x8x128xf32>
      %select_n3A_1864 = arith.select %or3A_1861, %broadcast_in_dim3A_1863, %slice3A_1862 : vector<4x8x128xi1>, vector<4x8x128xf32>
      %max3A_1865 = arith.maximumf %max3A_1820, %select_n3A_1864 : vector<4x8x128xf32>
      %slice3A_1866 = vector.extract_strided_slice %sub3A {offsets = [0, 152, 0], sizes = [4, 8, 128], strides = [1, 1, 1]} : vector<4x160x128xf32> to vector<4x8x128xf32>
      %slice3A_1867 = vector.extract_strided_slice %sub3A_20 {offsets = [0, 152, 0], sizes = [4, 8, 128], strides = [1, 1, 1]} : vector<4x160x128xf32> to vector<4x8x128xf32>
      %slice3A_1868 = vector.extract_strided_slice %add3A {offsets = [0, 152, 0], sizes = [4, 8, 128], strides = [1, 1, 1]} : vector<4x160x128xf32> to vector<4x8x128xf32>
      %slice3A_1869 = vector.extract_strided_slice %add3A_21 {offsets = [0, 152, 0], sizes = [4, 8, 128], strides = [1, 1, 1]} : vector<4x160x128xf32> to vector<4x8x128xf32>
      %max3A_1870 = vector.broadcast %broadcast_in_dim3A_991 : vector<4x1x1xf32> to vector<4x8x128xf32>
      %max3A_1871 = arith.maximumf %max3A_1870, %slice3A_1866 : vector<4x8x128xf32>
      %max3A_1872 = vector.broadcast %broadcast_in_dim3A_997 : vector<4x1x1xf32> to vector<4x8x128xf32>
      %max3A_1873 = arith.maximumf %max3A_1872, %slice3A_1867 : vector<4x8x128xf32>
      %min3A_1874 = vector.broadcast %broadcast_in_dim3A_1003 : vector<4x1x1xf32> to vector<4x8x128xf32>
      %min3A_1875 = arith.minimumf %min3A_1874, %slice3A_1868 : vector<4x8x128xf32>
      %min3A_1876 = vector.broadcast %broadcast_in_dim3A_1009 : vector<4x1x1xf32> to vector<4x8x128xf32>
      %min3A_1877 = arith.minimumf %min3A_1876, %slice3A_1869 : vector<4x8x128xf32>
      %sub3A_1878 = arith.subf %min3A_1875, %max3A_1871 : vector<4x8x128xf32>
      %max3A_1879 = arith.constant 0.000000e+00 : f32
      %max3A_1880 = vector.broadcast %max3A_1879 : f32 to vector<4x8x128xf32>
      %max3A_1881 = arith.maximumf %sub3A_1878, %max3A_1880 : vector<4x8x128xf32>
      %sub3A_1882 = arith.subf %min3A_1877, %max3A_1873 : vector<4x8x128xf32>
      %max3A_1883 = arith.constant 0.000000e+00 : f32
      %max3A_1884 = vector.broadcast %max3A_1883 : f32 to vector<4x8x128xf32>
      %max3A_1885 = arith.maximumf %sub3A_1882, %max3A_1884 : vector<4x8x128xf32>
      %mul3A_1886 = arith.mulf %max3A_1881, %max3A_1885 : vector<4x8x128xf32>
      %slice3A_1887 = vector.extract_strided_slice %mul3A {offsets = [0, 152, 0], sizes = [4, 8, 128], strides = [1, 1, 1]} : vector<4x160x128xf32> to vector<4x8x128xf32>
      %add3A_1888 = vector.broadcast %mul3A_1012 : vector<4x1x1xf32> to vector<4x8x128xf32>
      %add3A_1889 = arith.addf %add3A_1888, %slice3A_1887 : vector<4x8x128xf32>
      %sub3A_1890 = arith.subf %add3A_1889, %mul3A_1886 : vector<4x8x128xf32>
      %add3A_1891 = arith.constant 9.99999971E-10 : f32
      %add3A_1892 = vector.broadcast %add3A_1891 : f32 to vector<4x8x128xf32>
      %add3A_1893 = arith.addf %sub3A_1890, %add3A_1892 : vector<4x8x128xf32>
      %div3A_1894 = arith.divf %mul3A_1886, %add3A_1893 : vector<4x8x128xf32>
      %add3A_1895 = arith.constant 152 : i32
      %add3A_1896 = vector.broadcast %add3A_1895 : i32 to vector<4x8x1xi32>
      %add3A_1897 = arith.addi %iota3A_30, %add3A_1896 : vector<4x8x1xi32>
      %eq3A_1898 = vector.broadcast %shift_right_logical3A_302 : vector<4x1x1xi32> to vector<4x8x1xi32>
      %eq3A_1899 = arith.cmpi eq, %add3A_1897, %eq3A_1898 : vector<4x8x1xi32>
      %and3A_1900 = vector.broadcast %eq3A_1899 : vector<4x8x1xi1> to vector<4x8x128xi1>
      %and3A_1901 = vector.broadcast %eq3A_306 : vector<4x1x128xi1> to vector<4x8x128xi1>
      %and3A_1902 = arith.andi %and3A_1900, %and3A_1901 : vector<4x8x128xi1>
      %gt3A_1903 = arith.constant 5.000000e-01 : f32
      %gt3A_1904 = vector.broadcast %gt3A_1903 : f32 to vector<4x8x128xf32>
      %gt3A_1905 = arith.cmpf ogt, %div3A_1894, %gt3A_1904 : vector<4x8x128xf32>
      %or3A_1906 = arith.ori %gt3A_1905, %and3A_1902 : vector<4x8x128xi1>
      %slice3A_1907 = vector.extract_strided_slice %scan3A_47 {offsets = [0, 152, 0], sizes = [4, 8, 128], strides = [1, 1, 1]} : vector<4x160x128xf32> to vector<4x8x128xf32>
      %broadcast_in_dim3A_1908 = vector.broadcast %scan3A : f32 to vector<4x8x128xf32>
      %select_n3A_1909 = arith.select %or3A_1906, %broadcast_in_dim3A_1908, %slice3A_1907 : vector<4x8x128xi1>, vector<4x8x128xf32>
      %max3A_1910 = arith.maximumf %max3A_1865, %select_n3A_1909 : vector<4x8x128xf32>
      %concatenate3A = tpu.concatenate %select_n3A_1054, %select_n3A_1099, %select_n3A_1144, %select_n3A_1189, %select_n3A_1234, %select_n3A_1279, %select_n3A_1324, %select_n3A_1369, %select_n3A_1414, %select_n3A_1459, %select_n3A_1504, %select_n3A_1549, %select_n3A_1594, %select_n3A_1639, %select_n3A_1684, %select_n3A_1729, %select_n3A_1774, %select_n3A_1819, %select_n3A_1864, %select_n3A_1909 in 1 : vector<4x8x128xf32>, vector<4x8x128xf32>, vector<4x8x128xf32>, vector<4x8x128xf32>, vector<4x8x128xf32>, vector<4x8x128xf32>, vector<4x8x128xf32>, vector<4x8x128xf32>, vector<4x8x128xf32>, vector<4x8x128xf32>, vector<4x8x128xf32>, vector<4x8x128xf32>, vector<4x8x128xf32>, vector<4x8x128xf32>, vector<4x8x128xf32>, vector<4x8x128xf32>, vector<4x8x128xf32>, vector<4x8x128xf32>, vector<4x8x128xf32>, vector<4x8x128xf32> -> vector<4x160x128xf32>
      %reduce_max3A_1911 = arith.constant dense<0xFF800000> : vector<4x128xf32>
      %reduce_max3A_1912 = vector.multi_reduction <maximumf>, %max3A_1910, %reduce_max3A_1911 [1] : vector<4x8x128xf32> to vector<4x128xf32>
      %broadcast_in_dim3A_1913 = vector.shape_cast %reduce_max3A_1912 : vector<4x128xf32> to vector<4x1x128xf32>
      %ge3A_1914 = arith.constant 5.000000e-01 : f32
      %ge3A_1915 = vector.broadcast %ge3A_1914 : f32 to vector<4x1x1xf32>
      %ge3A_1916 = arith.cmpf oge, %broadcast_in_dim3A_52, %ge3A_1915 : vector<4x1x1xf32>
      %eq3A_1917 = arith.constant 0 : i32
      %eq3A_1918 = vector.broadcast %eq3A_1917 : i32 to vector<4x1x128xi32>
      %eq3A_1919 = arith.cmpi eq, %iota3A, %eq3A_1918 : vector<4x1x128xi32>
      %jit3A_1920 = arith.constant 0.000000e+00 : f32
      %broadcast_in_dim3A_1921 = vector.shape_cast %broadcast_in_dim3A_991 : vector<4x1x1xf32> to vector<4x1x1xf32>
      %broadcast_in_dim3A_1922 = vector.broadcast %broadcast_in_dim3A_1921 : vector<4x1x1xf32> to vector<4x1x128xf32>
      %broadcast_in_dim3A_1923 = vector.broadcast %jit3A_1920 : f32 to vector<4x1x128xf32>
      %select_n3A_1924 = arith.select %eq3A_1919, %broadcast_in_dim3A_1922, %broadcast_in_dim3A_1923 : vector<4x1x128xi1>, vector<4x1x128xf32>
      %eq3A_1925 = arith.constant 1 : i32
      %eq3A_1926 = vector.broadcast %eq3A_1925 : i32 to vector<4x1x128xi32>
      %eq3A_1927 = arith.cmpi eq, %iota3A, %eq3A_1926 : vector<4x1x128xi32>
      %broadcast_in_dim3A_1928 = vector.shape_cast %broadcast_in_dim3A_997 : vector<4x1x1xf32> to vector<4x1x1xf32>
      %broadcast_in_dim3A_1929 = vector.broadcast %broadcast_in_dim3A_1928 : vector<4x1x1xf32> to vector<4x1x128xf32>
      %select_n3A_1930 = arith.select %eq3A_1927, %broadcast_in_dim3A_1929, %select_n3A_1924 : vector<4x1x128xi1>, vector<4x1x128xf32>
      %eq3A_1931 = arith.constant 2 : i32
      %eq3A_1932 = vector.broadcast %eq3A_1931 : i32 to vector<4x1x128xi32>
      %eq3A_1933 = arith.cmpi eq, %iota3A, %eq3A_1932 : vector<4x1x128xi32>
      %broadcast_in_dim3A_1934 = vector.shape_cast %broadcast_in_dim3A_1003 : vector<4x1x1xf32> to vector<4x1x1xf32>
      %broadcast_in_dim3A_1935 = vector.broadcast %broadcast_in_dim3A_1934 : vector<4x1x1xf32> to vector<4x1x128xf32>
      %select_n3A_1936 = arith.select %eq3A_1933, %broadcast_in_dim3A_1935, %select_n3A_1930 : vector<4x1x128xi1>, vector<4x1x128xf32>
      %eq3A_1937 = arith.constant 3 : i32
      %eq3A_1938 = vector.broadcast %eq3A_1937 : i32 to vector<4x1x128xi32>
      %eq3A_1939 = arith.cmpi eq, %iota3A, %eq3A_1938 : vector<4x1x128xi32>
      %broadcast_in_dim3A_1940 = vector.shape_cast %broadcast_in_dim3A_1009 : vector<4x1x1xf32> to vector<4x1x1xf32>
      %broadcast_in_dim3A_1941 = vector.broadcast %broadcast_in_dim3A_1940 : vector<4x1x1xf32> to vector<4x1x128xf32>
      %select_n3A_1942 = arith.select %eq3A_1939, %broadcast_in_dim3A_1941, %select_n3A_1936 : vector<4x1x128xi1>, vector<4x1x128xf32>
      %eq3A_1943 = arith.constant 4 : i32
      %eq3A_1944 = vector.broadcast %eq3A_1943 : i32 to vector<4x1x128xi32>
      %eq3A_1945 = arith.cmpi eq, %iota3A, %eq3A_1944 : vector<4x1x128xi32>
      %broadcast_in_dim3A_1946 = vector.shape_cast %broadcast_in_dim3A_52 : vector<4x1x1xf32> to vector<4x1x1xf32>
      %broadcast_in_dim3A_1947 = vector.broadcast %broadcast_in_dim3A_1946 : vector<4x1x1xf32> to vector<4x1x128xf32>
      %select_n3A_1948 = arith.select %eq3A_1945, %broadcast_in_dim3A_1947, %select_n3A_1942 : vector<4x1x128xi1>, vector<4x1x128xf32>
      %eq3A_1949 = arith.constant 5 : i32
      %eq3A_1950 = vector.broadcast %eq3A_1949 : i32 to vector<4x1x128xi32>
      %eq3A_1951 = arith.cmpi eq, %iota3A, %eq3A_1950 : vector<4x1x128xi32>
      %convert_element_type3A = arith.sitofp %broadcast_in_dim3A_300 : vector<4x1x1xi32> to vector<4x1x1xf32>
      %broadcast_in_dim3A_1952 = vector.shape_cast %convert_element_type3A : vector<4x1x1xf32> to vector<4x1x1xf32>
      %broadcast_in_dim3A_1953 = vector.broadcast %broadcast_in_dim3A_1952 : vector<4x1x1xf32> to vector<4x1x128xf32>
      %select_n3A_1954 = arith.select %eq3A_1951, %broadcast_in_dim3A_1953, %select_n3A_1948 : vector<4x1x128xi1>, vector<4x1x128xf32>
      %eq3A_1955 = arith.constant 6 : i32
      %eq3A_1956 = vector.broadcast %eq3A_1955 : i32 to vector<4x1x128xi32>
      %eq3A_1957 = arith.cmpi eq, %iota3A, %eq3A_1956 : vector<4x1x128xi32>
      %jit3A_1958 = arith.constant 1.000000e+00 : f32
      %broadcast_in_dim3A_1959 = vector.broadcast %jit3A_1958 : f32 to vector<4x1x128xf32>
      %select_n3A_1960 = arith.select %eq3A_1957, %broadcast_in_dim3A_1959, %select_n3A_1954 : vector<4x1x128xi1>, vector<4x1x128xf32>
      %jit3A_1961 = arith.constant 0.000000e+00 : f32
      %broadcast_in_dim3A_1962 = vector.shape_cast %ge3A_1916 : vector<4x1x1xi1> to vector<4x1x1xi1>
      %broadcast_in_dim3A_1963 = vector.broadcast %broadcast_in_dim3A_1962 : vector<4x1x1xi1> to vector<4x1x128xi1>
      %broadcast_in_dim3A_1964 = vector.broadcast %jit3A_1961 : f32 to vector<4x1x128xf32>
      %select_n3A_1965 = arith.select %broadcast_in_dim3A_1963, %select_n3A_1960, %broadcast_in_dim3A_1964 : vector<4x1x128xi1>, vector<4x1x128xf32>
      %swap3A_1966 = arith.constant 0 : index
      %swap3A_1967 = arith.index_cast %scan3A_46 : i32 to index
      %swap3A_1968 = arith.constant 0 : index
      %swap3A_1969 = vector.load %arg5[%swap3A_1966, %swap3A_1967, %swap3A_1968] : memref<4x104x128xf32, #tpu.memory_space<vmem>>, vector<4x1x128xf32>
      tpu.vector_store %arg5[%swap3A_1966, %swap3A_1967, %swap3A_1968], %select_n3A_1965 {strides = array<i32>} : memref<4x104x128xf32, #tpu.memory_space<vmem>>, vector<4x1x128xf32>,
      %jit3A_1970 = arith.constant 1 : i32
      %jit3A_1971 = arith.constant 0 : i32
      %broadcast_in_dim3A_1972 = vector.broadcast %jit3A_1970 : i32 to vector<4x1x1xi32>
      %broadcast_in_dim3A_1973 = vector.broadcast %jit3A_1971 : i32 to vector<4x1x1xi32>
      %select_n3A_1974 = arith.select %ge3A_1916, %broadcast_in_dim3A_1972, %broadcast_in_dim3A_1973 : vector<4x1x1xi1>, vector<4x1x1xi32>
      %add3A_1975 = arith.addi %scan3A_49, %select_n3A_1974 : vector<4x1x1xi32>
      scf.yield %concatenate3A, %broadcast_in_dim3A_1913, %add3A_1975 : vector<4x160x128xf32>, vector<4x1x128xf32>, vector<4x1x1xi32>
    }
    %scan3A_40 = arith.constant 100 : i32
    %broadcast_in_dim3A_41 = vector.shape_cast %scan3A_39#2 : vector<4x1x1xi32> to vector<4x1x1xi32>
    %broadcast_in_dim3A_42 = vector.broadcast %broadcast_in_dim3A_41 : vector<4x1x1xi32> to vector<4x8x128xi32>
    %swap3A = arith.constant 0 : index
    %swap3A_43 = arith.constant 0 : index
    %swap3A_44 = arith.constant 0 : index
    %swap3A_45 = vector.load %arg6[%swap3A, %swap3A_43, %swap3A_44] : memref<4x8x128xi32, #tpu.memory_space<vmem>>, vector<4x8x128xi32>
    tpu.vector_store %arg6[%swap3A, %swap3A_43, %swap3A_44], %broadcast_in_dim3A_42 {strides = array<i32>} : memref<4x8x128xi32, #tpu.memory_space<vmem>>, vector<4x8x128xi32>,
    return
  }
}

</mosaic_0001>

<sc_bundles>
// kernel: kernel.4.cloned.1.call-start
scs
__scs_entry_jumppad:
0x0: {  	(pc) =	sbr.rel $0x88, $3  }
0x1: {  	(tag) =	ssettag $0x0;
	lr =	simm.s32 $0x1  }
0x2: {  	[smem:$0x3F9E] =	sst lr;
	_ =	strace $0xD0000000  }
0x3: {  	_ = 	snop  }
0x4: {  	_ = 	snop  }
0x5: {  	_ = 	snop  }
0x6: {  	_ = 	snop  }
0x7: {  	_ = 	snop  }
__scs_overlays_trampoline_lowered:
0x8: {  	[smem:$0x3FAD] =	sst s0  }
0x9: {  	[smem:$0x3FAE] =	sst s1  }
0xa: {  	[smem:$0x3FAF] =	sst s2  }
0xb: {  	[smem:$0x3FB0] =	sst s3  }
0xc: {  	[smem:$0x3FB1] =	sst s4  }
0xd: {  	[smem:$0x3FB2] =	sst s5  }
0xe: {  	[smem:$0x3FB3] =	sst s6  }
0xf: {  	[smem:$0x3FB4] =	sst s7  }
0x10: {  	[smem:$0x3FB5] =	sst s8  }
0x11: {  	[smem:$0x3FB6] =	sst s9;
	s0 =	simm.s32 @!p0 $0x0  }
0x12: {  	s1 =	sld [smem:$0x3F9C];
	s0 =	simm.s32 @p0 $0x1  }
0x13: {  	[smem:$0x3FB7] =	sst s0;
	s0 =	simm.s32 @!p1 $0x0  }
0x14: {  	s2 =	sld [smem:$0x3F9B];
	s0 =	simm.s32 @p1 $0x1  }
0x15: {  	[smem:$0x3FB8] =	sst s0;
	s0 =	simm.s32 @!p2 $0x0  }
0x16: {  	s3 =	sld [smem:$0x3FDB];
	s0 =	simm.s32 @p2 $0x1  }
0x17: {  	s4 =	simm.s32 $0x1BF5;
	[smem:$0x3FBA] =	sst s0  }
0x18: {  	s0 =	sld [smem:$0x3F9D];
	_ =	swait.ge [sflag:s4], $0x0  }
0x19: {  	s7 =	sld [smem:$0x3F9E]  }
0x1a: {  	s8 =	sadd.s32 $0xFFFFE003, lr  }
0x1b: {  	s9 =	sadd.s32 $0xFFFFFEF7, lr;
	s5 =	simm.s32 $0xFFFFFFFF;
	p2 =	slt.u32 s8, $0xFFFFF086  }
0x1c: {  	p1 =	slt.u32 s9, $0xF7A;
	s5 =	simm.s32 @!p2 $0x0  }
0x1d: {  	s5 =	simm.s32 @p1 $0x1;
	p0 =	seq.s32 s7, s2  }
0x1e: {  	s7 =	smul.u32 @!p0 $0xF7A, s2;
	p2 =	seq.s32 @!p0 s5, $0x0  }
0x1f: {  	s9 =	smul.u32 $0xF7A, s1;
	s8 =	simm.s32 @!p0 $0x1BF5;
	p2 =	por !p2, p0  }
0x20: {  	[sflag:s8] =	ssyncset.s32 @!p0 $0xFFFFF086;
	s6 =	sadd.s32 @!p0 s3, s7;
	s7 =	simm.s32 @!p0 $0x108  }
0x21: {  	s3 =	sadd.s32 s3, s9;
	s6 =	sadd.s32 @!p0 $0x88, s6;
	s7 =	simm.s32 @p2 $0x1082  }
0x22: {  	[simem:s7], [sflag:s8] =	dma.local @!p0 [hbm:s6], $0xF7A  }
0x23: {  	s9 =	sor.u32 $0xD0000000, s2;
	s6 =	simm.s32 $0x108;
	_ =	swait.ge @!p0 [sflag:s8], $0x0  }
0x24: {  	s3 =	sadd.s32 $0x88, s3;
	s6 =	simm.s32 @!p1 $0x1082;
	[sflag:s4] =	ssyncset.s32 $0xFFFFF086  }
0x25: {  	[simem:s6], [sflag:s4] =	dma.local [hbm:s3], $0xF7A  }
0x26: {  	[smem:$0x3F9E] =	sst s1;
	(tag) =	ssettag s2;
	_ =	strace s9  }
0x27: {  	s1 =	sld [smem:$0x3FAE]  }
0x28: {  	s2 =	sld [smem:$0x3FAF]  }
0x29: {  	s4 =	sld [smem:$0x3FB1]  }
0x2a: {  	p0 =	seq.s32 s5, $0x0;
	s5 =	sld [smem:$0x3FB2]  }
0x2b: {  	s6 =	sld [smem:$0x3FB3]  }
0x2c: {  	s7 =	sld [smem:$0x3FB4]  }
0x2d: {  	s3 =	simm.s32 $0x108;
	s8 =	sld [smem:$0x3FB5]  }
0x2e: {  	s3 =	simm.s32 @!p0 $0x1082;
	s9 =	sld [smem:$0x3FB6]  }
0x2f: {  	lr =	sadd.s32 s0, s3;
	s0 =	sld [smem:$0x3FAD]  }
0x30: {  	s3 =	sld [smem:$0x3FB0]  }
0x31: {  	[smem:$0x3FB9] =	sst s10  }
0x32: {  	s10 =	sld [smem:$0x3FB7];
	_ =	sdelay $0x3  }
0x33: {  	p0 =	seq.s32 s10, $0x1;
	s10 =	sld [smem:$0x3FB9];
	_ =	sdelay $0x3  }
0x34: {  	[smem:$0x3FB9] =	sst s10  }
0x35: {  	s10 =	sld [smem:$0x3FB8];
	_ =	sdelay $0x3  }
0x36: {  	p1 =	seq.s32 s10, $0x1;
	s10 =	sld [smem:$0x3FB9];
	_ =	sdelay $0x3  }
0x37: {  	[smem:$0x3FB9] =	sst s10  }
0x38: {  	s10 =	sld [smem:$0x3FBA]  }
0x39: {  	_ = 	snop;
	(pc) =	sbr.ind lr, $3  }
0x3a: {  	_ = 	snop  }
0x3b: {  	_ = 	snop  }
0x3c: {  	p2 =	seq.s32 s10, $0x1;
	s10 =	sld [smem:$0x3FB9]  }
0x3d: {  	_ =	shalt  }
0x3e: {  	_ =	shalt  }
0x3f: {  	_ =	shalt  }
0x40: {  	_ =	shalt  }
0x41: {  	_ =	shalt  }
0x42: {  	_ =	shalt  }
0x43: {  	_ =	shalt  }
0x44: {  	_ =	shalt  }
0x45: {  	_ =	shalt  }
0x46: {  	_ =	shalt  }
0x47: {  	_ =	shalt  }
0x48: {  	_ =	shalt  }
0x49: {  	_ =	shalt  }
0x4a: {  	_ =	shalt  }
0x4b: {  	_ =	shalt  }
0x4c: {  	_ =	shalt  }
0x4d: {  	_ =	shalt  }
0x4e: {  	_ =	shalt  }
0x4f: {  	_ =	shalt  }
0x50: {  	_ =	shalt  }
0x51: {  	_ =	shalt  }
0x52: {  	_ =	shalt  }
0x53: {  	_ =	shalt  }
0x54: {  	_ =	shalt  }
0x55: {  	_ =	shalt  }
0x56: {  	_ =	shalt  }
0x57: {  	_ =	shalt  }
0x58: {  	_ =	shalt  }
0x59: {  	_ =	shalt  }
0x5a: {  	_ =	shalt  }
0x5b: {  	_ =	shalt  }
0x5c: {  	_ =	shalt  }
0x5d: {  	_ =	shalt  }
0x5e: {  	_ =	shalt  }
0x5f: {  	_ =	shalt  }
0x60: {  	_ =	shalt  }
0x61: {  	_ =	shalt  }
0x62: {  	_ =	shalt  }
0x63: {  	_ =	shalt  }
0x64: {  	_ =	shalt  }
0x65: {  	_ =	shalt  }
0x66: {  	_ =	shalt  }
0x67: {  	_ =	shalt  }
0x68: {  	_ =	shalt  }
0x69: {  	_ =	shalt  }
0x6a: {  	_ =	shalt  }
0x6b: {  	_ =	shalt  }
0x6c: {  	_ =	shalt  }
0x6d: {  	_ =	shalt  }
0x6e: {  	_ =	shalt  }
0x6f: {  	_ =	shalt  }
0x70: {  	_ =	shalt  }
0x71: {  	_ =	shalt  }
0x72: {  	_ =	shalt  }
0x73: {  	_ =	shalt  }
0x74: {  	_ =	shalt  }
0x75: {  	_ =	shalt  }
0x76: {  	_ =	shalt  }
0x77: {  	_ =	shalt  }
0x78: {  	_ =	shalt  }
0x79: {  	_ =	shalt  }
0x7a: {  	_ =	shalt  }
0x7b: {  	_ =	shalt  }
0x7c: {  	_ =	shalt  }
0x7d: {  	_ =	shalt  }
0x7e: {  	_ =	shalt  }
0x7f: {  	_ =	shalt  }
0x80: {  	_ =	shalt  }
0x81: {  	_ =	shalt  }
0x82: {  	_ =	shalt  }
0x83: {  	_ =	shalt  }
0x84: {  	_ =	shalt  }
0x85: {  	_ =	shalt  }
0x86: {  	_ =	shalt  }
0x87: {  	_ =	shalt  }
.Lfunc_end0:
.L_simem_size_0:
called_computation_lowered:
.L_overlay_start_0:
0x88: {  	s2 =	sld [smem:$0x3FD9]  }
0x89: {  	s3 =	sld [smem:$0x3FFE];
	_ =	sdelay $0x1  }
0x8a: {  	s1 =	srdreg.scid  }
0x8b: {  	s0 =	sand.u32 $0x1, s1  }
0x8c: {  	s14 =	sshll.u32 s0, $0xA;
	s2 =	sadd.s32 s3, s2  }
0x8d: {  	s2 =	sadd.s32 s2, s14  }
0x8e: {  	[smem:$0x3FC5] =	sst s2  }
0x8f: {  	_ = 	snop  }
0x90: {  	s2 =	sld [smem:$0x3FD0];
	_ =	sdelay $0x2  }
0x91: {  	s15 =	simm.s32 $0xA;
	s4 =	simm.s32 $0x10  }
0x92: {  	[smem:s4], [sflag:s15] =	dma.local [hbm:s2], $0x1  }
0x93: {  	_ =	swait.eq [sflag:s15], $0x1  }
0x94: {  	[sflag:s15] =	ssyncset.done $0x0  }
0x95: {  	[sflag:s15] =	ssyncadd.s32 $0xFFFFFFFF  }
0x96: {  	s16 =	sld [smem:$0x12];
	(tm) =	ssettm $0x1  }
0x97: {  	s17 =	sld [smem:$0x3FFB];
	_ =	sdelay $0x3  }
0x98: {  	_ =	strace s17  }
0x99: {  	s3 =	sld [smem:$0x3FFC];
	_ =	sdelay $0x3  }
0x9a: {  	_ =	strace s3  }
0x9b: {  	s3 =	sld [smem:$0x3FFD];
	_ =	sdelay $0x3  }
0x9c: {  	_ =	strace s3  }
0x9d: {  	_ =	strace $0x8FFFFFFF  }
0x9e: {  	s18 =	sld [smem:$0x3FDB];
	_ =	sdelay $0x1  }
0x9f: {  	s19 =	simm.s32 $_scs_section_size  }
0xa0: {  	s5 =	simm.s32 $_size__tile_overlayer_lowered;
	s6 =	simm.s32 $_tile_overlayer_lowered  }
0xa1: {  	s22 =	simm.s32 $0x1BFF;
	s21 =	sshll.u32 s6, $0x1;
	s3 =	sadd.s32 s19, s18  }
0xa2: {  	s7 =	simm.s32 $0x0;
	s20 =	sshll.u32 s5, $0x1;
	s5 =	sadd.s32 s21, s3  }
0xa3: {  	[timem:s7], [sflag:s22] =	dma.local [hbm:s5], s20  }
0xa4: {  	_ =	swait.ge [sflag:s22], s20  }
0xa5: {  	s4 =	ssub.s32 $0x0, s20;
	[sflag:s22] =	ssyncset.done $0x0  }
0xa6: {  	[sflag:s22] =	ssyncadd.s32 s4;
	_ =	sdelay $0x1  }
0xa7: {  	s23 =	simm.s32 $0x1B8B  }
0xa8: {  	_ =	swait.ge [sflag:s23], $0x1  }
0xa9: {  	[sflag:s23] =	ssyncset.done $0x0  }
0xaa: {  	s25 =	simm.s32 $0x1B8E;
	s24 =	sld [smem:$0x3FFE];
	[sflag:s23] =	ssyncadd.s32 $0xFFFFFFFF  }
0xab: {  	s26 =	simm.s32 $execute0_lowered;
	[smem:$0x3FD2] =	sst s25  }
0xac: {  	s5 =	sshll.u32 s26, $0x1;
	_ =	strace $0x80000046;
	[dreg:$0x1] =	wrdreg $0xFFFFFFFF  }
0xad: {  	s28 =	simm.s32 $_size_execute0_lowered;
	s3 =	sadd.s32 s3, s5;
	[dreg:$0x0] =	wrdreg $0x0  }
0xae: {  	s5 =	sshll.u32 s28, $0x1;
	[dreg:$0x2] =	wrdreg s3  }
0xaf: {  	[dreg:$0x3] =	wrdreg s5  }
0xb0: {  	[dreg:$0x4] =	wrdreg $0xC0  }
0xb1: {  	_ =	task [dreg:s7], $0x5FFFF  }
0xb2: {  	[dreg:$0x1] =	wrdreg $0xFFFFFFFF  }
0xb3: {  	[dreg:$0x0] =	wrdreg $0x60  }
0xb4: {  	[dreg:$0x2] =	wrdreg s24  }
0xb5: {  	[dreg:$0x3] =	wrdreg s16  }
0xb6: {  	[dreg:$0x4] =	wrdreg $0x9  }
0xb7: {  	_ =	task.clear_ibuf [dreg:s7], $0x5FFFF;
	_ =	strace $0x90000046  }
0xb8: {  	s29 =	simm.s32 $0x9;
	_ =	strace $0x80000048  }
0xb9: {  	_ =	swait.ge [sflag:s29], $0x1  }
0xba: {  	[sflag:s29] =	ssyncadd.s32 $0xFFFFFFFF  }
0xbb: {  	_ =	strace $0x90000048  }
0xbc: {  	_ =	sfence  }
0xbd: {  	s30 =	sld [smem:$0x0];
	_ =	sdelay $0x2  }
0xbe: {  	s31 =	sshll.u32 s1, $0xD;
	s1 =	sshrl.u32 s1, $0x2  }
0xbf: {  	s3 =	sand.u32 $0x4000, s31;
	s1 =	sadd.s32 s1, s30  }
0xc0: {  	s0 =	sor.u32 s3, s0;
	s1 =	sshll.u32 s1, $0x11  }
0xc1: {  	s0 =	sor.u32 s1, s0  }
0xc2: {  	s0 =	sadd.s32 $0x8F2B, s0  }
0xc3: {  	[sflag:s0] =	ssyncadd.remote.s32 $0x1  }
0xc4: {  	_ =	sfence.sel $0xFFFF  }
0xc5: {  	[dreg:$0x0] =	wrdreg $0xFFFFFFFF;
	(pc) =	sbr.abs _section_cstart, $3  }
0xc6: {  	[dreg:$0x1] =	wrdreg $0xFFFFFFFF  }
0xc7: {  	_ =	task.clear_ibuf [dreg:s7], $0x2FFFF;
	_ =	strace $0x9FFFFFFF  }
0xc8: {  	(tm) =	ssettm $0x7FFFFFFF  }
0xc9: {  	_ =	shalt  }
tec
execute0_lowered:
.L_overlay_start_1:
0x0: {  	(tag) =	ssettag $0x1  }
0x1: {  	s5 =	rddreg [dreg:$0x0]  }
0x2: {  	s1 =	srdreg.scid;
	s4 =	rddreg [dreg:$0x1]  }
0x3: {  	s2 =	simm.s32 $0x0;
	s3 =	sand.u32 $0x1, s1;
	s1 =	rddreg [dreg:$0x2]  }
0x4: {  	s14 =	simm.s32 $0x100;
	[smem:$0x7FF] =	sst s2  }
0x5: {  	s15 =	simm.s32 $0x180;
	_ =	strace $0x80000047;
	[dreg:$0x5] =	wrdreg s14  }
0x6: {  	s16 =	simm.s32 $0x200;
	[dreg:$0x6] =	wrdreg s15  }
0x7: {  	s17 =	simm.s32 $0x280;
	[dreg:$0x7] =	wrdreg s16  }
0x8: {  	s18 =	simm.s32 $0x300;
	[dreg:$0x8] =	wrdreg s17  }
0x9: {  	s19 =	simm.s32 $0x380;
	[dreg:$0x9] =	wrdreg s18  }
0xa: {  	s0 =	stileid.u32;
	s20 =	simm.s32 $0x400;
	[dreg:$0xa] =	wrdreg s19  }
0xb: {  	s21 =	simm.s32 $0x480;
	s22 =	simm.s32 $0x500;
	[dreg:$0xb] =	wrdreg s20  }
0xc: {  	s23 =	simm.s32 $0x580;
	s25 =	simm.s32 $0x600;
	[dreg:$0xc] =	wrdreg s21  }
0xd: {  	s26 =	simm.s32 $0x680;
	s29 =	simm.s32 $0x700;
	[dreg:$0xd] =	wrdreg s22  }
0xe: {  	s7 =	sshll.u32 s3, $0x4;
	s3 =	ssub.s32 $0x2, s3;
	[dreg:$0xe] =	wrdreg s23  }
0xf: {  	s30 =	simm.s32 $0x780;
	[dreg:$0xf] =	wrdreg s25;
	s24 =	sshrl.u32 s3, $0x1  }
0x10: {  	s31 =	simm.s32 $0x800;
	[dreg:$0x10] =	wrdreg s26;
	s3 =	ssub.s32 s3, s24  }
0x11: {  	s6 =	sshll.u32 s0, $0x5;
	[dreg:$0x11] =	wrdreg s29;
	s28 =	smax.u32 s3, $0x1  }
0x12: {  	[dreg:$0x12] =	wrdreg s30;
	s6 =	sor.u32 s7, s6;
	p1 =	sne.s32 s28, $0x1  }
.Ltmp0:
0x13: {  	s7 =	sshll.u32 s6, $0x4;
	s6 =	sshrl.u32 s6, $0x3;
	(pc) =	sbr.rel @!p1 .LBB2_3-.Ltmp0, $4  }
0x14: {  	[dreg:$0x13] =	wrdreg s31;
	s7 =	sadd.s32 s7, s5;
	s4 =	sadd.s32 s4, s6  }
0x15: {  	p0 =	por $0x0, $0x0;
	[dreg:$0x3] =	wrdreg s4;
	s13 =	sadd.s32 $0x138800, s7  }
0x16: {  	s3 =	simm.s32 $0x2;
	s6 =	simm.s32 $0x1;
	[dreg:$0x4] =	wrdreg s13  }
0x17: {  	s4 =	simm.s32 $0x80;
	s7 =	sadd.s32 $0xFFFFFFFF, s28;
	s8 =	rddreg [dreg:$0x3]  }
0x18: {  	[tilespmem:s2], [sflag:$0x2] =	stream.linear.gather [hbm4b:s8+s2], $0x10, $0x38;
	[tilespmem:$0x880] =	vst v63  }
0x19: {  	_ =	swait.ge [sflag:s3], $0x10  }
0x1a: {  	[sflag:s3] =	ssyncset.done $0x0  }
0x1b: {  	[sflag:s3] =	ssyncadd.s32 $0xFFFFFFF0  }
0x1c: {  	v0 =	vld [tilespmem:$0x0];
	_ =	sdelay $0x4  }
0x1d: {  	v0 =	vshll.u32 v0, $0x4  }
0x1e: {  	(v2sf) =	vpush v0, $0x0  }
0x1f: {  	(v2sf) =	vpush v0, $0x1  }
0x20: {  	(v2sf) =	vpush v0, $0x2;
	_ =	sdelay $0x1  }
0x21: {  	s9 =	rddreg [dreg:$0x11];
	(v2sf) =	vpush v0, $0x3  }
0x22: {  	s10 =	rddreg [dreg:$0x10]  }
0x23: {  	s11 =	rddreg [dreg:$0xf];
	(v2sf) =	vpush v0, $0x4  }
0x24: {  	s12 =	rddreg [dreg:$0xe]  }
0x25: {  	s13 =	rddreg [dreg:$0xd];
	(v2sf) =	vpush v0, $0x5  }
0x26: {  	s14 =	rddreg [dreg:$0xc]  }
0x27: {  	s15 =	rddreg [dreg:$0xb];
	(v2sf) =	vpush v0, $0x6  }
0x28: {  	s16 =	rddreg [dreg:$0xa]  }
0x29: {  	s17 =	rddreg [dreg:$0x9];
	(v2sf) =	vpush v0, $0x7  }
0x2a: {  	s18 =	rddreg [dreg:$0x8]  }
0x2b: {  	s19 =	rddreg [dreg:$0x7];
	(v2sf) =	vpush v0, $0x8  }
0x2c: {  	s20 =	rddreg [dreg:$0x6];
	s21 =	spop (v2sf)  }
0x2d: {  	s22 =	rddreg [dreg:$0x5];
	(v2sf) =	vpush v0, $0x9;
	s21 =	sand.u32 $0x1FFFFFF0, s21;
	s23 =	spop (v2sf)  }
0x2e: {  	s21 =	sadd.s32 s5, s21;
	s23 =	sand.u32 $0x1FFFFFF0, s23;
	s24 =	spop (v2sf)  }
0x2f: {  	(v2sf) =	vpush v0, $0xA;
	[tilespmem:s4], [sflag:$0x1] =	stream.linear.gather [hbm4b:s21+s2], $0x80, $0x38;
	[tilespmem:$0x880] =	vst v63  }
0x30: {  	s25 =	sadd.s32 s5, s23;
	s26 =	sand.u32 $0x1FFFFFF0, s24;
	s28 =	spop (v2sf)  }
0x31: {  	(v2sf) =	vpush v0, $0xB;
	[tilespmem:s22], [sflag:$0x1] =	stream.linear.gather [hbm4b:s25+s2], $0x80, $0x38;
	[tilespmem:$0x880] =	vst v63  }
0x32: {  	s29 =	sadd.s32 s5, s26;
	s30 =	sand.u32 $0x1FFFFFF0, s28;
	s31 =	spop (v2sf)  }
0x33: {  	(v2sf) =	vpush v0, $0xC;
	[tilespmem:s20], [sflag:$0x1] =	stream.linear.gather [hbm4b:s29+s2], $0x80, $0x38;
	[tilespmem:$0x880] =	vst v63  }
0x34: {  	s22 =	sadd.s32 s5, s30;
	s23 =	sand.u32 $0x1FFFFFF0, s31;
	s24 =	spop (v2sf)  }
0x35: {  	(v2sf) =	vpush v0, $0xD;
	[tilespmem:s19], [sflag:$0x1] =	stream.linear.gather [hbm4b:s22+s2], $0x80, $0x38;
	[tilespmem:$0x880] =	vst v63  }
0x36: {  	s25 =	sadd.s32 s5, s23;
	s26 =	sand.u32 $0x1FFFFFF0, s24;
	s28 =	spop (v2sf)  }
0x37: {  	(v2sf) =	vpush v0, $0xE;
	[tilespmem:s18], [sflag:$0x1] =	stream.linear.gather [hbm4b:s25+s2], $0x80, $0x38;
	[tilespmem:$0x880] =	vst v63  }
0x38: {  	s29 =	sadd.s32 s5, s26;
	s30 =	sand.u32 $0x1FFFFFF0, s28;
	s31 =	spop (v2sf)  }
0x39: {  	(v2sf) =	vpush v0, $0xF;
	[tilespmem:s17], [sflag:$0x1] =	stream.linear.gather [hbm4b:s29+s2], $0x80, $0x38;
	[tilespmem:$0x880] =	vst v63  }
0x3a: {  	s20 =	sand.u32 $0x1FFFFFF0, s31;
	s21 =	spop (v2sf);
	s19 =	sadd.s32 s5, s30  }
0x3b: {  	[tilespmem:s16], [sflag:$0x1] =	stream.linear.gather [hbm4b:s19+s2], $0x80, $0x38;
	[tilespmem:$0x880] =	vst v63  }
0x3c: {  	s22 =	sadd.s32 s5, s20;
	s23 =	sand.u32 $0x1FFFFFF0, s21;
	s24 =	spop (v2sf)  }
0x3d: {  	[tilespmem:s15], [sflag:$0x1] =	stream.linear.gather [hbm4b:s22+s2], $0x80, $0x38;
	[tilespmem:$0x880] =	vst v63  }
0x3e: {  	s25 =	sadd.s32 s5, s23;
	s26 =	sand.u32 $0x1FFFFFF0, s24;
	s28 =	spop (v2sf)  }
0x3f: {  	[tilespmem:s14], [sflag:$0x1] =	stream.linear.gather [hbm4b:s25+s2], $0x80, $0x38;
	[tilespmem:$0x880] =	vst v63  }
0x40: {  	s29 =	sadd.s32 s5, s26;
	s30 =	sand.u32 $0x1FFFFFF0, s28;
	s31 =	spop (v2sf)  }
0x41: {  	[tilespmem:s13], [sflag:$0x1] =	stream.linear.gather [hbm4b:s29+s2], $0x80, $0x38;
	[tilespmem:$0x880] =	vst v63  }
0x42: {  	s15 =	sand.u32 $0x1FFFFFF0, s31;
	s16 =	spop (v2sf);
	s14 =	sadd.s32 s5, s30  }
0x43: {  	[tilespmem:s12], [sflag:$0x1] =	stream.linear.gather [hbm4b:s14+s2], $0x80, $0x38;
	[tilespmem:$0x880] =	vst v63  }
0x44: {  	s17 =	sadd.s32 s5, s15;
	s18 =	sand.u32 $0x1FFFFFF0, s16;
	s19 =	spop (v2sf)  }
0x45: {  	[tilespmem:s11], [sflag:$0x1] =	stream.linear.gather [hbm4b:s17+s2], $0x80, $0x38;
	[tilespmem:$0x880] =	vst v63  }
0x46: {  	s20 =	sadd.s32 s5, s18;
	s21 =	sand.u32 $0x1FFFFFF0, s19;
	s22 =	spop (v2sf)  }
0x47: {  	[tilespmem:s10], [sflag:$0x1] =	stream.linear.gather [hbm4b:s20+s2], $0x80, $0x38;
	[tilespmem:$0x880] =	vst v63  }
0x48: {  	s23 =	sadd.s32 s5, s21;
	s24 =	sand.u32 $0x1FFFFFF0, s22;
	s25 =	spop (v2sf)  }
0x49: {  	[tilespmem:s9], [sflag:$0x1] =	stream.linear.gather [hbm4b:s23+s2], $0x80, $0x38;
	[tilespmem:$0x880] =	vst v63  }
0x4a: {  	s8 =	rddreg [dreg:$0x12];
	s26 =	sadd.s32 s5, s24;
	s28 =	sand.u32 $0x1FFFFFF0, s25  }
0x4b: {  	[tilespmem:s8], [sflag:$0x1] =	stream.linear.gather [hbm4b:s26+s2], $0x80, $0x38;
	[tilespmem:$0x880] =	vst v63  }
0x4c: {  	s29 =	rddreg [dreg:$0x13];
	s30 =	sadd.s32 s5, s28  }
0x4d: {  	[tilespmem:s29], [sflag:$0x1] =	stream.linear.gather [hbm4b:s30+s2], $0x80, $0x38;
	[tilespmem:$0x880] =	vst v63  }
0x4e: {  	_ =	swait.ge [sflag:s6], $0x80  }
0x4f: {  	[sflag:s6] =	ssyncset.done $0x0  }
0x50: {  	[sflag:s6] =	ssyncadd.s32 $0xFFFFFF80  }
0x51: {  	_ =	swait.ge [sflag:s6], $0x80  }
0x52: {  	[sflag:s6] =	ssyncset.done $0x0  }
0x53: {  	[sflag:s6] =	ssyncadd.s32 $0xFFFFFF80  }
0x54: {  	_ =	swait.ge [sflag:s6], $0x80  }
0x55: {  	[sflag:s6] =	ssyncset.done $0x0  }
0x56: {  	[sflag:s6] =	ssyncadd.s32 $0xFFFFFF80  }
0x57: {  	_ =	swait.ge [sflag:s6], $0x80  }
0x58: {  	[sflag:s6] =	ssyncset.done $0x0  }
0x59: {  	[sflag:s6] =	ssyncadd.s32 $0xFFFFFF80  }
0x5a: {  	_ =	swait.ge [sflag:s6], $0x80  }
0x5b: {  	[sflag:s6] =	ssyncset.done $0x0  }
0x5c: {  	[sflag:s6] =	ssyncadd.s32 $0xFFFFFF80  }
0x5d: {  	_ =	swait.ge [sflag:s6], $0x80  }
0x5e: {  	[sflag:s6] =	ssyncset.done $0x0  }
0x5f: {  	[sflag:s6] =	ssyncadd.s32 $0xFFFFFF80  }
0x60: {  	_ =	swait.ge [sflag:s6], $0x80  }
0x61: {  	[sflag:s6] =	ssyncset.done $0x0  }
0x62: {  	[sflag:s6] =	ssyncadd.s32 $0xFFFFFF80  }
0x63: {  	_ =	swait.ge [sflag:s6], $0x80  }
0x64: {  	[sflag:s6] =	ssyncset.done $0x0  }
0x65: {  	[sflag:s6] =	ssyncadd.s32 $0xFFFFFF80  }
0x66: {  	_ =	swait.ge [sflag:s6], $0x80  }
0x67: {  	[sflag:s6] =	ssyncset.done $0x0  }
0x68: {  	[sflag:s6] =	ssyncadd.s32 $0xFFFFFF80  }
0x69: {  	_ =	swait.ge [sflag:s6], $0x80  }
0x6a: {  	[sflag:s6] =	ssyncset.done $0x0  }
0x6b: {  	[sflag:s6] =	ssyncadd.s32 $0xFFFFFF80  }
0x6c: {  	_ =	swait.ge [sflag:s6], $0x80  }
0x6d: {  	[sflag:s6] =	ssyncset.done $0x0  }
0x6e: {  	[sflag:s6] =	ssyncadd.s32 $0xFFFFFF80  }
0x6f: {  	_ =	swait.ge [sflag:s6], $0x80  }
0x70: {  	[sflag:s6] =	ssyncset.done $0x0  }
0x71: {  	[sflag:s6] =	ssyncadd.s32 $0xFFFFFF80  }
0x72: {  	_ =	swait.ge [sflag:s6], $0x80  }
0x73: {  	[sflag:s6] =	ssyncset.done $0x0  }
0x74: {  	[sflag:s6] =	ssyncadd.s32 $0xFFFFFF80  }
0x75: {  	_ =	swait.ge [sflag:s6], $0x80  }
0x76: {  	[sflag:s6] =	ssyncset.done $0x0  }
0x77: {  	[sflag:s6] =	ssyncadd.s32 $0xFFFFFF80  }
0x78: {  	_ =	swait.ge [sflag:s6], $0x80  }
0x79: {  	[sflag:s6] =	ssyncset.done $0x0  }
0x7a: {  	[sflag:s6] =	ssyncadd.s32 $0xFFFFFF80  }
0x7b: {  	p1 =	sne.s32 s7, $0x1;
	_ =	swait.ge [sflag:s6], $0x80  }
.Ltmp1:
0x7c: {  	[sflag:s6] =	ssyncset.done $0x0;
	(pc) =	sbr.rel @!p1 .LBB2_3-.Ltmp1, $4  }
0x7d: {  	s31 =	rddreg [dreg:$0x4];
	[sflag:s6] =	ssyncadd.s32 $0xFFFFFF80  }
0x7e: {  	[hbm4b:s31+s2] =	stream.linear.scatter [tilespmem:s4], [sflag:$0x2], $0x800, $0x38;
	[tilespmem:$0x880] =	vst v63  }
0x7f: {  	s7 =	sadd.s32 $0xFFFFFFFF, s7;
	_ =	swait.ge [sflag:s3], $0x800  }
0x80: {  	p0 =	por $0x1, $0x1;
	s8 =	rddreg [dreg:$0x3];
	[sflag:s3] =	ssyncset.done $0x0  }
.LBB2_2:
0x81: {  	[sflag:s3] =	ssyncadd.s32 $0xFFFFF800  }
0x82: {  	[tilespmem:s2], [sflag:$0x2] =	stream.linear.gather [hbm4b:s8+s2], $0x10, $0x38;
	[tilespmem:$0x880] =	vst v63  }
0x83: {  	_ =	swait.ge [sflag:s3], $0x10  }
0x84: {  	[sflag:s3] =	ssyncset.done $0x0  }
0x85: {  	[sflag:s3] =	ssyncadd.s32 $0xFFFFFFF0  }
0x86: {  	v0 =	vld [tilespmem:$0x0];
	_ =	sdelay $0x4  }
0x87: {  	v0 =	vshll.u32 v0, $0x4  }
0x88: {  	(v2sf) =	vpush v0, $0x0  }
0x89: {  	(v2sf) =	vpush v0, $0x1  }
0x8a: {  	(v2sf) =	vpush v0, $0x2;
	_ =	sdelay $0x1  }
0x8b: {  	s9 =	rddreg [dreg:$0x11];
	(v2sf) =	vpush v0, $0x3  }
0x8c: {  	s10 =	rddreg [dreg:$0x10]  }
0x8d: {  	s11 =	rddreg [dreg:$0xf];
	(v2sf) =	vpush v0, $0x4  }
0x8e: {  	s12 =	rddreg [dreg:$0xe]  }
0x8f: {  	s13 =	rddreg [dreg:$0xd];
	(v2sf) =	vpush v0, $0x5  }
0x90: {  	s14 =	rddreg [dreg:$0xc]  }
0x91: {  	s15 =	rddreg [dreg:$0xb];
	(v2sf) =	vpush v0, $0x6  }
0x92: {  	s16 =	rddreg [dreg:$0xa]  }
0x93: {  	s17 =	rddreg [dreg:$0x9];
	(v2sf) =	vpush v0, $0x7  }
0x94: {  	s18 =	rddreg [dreg:$0x8]  }
0x95: {  	s19 =	rddreg [dreg:$0x7];
	(v2sf) =	vpush v0, $0x8  }
0x96: {  	s20 =	rddreg [dreg:$0x6];
	s21 =	spop (v2sf)  }
0x97: {  	s22 =	rddreg [dreg:$0x5];
	s21 =	sand.u32 $0x1FFFFFF0, s21;
	s23 =	spop (v2sf);
	(v2sf) =	vpush v0, $0x9  }
0x98: {  	s21 =	sadd.s32 s5, s21;
	s23 =	sand.u32 $0x1FFFFFF0, s23;
	s24 =	spop (v2sf)  }
0x99: {  	(v2sf) =	vpush v0, $0xA;
	[tilespmem:s4], [sflag:$0x1] =	stream.linear.gather [hbm4b:s21+s2], $0x80, $0x38;
	[tilespmem:$0x880] =	vst v63  }
0x9a: {  	s25 =	sadd.s32 s5, s23;
	s26 =	sand.u32 $0x1FFFFFF0, s24;
	s28 =	spop (v2sf)  }
0x9b: {  	(v2sf) =	vpush v0, $0xB;
	[tilespmem:s22], [sflag:$0x1] =	stream.linear.gather [hbm4b:s25+s2], $0x80, $0x38;
	[tilespmem:$0x880] =	vst v63  }
0x9c: {  	s29 =	sadd.s32 s5, s26;
	s30 =	sand.u32 $0x1FFFFFF0, s28;
	s31 =	spop (v2sf)  }
0x9d: {  	(v2sf) =	vpush v0, $0xC;
	[tilespmem:s20], [sflag:$0x1] =	stream.linear.gather [hbm4b:s29+s2], $0x80, $0x38;
	[tilespmem:$0x880] =	vst v63  }
0x9e: {  	s22 =	sadd.s32 s5, s30;
	s23 =	sand.u32 $0x1FFFFFF0, s31;
	s24 =	spop (v2sf)  }
0x9f: {  	(v2sf) =	vpush v0, $0xD;
	[tilespmem:s19], [sflag:$0x1] =	stream.linear.gather [hbm4b:s22+s2], $0x80, $0x38;
	[tilespmem:$0x880] =	vst v63  }
0xa0: {  	s25 =	sadd.s32 s5, s23;
	s26 =	sand.u32 $0x1FFFFFF0, s24;
	s28 =	spop (v2sf)  }
0xa1: {  	(v2sf) =	vpush v0, $0xE;
	[tilespmem:s18], [sflag:$0x1] =	stream.linear.gather [hbm4b:s25+s2], $0x80, $0x38;
	[tilespmem:$0x880] =	vst v63  }
0xa2: {  	s29 =	sadd.s32 s5, s26;
	s30 =	sand.u32 $0x1FFFFFF0, s28;
	s31 =	spop (v2sf)  }
0xa3: {  	(v2sf) =	vpush v0, $0xF;
	[tilespmem:s17], [sflag:$0x1] =	stream.linear.gather [hbm4b:s29+s2], $0x80, $0x38;
	[tilespmem:$0x880] =	vst v63  }
0xa4: {  	s20 =	sand.u32 $0x1FFFFFF0, s31;
	s21 =	spop (v2sf);
	s19 =	sadd.s32 s5, s30  }
0xa5: {  	[tilespmem:s16], [sflag:$0x1] =	stream.linear.gather [hbm4b:s19+s2], $0x80, $0x38;
	[tilespmem:$0x880] =	vst v63  }
0xa6: {  	s22 =	sadd.s32 s5, s20;
	s23 =	sand.u32 $0x1FFFFFF0, s21;
	s24 =	spop (v2sf)  }
0xa7: {  	[tilespmem:s15], [sflag:$0x1] =	stream.linear.gather [hbm4b:s22+s2], $0x80, $0x38;
	[tilespmem:$0x880] =	vst v63  }
0xa8: {  	s25 =	sadd.s32 s5, s23;
	s26 =	sand.u32 $0x1FFFFFF0, s24;
	s28 =	spop (v2sf)  }
0xa9: {  	[tilespmem:s14], [sflag:$0x1] =	stream.linear.gather [hbm4b:s25+s2], $0x80, $0x38;
	[tilespmem:$0x880] =	vst v63  }
0xaa: {  	s29 =	sadd.s32 s5, s26;
	s30 =	sand.u32 $0x1FFFFFF0, s28;
	s31 =	spop (v2sf)  }
0xab: {  	[tilespmem:s13], [sflag:$0x1] =	stream.linear.gather [hbm4b:s29+s2], $0x80, $0x38;
	[tilespmem:$0x880] =	vst v63  }
0xac: {  	s14 =	sadd.s32 s5, s30;
	s15 =	sand.u32 $0x1FFFFFF0, s31;
	s16 =	spop (v2sf)  }
0xad: {  	[tilespmem:s12], [sflag:$0x1] =	stream.linear.gather [hbm4b:s14+s2], $0x80, $0x38;
	[tilespmem:$0x880] =	vst v63  }
0xae: {  	s17 =	sadd.s32 s5, s15;
	s18 =	sand.u32 $0x1FFFFFF0, s16;
	s19 =	spop (v2sf)  }
0xaf: {  	[tilespmem:s11], [sflag:$0x1] =	stream.linear.gather [hbm4b:s17+s2], $0x80, $0x38;
	[tilespmem:$0x880] =	vst v63  }
0xb0: {  	s20 =	sadd.s32 s5, s18;
	s21 =	sand.u32 $0x1FFFFFF0, s19;
	s22 =	spop (v2sf)  }
0xb1: {  	[tilespmem:s10], [sflag:$0x1] =	stream.linear.gather [hbm4b:s20+s2], $0x80, $0x38;
	[tilespmem:$0x880] =	vst v63  }
0xb2: {  	s23 =	sadd.s32 s5, s21;
	s24 =	sand.u32 $0x1FFFFFF0, s22;
	s25 =	spop (v2sf)  }
0xb3: {  	[tilespmem:s9], [sflag:$0x1] =	stream.linear.gather [hbm4b:s23+s2], $0x80, $0x38;
	[tilespmem:$0x880] =	vst v63  }
0xb4: {  	s8 =	rddreg [dreg:$0x12];
	s26 =	sadd.s32 s5, s24;
	s28 =	sand.u32 $0x1FFFFFF0, s25  }
0xb5: {  	[tilespmem:s8], [sflag:$0x1] =	stream.linear.gather [hbm4b:s26+s2], $0x80, $0x38;
	[tilespmem:$0x880] =	vst v63  }
0xb6: {  	s29 =	rddreg [dreg:$0x13];
	s30 =	sadd.s32 s5, s28  }
0xb7: {  	[tilespmem:s29], [sflag:$0x1] =	stream.linear.gather [hbm4b:s30+s2], $0x80, $0x38;
	[tilespmem:$0x880] =	vst v63  }
0xb8: {  	_ =	swait.ge [sflag:s6], $0x80  }
0xb9: {  	[sflag:s6] =	ssyncset.done $0x0  }
0xba: {  	[sflag:s6] =	ssyncadd.s32 $0xFFFFFF80  }
0xbb: {  	_ =	swait.ge [sflag:s6], $0x80  }
0xbc: {  	[sflag:s6] =	ssyncset.done $0x0  }
0xbd: {  	[sflag:s6] =	ssyncadd.s32 $0xFFFFFF80  }
0xbe: {  	_ =	swait.ge [sflag:s6], $0x80  }
0xbf: {  	[sflag:s6] =	ssyncset.done $0x0  }
0xc0: {  	[sflag:s6] =	ssyncadd.s32 $0xFFFFFF80  }
0xc1: {  	_ =	swait.ge [sflag:s6], $0x80  }
0xc2: {  	[sflag:s6] =	ssyncset.done $0x0  }
0xc3: {  	[sflag:s6] =	ssyncadd.s32 $0xFFFFFF80  }
0xc4: {  	_ =	swait.ge [sflag:s6], $0x80  }
0xc5: {  	[sflag:s6] =	ssyncset.done $0x0  }
0xc6: {  	[sflag:s6] =	ssyncadd.s32 $0xFFFFFF80  }
0xc7: {  	_ =	swait.ge [sflag:s6], $0x80  }
0xc8: {  	[sflag:s6] =	ssyncset.done $0x0  }
0xc9: {  	[sflag:s6] =	ssyncadd.s32 $0xFFFFFF80  }
0xca: {  	_ =	swait.ge [sflag:s6], $0x80  }
0xcb: {  	[sflag:s6] =	ssyncset.done $0x0  }
0xcc: {  	[sflag:s6] =	ssyncadd.s32 $0xFFFFFF80  }
0xcd: {  	_ =	swait.ge [sflag:s6], $0x80  }
0xce: {  	[sflag:s6] =	ssyncset.done $0x0  }
0xcf: {  	[sflag:s6] =	ssyncadd.s32 $0xFFFFFF80  }
0xd0: {  	_ =	swait.ge [sflag:s6], $0x80  }
0xd1: {  	[sflag:s6] =	ssyncset.done $0x0  }
0xd2: {  	[sflag:s6] =	ssyncadd.s32 $0xFFFFFF80  }
0xd3: {  	_ =	swait.ge [sflag:s6], $0x80  }
0xd4: {  	[sflag:s6] =	ssyncset.done $0x0  }
0xd5: {  	[sflag:s6] =	ssyncadd.s32 $0xFFFFFF80  }
0xd6: {  	_ =	swait.ge [sflag:s6], $0x80  }
0xd7: {  	[sflag:s6] =	ssyncset.done $0x0  }
0xd8: {  	[sflag:s6] =	ssyncadd.s32 $0xFFFFFF80  }
0xd9: {  	_ =	swait.ge [sflag:s6], $0x80  }
0xda: {  	[sflag:s6] =	ssyncset.done $0x0  }
0xdb: {  	[sflag:s6] =	ssyncadd.s32 $0xFFFFFF80  }
0xdc: {  	_ =	swait.ge [sflag:s6], $0x80  }
0xdd: {  	[sflag:s6] =	ssyncset.done $0x0  }
0xde: {  	[sflag:s6] =	ssyncadd.s32 $0xFFFFFF80  }
0xdf: {  	_ =	swait.ge [sflag:s6], $0x80  }
0xe0: {  	[sflag:s6] =	ssyncset.done $0x0  }
0xe1: {  	[sflag:s6] =	ssyncadd.s32 $0xFFFFFF80  }
0xe2: {  	_ =	swait.ge [sflag:s6], $0x80  }
0xe3: {  	[sflag:s6] =	ssyncset.done $0x0  }
0xe4: {  	[sflag:s6] =	ssyncadd.s32 $0xFFFFFF80  }
0xe5: {  	p1 =	sne.s32 s7, $0x1;
	_ =	swait.ge [sflag:s6], $0x80  }
.Ltmp2:
0xe6: {  	[sflag:s6] =	ssyncset.done $0x0;
	(pc) =	sbr.rel @p1 .LBB2_2-.Ltmp2, $4  }
0xe7: {  	s31 =	rddreg [dreg:$0x4];
	[sflag:s6] =	ssyncadd.s32 $0xFFFFFF80  }
0xe8: {  	[hbm4b:s31+s2] =	stream.linear.scatter [tilespmem:s4], [sflag:$0x2], $0x800, $0x38;
	[tilespmem:$0x880] =	vst v63  }
0xe9: {  	_ =	swait.ge [sflag:s3], $0x800  }
0xea: {  	s7 =	sadd.s32 $0xFFFFFFFF, s7;
	s8 =	rddreg [dreg:$0x3];
	[sflag:s3] =	ssyncset.done $0x0  }
.LBB2_3:
0xeb: {  	[sflag:s3] =	ssyncadd.s32 @p0 $0xFFFFF800  }
0xec: {  	[tilespmem:s2], [sflag:$0x2] =	stream.linear.gather [hbm4b:s8+s2], $0x10, $0x38;
	[tilespmem:$0x880] =	vst v63  }
0xed: {  	_ =	swait.ge [sflag:s3], $0x10  }
0xee: {  	[sflag:s3] =	ssyncset.done $0x0  }
0xef: {  	[sflag:s3] =	ssyncadd.s32 $0xFFFFFFF0  }
0xf0: {  	v0 =	vld [tilespmem:$0x0];
	_ =	sdelay $0x4  }
0xf1: {  	v0 =	vshll.u32 v0, $0x4  }
0xf2: {  	(v2sf) =	vpush v0, $0x0  }
0xf3: {  	(v2sf) =	vpush v0, $0x1  }
0xf4: {  	(v2sf) =	vpush v0, $0x2;
	_ =	sdelay $0x1  }
0xf5: {  	s8 =	rddreg [dreg:$0x11];
	(v2sf) =	vpush v0, $0x3  }
0xf6: {  	s9 =	rddreg [dreg:$0x10]  }
0xf7: {  	s10 =	rddreg [dreg:$0xf];
	(v2sf) =	vpush v0, $0x4  }
0xf8: {  	s11 =	rddreg [dreg:$0xe]  }
0xf9: {  	s12 =	rddreg [dreg:$0xd];
	(v2sf) =	vpush v0, $0x5  }
0xfa: {  	s13 =	rddreg [dreg:$0xc]  }
0xfb: {  	s14 =	rddreg [dreg:$0xb];
	(v2sf) =	vpush v0, $0x6  }
0xfc: {  	s15 =	rddreg [dreg:$0xa]  }
0xfd: {  	s16 =	rddreg [dreg:$0x9];
	(v2sf) =	vpush v0, $0x7  }
0xfe: {  	s17 =	rddreg [dreg:$0x8]  }
0xff: {  	s18 =	rddreg [dreg:$0x7];
	(v2sf) =	vpush v0, $0x8  }
0x100: {  	s19 =	rddreg [dreg:$0x6];
	s20 =	spop (v2sf)  }
0x101: {  	s21 =	rddreg [dreg:$0x5];
	(v2sf) =	vpush v0, $0x9;
	s20 =	sand.u32 $0x1FFFFFF0, s20;
	s22 =	spop (v2sf)  }
0x102: {  	s20 =	sadd.s32 s5, s20;
	s22 =	sand.u32 $0x1FFFFFF0, s22;
	s23 =	spop (v2sf)  }
0x103: {  	(v2sf) =	vpush v0, $0xA;
	[tilespmem:s4], [sflag:$0x1] =	stream.linear.gather [hbm4b:s20+s2], $0x80, $0x38;
	[tilespmem:$0x880] =	vst v63  }
0x104: {  	s25 =	sadd.s32 s5, s22;
	s26 =	sand.u32 $0x1FFFFFF0, s23;
	s28 =	spop (v2sf)  }
0x105: {  	(v2sf) =	vpush v0, $0xB;
	[tilespmem:s21], [sflag:$0x1] =	stream.linear.gather [hbm4b:s25+s2], $0x80, $0x38;
	[tilespmem:$0x880] =	vst v63  }
0x106: {  	s29 =	sadd.s32 s5, s26;
	s30 =	sand.u32 $0x1FFFFFF0, s28;
	s31 =	spop (v2sf)  }
0x107: {  	(v2sf) =	vpush v0, $0xC;
	[tilespmem:s19], [sflag:$0x1] =	stream.linear.gather [hbm4b:s29+s2], $0x80, $0x38;
	[tilespmem:$0x880] =	vst v63  }
0x108: {  	s21 =	sadd.s32 s5, s30;
	s23 =	sand.u32 $0x1FFFFFF0, s31;
	s24 =	spop (v2sf)  }
0x109: {  	(v2sf) =	vpush v0, $0xD;
	[tilespmem:s18], [sflag:$0x1] =	stream.linear.gather [hbm4b:s21+s2], $0x80, $0x38;
	[tilespmem:$0x880] =	vst v63  }
0x10a: {  	s25 =	sadd.s32 s5, s23;
	s26 =	sand.u32 $0x1FFFFFF0, s24;
	s28 =	spop (v2sf)  }
0x10b: {  	(v2sf) =	vpush v0, $0xE;
	[tilespmem:s17], [sflag:$0x1] =	stream.linear.gather [hbm4b:s25+s2], $0x80, $0x38;
	[tilespmem:$0x880] =	vst v63  }
0x10c: {  	s29 =	sadd.s32 s5, s26;
	s30 =	sand.u32 $0x1FFFFFF0, s28;
	s31 =	spop (v2sf)  }
0x10d: {  	(v2sf) =	vpush v0, $0xF;
	[tilespmem:s16], [sflag:$0x1] =	stream.linear.gather [hbm4b:s29+s2], $0x80, $0x38;
	[tilespmem:$0x880] =	vst v63  }
0x10e: {  	s20 =	sand.u32 $0x1FFFFFF0, s31;
	s18 =	sadd.s32 s5, s30;
	s21 =	spop (v2sf)  }
0x10f: {  	[tilespmem:s15], [sflag:$0x1] =	stream.linear.gather [hbm4b:s18+s2], $0x80, $0x38;
	[tilespmem:$0x880] =	vst v63  }
0x110: {  	s22 =	sadd.s32 s5, s20;
	s23 =	sand.u32 $0x1FFFFFF0, s21;
	s24 =	spop (v2sf)  }
0x111: {  	[tilespmem:s14], [sflag:$0x1] =	stream.linear.gather [hbm4b:s22+s2], $0x80, $0x38;
	[tilespmem:$0x880] =	vst v63  }
0x112: {  	s25 =	sadd.s32 s5, s23;
	s26 =	sand.u32 $0x1FFFFFF0, s24;
	s28 =	spop (v2sf)  }
0x113: {  	[tilespmem:s13], [sflag:$0x1] =	stream.linear.gather [hbm4b:s25+s2], $0x80, $0x38;
	[tilespmem:$0x880] =	vst v63  }
0x114: {  	s29 =	sadd.s32 s5, s26;
	s30 =	sand.u32 $0x1FFFFFF0, s28;
	s31 =	spop (v2sf)  }
0x115: {  	[tilespmem:s12], [sflag:$0x1] =	stream.linear.gather [hbm4b:s29+s2], $0x80, $0x38;
	[tilespmem:$0x880] =	vst v63  }
0x116: {  	s14 =	sadd.s32 s5, s30;
	s15 =	sand.u32 $0x1FFFFFF0, s31;
	s16 =	spop (v2sf)  }
0x117: {  	[tilespmem:s11], [sflag:$0x1] =	stream.linear.gather [hbm4b:s14+s2], $0x80, $0x38;
	[tilespmem:$0x880] =	vst v63  }
0x118: {  	s17 =	sadd.s32 s5, s15;
	s18 =	sand.u32 $0x1FFFFFF0, s16;
	s19 =	spop (v2sf)  }
0x119: {  	[tilespmem:s10], [sflag:$0x1] =	stream.linear.gather [hbm4b:s17+s2], $0x80, $0x38;
	[tilespmem:$0x880] =	vst v63  }
0x11a: {  	s20 =	sadd.s32 s5, s18;
	s21 =	sand.u32 $0x1FFFFFF0, s19;
	s22 =	spop (v2sf)  }
0x11b: {  	[tilespmem:s9], [sflag:$0x1] =	stream.linear.gather [hbm4b:s20+s2], $0x80, $0x38;
	[tilespmem:$0x880] =	vst v63  }
0x11c: {  	s23 =	sadd.s32 s5, s21;
	s24 =	sand.u32 $0x1FFFFFF0, s22;
	s25 =	spop (v2sf)  }
0x11d: {  	[tilespmem:s8], [sflag:$0x1] =	stream.linear.gather [hbm4b:s23+s2], $0x80, $0x38;
	[tilespmem:$0x880] =	vst v63  }
0x11e: {  	s7 =	rddreg [dreg:$0x12];
	s26 =	sadd.s32 s5, s24;
	s28 =	sand.u32 $0x1FFFFFF0, s25  }
0x11f: {  	[tilespmem:s7], [sflag:$0x1] =	stream.linear.gather [hbm4b:s26+s2], $0x80, $0x38;
	[tilespmem:$0x880] =	vst v63  }
0x120: {  	s29 =	rddreg [dreg:$0x13];
	s30 =	sadd.s32 s5, s28  }
0x121: {  	[tilespmem:s29], [sflag:$0x1] =	stream.linear.gather [hbm4b:s30+s2], $0x80, $0x38;
	[tilespmem:$0x880] =	vst v63  }
0x122: {  	_ =	swait.ge [sflag:s6], $0x80  }
0x123: {  	[sflag:s6] =	ssyncset.done $0x0  }
0x124: {  	[sflag:s6] =	ssyncadd.s32 $0xFFFFFF80  }
0x125: {  	_ =	swait.ge [sflag:s6], $0x80  }
0x126: {  	[sflag:s6] =	ssyncset.done $0x0  }
0x127: {  	[sflag:s6] =	ssyncadd.s32 $0xFFFFFF80  }
0x128: {  	_ =	swait.ge [sflag:s6], $0x80  }
0x129: {  	[sflag:s6] =	ssyncset.done $0x0  }
0x12a: {  	[sflag:s6] =	ssyncadd.s32 $0xFFFFFF80  }
0x12b: {  	_ =	swait.ge [sflag:s6], $0x80  }
0x12c: {  	[sflag:s6] =	ssyncset.done $0x0  }
0x12d: {  	[sflag:s6] =	ssyncadd.s32 $0xFFFFFF80  }
0x12e: {  	_ =	swait.ge [sflag:s6], $0x80  }
0x12f: {  	[sflag:s6] =	ssyncset.done $0x0  }
0x130: {  	[sflag:s6] =	ssyncadd.s32 $0xFFFFFF80  }
0x131: {  	_ =	swait.ge [sflag:s6], $0x80  }
0x132: {  	[sflag:s6] =	ssyncset.done $0x0  }
0x133: {  	[sflag:s6] =	ssyncadd.s32 $0xFFFFFF80  }
0x134: {  	_ =	swait.ge [sflag:s6], $0x80  }
0x135: {  	[sflag:s6] =	ssyncset.done $0x0  }
0x136: {  	[sflag:s6] =	ssyncadd.s32 $0xFFFFFF80  }
0x137: {  	_ =	swait.ge [sflag:s6], $0x80  }
0x138: {  	[sflag:s6] =	ssyncset.done $0x0  }
0x139: {  	[sflag:s6] =	ssyncadd.s32 $0xFFFFFF80  }
0x13a: {  	_ =	swait.ge [sflag:s6], $0x80  }
0x13b: {  	[sflag:s6] =	ssyncset.done $0x0  }
0x13c: {  	[sflag:s6] =	ssyncadd.s32 $0xFFFFFF80  }
0x13d: {  	_ =	swait.ge [sflag:s6], $0x80  }
0x13e: {  	[sflag:s6] =	ssyncset.done $0x0  }
0x13f: {  	[sflag:s6] =	ssyncadd.s32 $0xFFFFFF80  }
0x140: {  	_ =	swait.ge [sflag:s6], $0x80  }
0x141: {  	[sflag:s6] =	ssyncset.done $0x0  }
0x142: {  	[sflag:s6] =	ssyncadd.s32 $0xFFFFFF80  }
0x143: {  	_ =	swait.ge [sflag:s6], $0x80  }
0x144: {  	[sflag:s6] =	ssyncset.done $0x0  }
0x145: {  	[sflag:s6] =	ssyncadd.s32 $0xFFFFFF80  }
0x146: {  	_ =	swait.ge [sflag:s6], $0x80  }
0x147: {  	[sflag:s6] =	ssyncset.done $0x0  }
0x148: {  	[sflag:s6] =	ssyncadd.s32 $0xFFFFFF80  }
0x149: {  	_ =	swait.ge [sflag:s6], $0x80  }
0x14a: {  	[sflag:s6] =	ssyncset.done $0x0  }
0x14b: {  	[sflag:s6] =	ssyncadd.s32 $0xFFFFFF80  }
0x14c: {  	_ =	swait.ge [sflag:s6], $0x80  }
0x14d: {  	[sflag:s6] =	ssyncset.done $0x0  }
0x14e: {  	[sflag:s6] =	ssyncadd.s32 $0xFFFFFF80  }
0x14f: {  	_ =	swait.ge [sflag:s6], $0x80  }
0x150: {  	[sflag:s6] =	ssyncset.done $0x0  }
0x151: {  	s31 =	rddreg [dreg:$0x4];
	[sflag:s6] =	ssyncadd.s32 $0xFFFFFF80  }
0x152: {  	[hbm4b:s31+s2] =	stream.linear.scatter [tilespmem:s4], [sflag:$0x2], $0x800, $0x38;
	[tilespmem:$0x880] =	vst v63  }
0x153: {  	_ =	swait.ge [sflag:s3], $0x800  }
0x154: {  	[sflag:s3] =	ssyncset.done $0x0  }
0x155: {  	[sflag:s3] =	ssyncadd.s32 $0xFFFFF800  }
0x156: {  	_ =	sfence.sel $0x180000  }
0x157: {  	[bflag:$0x0] =	sbarrier.arrive $0xFFFF  }
0x158: {  	p0 =	sne.s32 s0, $0x0;
	_ =	strace $0x90000047  }
0x159: {  	s0 =	sadd.s32 @!p0 $0x100000, s1;
	[bflag:$0x2] =	sbarrier.arrive $0xFFFF  }
0x15a: {  	[sflag:s0] =	ssyncadd.tile.s32 @!p0 $0x1;
	_ =	shalt  }
.Lfunc_end2:
_tile_overlayer_lowered:
.L_overlay_start_2:
0x15b: {  	(tag) =	ssettag $0x2  }
0x15c: {  	s0 =	rddreg [dreg:$0x0];
	s2 =	stileid.u32  }
0x15d: {  	s1 =	rddreg [dreg:$0x1];
	p0 =	sne.s32 s2, $0x0  }
0x15e: {  	s3 =	rddreg [dreg:$0x2];
	[bflag:$0x3] =	sbarrier.arrive $0xFFFF;
	s2 =	simm.s32 @!p0 $0x1C02  }
0x15f: {  	[timem:s3], [sflag:s2] =	dma.local @!p0 [hbm:s0], s1  }
0x160: {  	s0 =	simm.s32 @!p0 $0x2  }
0x161: {  	_ =	swait.ge @!p0 [sflag:s0], s1  }
0x162: {  	s1 =	ssub.s32 @!p0 $0x0, s1;
	[sflag:s0] =	ssyncset.done @!p0 $0x0  }
0x163: {  	[sflag:s0] =	ssyncadd.s32 @!p0 s1  }
0x164: {  	[bflag:$0x3] =	sbarrier.arrive $0xFFFF  }
0x165: {  	_ =	shalt  }

</sc_bundles>
